<compile_context>
chip_gen: v7x
topology: tpu7x:2x2x1
jax: 0.10.2.dev20260603
libtpu: 0.0.44.dev20260713+nightly
codegen_flags: <defaults>
</compile_context>

<pallas_src>
import functools

import jax
import jax.numpy as jnp
from jax import lax
from jax.experimental import pallas as pl
from jax.experimental.pallas import tpu as pltpu
from jax.experimental.pallas import tpu_sc as plsc

_L = 16
_NW = 32
_TC = 128
_RING = 256


def _scatter_nd_sc(data_t, indices, upd2, rem_pad):
  d, n_rows = data_t.shape
  b = indices.shape[0]
  assert d % _L == 0 and b % _L == 0
  n_full = n_rows // _TC
  rem = n_rows - n_full * _TC
  tiles_w = -(-(n_full + (1 if rem else 0)) // _NW)
  r_per_w = tiles_w * _TC
  n_vregs = b // _L
  sel_cap = b + 8 * _L
  mesh = plsc.VectorSubcoreMesh(core_axis_name="c", subcore_axis_name="s")

  out_types = (
      jax.ShapeDtypeStruct((d, n_rows), jnp.float32),
      jax.ShapeDtypeStruct((rem, _TC), jnp.float32),
  )

  @functools.partial(
      pl.kernel,
      out_type=out_types,
      mesh=mesh,
      compiler_params=pltpu.CompilerParams(
          use_tc_tiling_on_sc=True, needs_layout_passes=False
      ),
      scratch_types=dict(
          idx_blk=pltpu.VMEM((2048,), jnp.int32),
          sel_d=pltpu.VMEM((sel_cap,), jnp.int32),
          sel_p=pltpu.VMEM((sel_cap,), jnp.int32),
          win=pltpu.VMEM((r_per_w,), jnp.int32),
          colpos=pltpu.VMEM((r_per_w,), jnp.int32),
          ccol=pltpu.VMEM((_TC,), jnp.int32),
          bufs=pltpu.VMEM((3, d, _TC), jnp.float32),
          urows=pltpu.VMEM((_RING, _TC), jnp.float32),
          remv=pltpu.VMEM((rem, _TC), jnp.float32),
          isem=pltpu.SemaphoreType.DMA((3,)),
          osem=pltpu.SemaphoreType.DMA((3,)),
          gsem=pltpu.SemaphoreType.DMA((2,)),
      ),
  )
  def scatter_kernel(dataT, idx_hbm, updp, rem_pad, outT, out_rem, *,
                     idx_blk, sel_d, sel_p, win, colpos, ccol, bufs, urows,
                     remv, isem, osem, gsem):
    wid = lax.axis_index("s") * 2 + lax.axis_index("c")
    lo = wid * r_per_w
    lanes = lax.iota(jnp.int32, _L)
    zeros = jnp.zeros((_L,), jnp.int32)
    lo_v = jnp.broadcast_to(lo, (_L,))
    hi_v = jnp.broadcast_to(jnp.minimum(lo + r_per_w, n_rows), (_L,))

    nt = jnp.minimum(jnp.int32(tiles_w), jnp.int32(n_full) - wid * tiles_w)

    @pl.when(nt > 0)
    def _pre0():
      pltpu.async_copy(dataT.at[:, pl.ds(lo, _TC)], bufs.at[0], isem.at[0])

    @pl.when(nt > 1)
    def _pre1():
      pltpu.async_copy(dataT.at[:, pl.ds(lo + _TC, _TC)], bufs.at[1],
                       isem.at[1])

    blk_elems = 2048
    assert b % blk_elems == 0

    def blk_body(b0, n):
      pltpu.sync_copy(idx_hbm.at[pl.ds(b0 * blk_elems, blk_elems)], idx_blk)

      def select_body(i, n):
        v = idx_blk[pl.ds(i * _L, _L)]
        m = (v >= lo_v) & (v < hi_v)
        cum = plsc.cumsum(m.astype(jnp.int32))
        off = jnp.broadcast_to(n, (_L,)) + cum - 1
        plsc.store_scatter(sel_d, [off], v, mask=m)
        plsc.store_scatter(sel_p, [off], b0 * blk_elems + i * _L + lanes,
                           mask=m)
        return n + jnp.max(cum)

      return lax.fori_loop(0, blk_elems // _L, select_body, n)

    n = lax.fori_loop(0, b // blk_elems, blk_body, jnp.int32(0))
    n_v = jnp.broadcast_to(n, (_L,))
    n_ch = (n + _L - 1) // _L

    def winner_body(j, _):
      base = j * _L
      k = base + lanes
      dv = sel_d[pl.ds(base, _L)]
      keep = k < n_v
      for s in range(1, _L):
        sh = sel_d[pl.ds(base + s, _L)]
        keep = keep & ~((sh == dv) & (k + s < n_v))
      plsc.store_scatter(win, [dv - lo_v], k, mask=keep)
      return 0

    lax.fori_loop(0, n_ch, winner_body, 0)

    def clear_body(j, _):
      colpos[pl.ds(j * _L, _L)] = zeros
      return 0

    lax.fori_loop(0, r_per_w // _L, clear_body, 0)

    def keep_body(j, _):
      base = j * _L
      k = base + lanes
      valid = k < n_v
      dv = sel_d[pl.ds(base, _L)]
      pv = sel_p[pl.ds(base, _L)]
      w = plsc.load_gather(win, [dv - lo_v], mask=valid)
      keep = valid & (w == k)
      plsc.store_scatter(colpos, [dv - lo_v], pv + 1, mask=keep)
      return 0

    lax.fori_loop(0, n_ch, keep_body, 0)

    def wl_body(j, wcount):
      cp = colpos[pl.ds(j * _L, _L)]
      m = cp > zeros
      cum = plsc.cumsum(m.astype(jnp.int32))
      off = jnp.broadcast_to(wcount, (_L,)) + cum - 1
      p = cp - 1
      plsc.store_scatter(sel_d, [off], p >> 1, mask=m)
      plsc.store_scatter(sel_p, [off], (p & 1) * d, mask=m)
      return wcount + jnp.max(cum)

    kc_total = lax.fori_loop(0, r_per_w // _L, wl_body, jnp.int32(0))
    for t in range(_TC // _L):
      sel_d[pl.ds(kc_total + t * _L, _L)] = zeros
    total_blocks = (kc_total + _TC - 1) // _TC

    def prep_chunk(lb, n_j):
      kc = jnp.int32(0)
      for j in range(n_j):
        cp = colpos[pl.ds(lb + j * _L, _L)]
        m = cp > zeros
        cum = plsc.cumsum(m.astype(jnp.int32))
        off = jnp.broadcast_to(kc, (_L,)) + cum - 1
        plsc.store_scatter(ccol, [off], j * _L + lanes, mask=m)
        kc = kc + jnp.max(cum)
      return kc

    def gather_block(blk):
      return pltpu.async_copy(
          updp.at[sel_d.at[pl.ds(blk * _TC, _TC)]],
          urows.at[pl.ds((blk & 1) * _TC, _TC)], gsem.at[blk & 1])

    def gather_wait(blk):
      pltpu.make_async_copy(
          updp.at[sel_d.at[pl.ds(blk * _TC, _TC)]],
          urows.at[pl.ds((blk & 1) * _TC, _TC)], gsem.at[blk & 1]).wait()

    def fire_blocks(gf, want):
      def f_body(j, _):
        gather_block(gf + j)
        return 0

      lax.fori_loop(0, jnp.maximum(want - gf, 0), f_body, 0)
      return jnp.maximum(gf, want)

    def drain_blocks(gd, nb):
      def w_body(j, _):
        gather_wait(gd + j)
        return 0

      lax.fori_loop(0, jnp.maximum(nb - gd, 0), w_body, 0)
      return jnp.maximum(gd, nb)

    def merge(buf, kc, ws):
      wsv = jnp.broadcast_to(ws, (_L,))

      def m_body(i, _):
        iv = jnp.broadcast_to(i, (_L,))
        cl = plsc.load_gather(ccol, [iv])
        wr = (wsv + iv) & (_RING - 1)
        co = plsc.load_gather(sel_p, [wsv + iv])
        for t in range(d // _L):
          vals = plsc.load_gather(urows, [wr, co + t * _L + lanes])
          plsc.store_scatter(buf, [t * _L + lanes, cl], vals)
        return 0

      lax.fori_loop(0, kc, m_body, 0)

    def in_copy(g, s):
      return pltpu.async_copy(
          dataT.at[:, pl.ds(lo + g * _TC, _TC)], bufs.at[s], isem.at[s])

    def in_wait(g, s):
      pltpu.make_async_copy(
          dataT.at[:, pl.ds(lo + g * _TC, _TC)], bufs.at[s], isem.at[s]).wait()

    def out_copy(g, s):
      return pltpu.async_copy(
          bufs.at[s], outT.at[:, pl.ds(lo + g * _TC, _TC)], osem.at[s])

    def out_wait(g, s):
      pltpu.make_async_copy(
          bufs.at[s], outT.at[:, pl.ds(lo + g * _TC, _TC)], osem.at[s]).wait()

    gf0 = fire_blocks(jnp.int32(0), jnp.minimum(jnp.int32(2), total_blocks))

    def tile_body(g, carry):
      ws, gf, gd, s = carry

      kc = prep_chunk(g * _TC, _TC // _L)
      want = jnp.minimum(ws // _TC + 2, total_blocks)
      gf = fire_blocks(gf, want)
      nb = jnp.minimum((ws + kc + _TC - 1) // _TC, total_blocks)
      in_wait(g, s)
      gd = drain_blocks(gd, nb)
      merge(bufs.at[s], kc, ws)
      out_copy(g, s)

      s2 = jnp.where(s >= 1, s - 1, s + 2)

      @pl.when(g + 2 < nt)
      def _prefetch():
        @pl.when(g >= 1)
        def _drain_out():
          out_wait(g - 1, s2)

        in_copy(g + 2, s2)

      s_next = jnp.where(s == 2, 0, s + 1)
      return (ws + kc, gf, gd, s_next)

    ws, gf, gd, _s = lax.fori_loop(
        0, nt, tile_body,
        (jnp.int32(0), gf0, jnp.int32(0), jnp.int32(0)))

    @pl.when(nt >= 1)
    def _drain1():
      out_wait(0, (nt - 1) % 3)

    @pl.when(nt >= 2)
    def _drain2():
      out_wait(0, (nt - 2) % 3)

    @pl.when(nt >= 3)
    def _drain3():
      out_wait(0, (nt - 3) % 3)

    if rem:
      @pl.when(wid == _NW - 1)
      def _partial():
        col0 = n_full * _TC
        lb = col0 - lo
        fire_blocks(gf, total_blocks)
        drain_blocks(gd, total_blocks)
        kc = prep_chunk(lb, rem // _L)
        pltpu.sync_copy(rem_pad, remv)

        def rm_body(i, _):
          iv = jnp.broadcast_to(i, (_L,))
          cl = plsc.load_gather(ccol, [iv])
          wr = (jnp.broadcast_to(ws, (_L,)) + iv) & (_RING - 1)
          co = plsc.load_gather(sel_p, [jnp.broadcast_to(ws, (_L,)) + iv])
          for t in range(d // _L):
            vals = plsc.load_gather(urows, [wr, co + t * _L + lanes])
            plsc.store_scatter(remv, [cl, t * _L + lanes], vals)
          return 0

        lax.fori_loop(0, kc, rm_body, 0)
        pltpu.sync_copy(remv, out_rem)

      @pl.when(wid != _NW - 1)
      def _cleanup():
        drain_blocks(gd, gf)
    else:
      drain_blocks(gd, gf)

  return scatter_kernel(data_t, indices, upd2, rem_pad)


def kernel(data, indices, updates):
  b, d = updates.shape
  n_rows = data.shape[0]
  n_full = n_rows // _TC
  idx_flat = indices.reshape((b,))
  upd2 = updates.reshape((b // 2, 2 * d))
  rem_pad = jnp.pad(data[n_full * _TC:, :], ((0, 0), (0, _TC - d)))
  out_t, out_rem = _scatter_nd_sc(
      jnp.swapaxes(data, 0, 1), idx_flat, upd2, rem_pad)
  out = jnp.swapaxes(out_t, 0, 1)
  return lax.dynamic_update_slice(out, out_rem[:, :d], (n_full * _TC, 0))

# --- scband reference (transcript-rebuilt; emitter-appended) ---
"""Pipeline reference for scband-onnx-scatter-nd-13950053778326 (READ-ONLY COPY).

The authoritative reference and input builder live on the scoring server;
editing this copy changes nothing except your own understanding.
"""

import jax, jax.numpy as jnp
import numpy as np


def setup_inputs(seed: int = 0) -> dict:
    key = jax.random.key(seed)
    k1, k2, k3 = jax.random.split(key, 3)
    data = jax.random.normal(k1, (500000, 64), dtype=jnp.float32)
    indices = jax.random.randint(k2, (16384, 1), 0, 500000)
    updates = jax.random.normal(k3, (16384, 64), dtype=jnp.float32)
    return {"data": data, "indices": indices, "updates": updates}


def reference(data, indices, updates):
    # ONNX ScatterND with reduction='none': scatter-overwrite.
    # indices has shape [..., k]; here k == indices.shape[-1] == 1, so we index axis 0.
    ind_last = indices.shape[-1]
    flat_idx = indices.reshape((-1, ind_last))  # [B, 1]
    ind_dim = indices.ndim
    flat_updates = updates.reshape((-1,) + updates.shape[ind_dim - 1:])  # [B, 64]
    output = data.at[flat_idx[:, 0]].set(flat_updates)
    return output

if __name__ == "__main__":
    import jax
    _d = setup_inputs()
    print(jax.jit(kernel)(*tuple(_d.values())))

</pallas_src>

<mosaic_0001>
#map = affine_map<(d0, d1) -> (0, 0)>
#map1 = affine_map<(d0, d1) -> (0)>
module attributes {stable_mosaic.version = 14 : i64} {
  func.func @scatter_kernel(%arg0: i32, %arg1: i32, %arg2: memref<64x500000xf32, #tpu.memory_space<hbm>>, %arg3: memref<16384xi32, #tpu.memory_space<hbm>>, %arg4: memref<8192x128xf32, #tpu.memory_space<hbm>>, %arg5: memref<32x128xf32, #tpu.memory_space<hbm>>, %arg6: memref<64x500000xf32, #tpu.memory_space<hbm>>, %arg7: memref<32x128xf32, #tpu.memory_space<hbm>>, %arg8: memref<3x64x128xf32, #tpu.memory_space<vmem>>, %arg9: memref<128xi32, #tpu.memory_space<vmem>>, %arg10: memref<15744xi32, #tpu.memory_space<vmem>>, %arg11: memref<2x!tpu.dma_semaphore, #tpu.memory_space<semaphore_mem>>, %arg12: memref<2048xi32, #tpu.memory_space<vmem>>, %arg13: memref<3x!tpu.dma_semaphore, #tpu.memory_space<semaphore_mem>>, %arg14: memref<3x!tpu.dma_semaphore, #tpu.memory_space<semaphore_mem>>, %arg15: memref<32x128xf32, #tpu.memory_space<vmem>>, %arg16: memref<16512xi32, #tpu.memory_space<vmem>>, %arg17: memref<16512xi32, #tpu.memory_space<vmem>>, %arg18: memref<256x128xf32, #tpu.memory_space<vmem>>, %arg19: memref<15744xi32, #tpu.memory_space<vmem>>) attributes {dimension_semantics = [#tpu.dimension_semantics<core_parallel>, #tpu.dimension_semantics<subcore_parallel>], iteration_bounds = array<i64: 2, 16>, scalar_prefetch = 0 : i64, scratch_operands = 12 : i64, tpu.core_type = #tpu.core_type<sc_vector_subcore>, window_params = [{transform_indices = #map}, {transform_indices = #map1}, {transform_indices = #map}, {transform_indices = #map}, {transform_indices = #map}, {transform_indices = #map}]} {
    %mul3A = arith.constant 2 : i32
    %mul3A_0 = arith.muli %arg1, %mul3A : i32
    %add3A = arith.addi %mul3A_0, %arg0 : i32
    %mul3A_1 = arith.constant 15744 : i32
    %mul3A_2 = arith.muli %add3A, %mul3A_1 : i32
    %iota3A = tpu.iota {dimensions = array<i32: 0>} : vector<16xi32>
    %broadcast_in_dim3A = arith.constant 0 : i32
    %broadcast_in_dim3A_3 = vector.broadcast %broadcast_in_dim3A : i32 to vector<16xi32>
    %broadcast_in_dim3A_4 = vector.broadcast %mul3A_2 : i32 to vector<16xi32>
    %add3A_5 = arith.constant 15744 : i32
    %add3A_6 = arith.addi %mul3A_2, %add3A_5 : i32
    %min3A = arith.constant 500000 : i32
    %min3A_7 = arith.minsi %add3A_6, %min3A : i32
    %broadcast_in_dim3A_8 = vector.broadcast %min3A_7 : i32 to vector<16xi32>
    %mul3A_9 = arith.constant 123 : i32
    %mul3A_10 = arith.muli %add3A, %mul3A_9 : i32
    %sub3A = arith.constant 3906 : i32
    %sub3A_11 = arith.subi %sub3A, %mul3A_10 : i32
    %min3A_12 = arith.constant 123 : i32
    %min3A_13 = arith.minsi %min3A_12, %sub3A_11 : i32
    %gt3A = arith.constant 0 : i32
    %gt3A_14 = arith.cmpi sgt, %min3A_13, %gt3A : i32
    %convert_element_type3A = arith.extui %gt3A_14 : i1 to i32
    %cond3A = arith.constant 0 : i32
    %cond3A_15 = arith.cmpi ne, %convert_element_type3A, %cond3A : i32
    scf.if %cond3A_15 {
      %dma_start3A = arith.constant 0 : i32
      %dma_start3A_202 = arith.constant 0 : i32
      %dma_start3A_203 = arith.constant 0 : i32
      %dma_start3A_204 = arith.constant 0 : i32
      %dma_start3A_205 = tpu.memref_slice %arg8[%dma_start3A, %dma_start3A_203, %dma_start3A_204] : memref<3x64x128xf32, #tpu.memory_space<vmem>> -> memref<1x64x128xf32, #tpu.memory_space<vmem>>
      %dma_start3A_206 = tpu.memref_squeeze %dma_start3A_205 : memref<1x64x128xf32, #tpu.memory_space<vmem>> -> memref<64x128xf32, #tpu.memory_space<vmem>>
      %dma_start3A_207 = arith.constant 0 : i32
      %dma_start3A_208 = tpu.memref_slice %arg2[%dma_start3A_207, %mul3A_2] : memref<64x500000xf32, #tpu.memory_space<hbm>> -> memref<64x128xf32, #tpu.memory_space<hbm>>
      %dma_start3A_209 = tpu.memref_slice %arg13[%dma_start3A_202] : memref<3x!tpu.dma_semaphore, #tpu.memory_space<semaphore_mem>> -> memref<1x!tpu.dma_semaphore, #tpu.memory_space<semaphore_mem>>
      %dma_start3A_210 = tpu.memref_squeeze %dma_start3A_209 : memref<1x!tpu.dma_semaphore, #tpu.memory_space<semaphore_mem>> -> memref<!tpu.dma_semaphore, #tpu.memory_space<semaphore_mem>>
      %dma_start3A_211 = arith.constant 0 : i32
      %dma_start3A_212 = arith.constant 0 : i32
      %dma_start3A_213 = tpu.memref_slice %arg8[%dma_start3A, %dma_start3A_211, %dma_start3A_212] : memref<3x64x128xf32, #tpu.memory_space<vmem>> -> memref<1x64x128xf32, #tpu.memory_space<vmem>>
      %dma_start3A_214 = tpu.memref_squeeze %dma_start3A_213 : memref<1x64x128xf32, #tpu.memory_space<vmem>> -> memref<64x128xf32, #tpu.memory_space<vmem>>
      %dma_start3A_215 = arith.constant 0 : i32
      %dma_start3A_216 = tpu.memref_slice %arg2[%dma_start3A_215, %mul3A_2] : memref<64x500000xf32, #tpu.memory_space<hbm>> -> memref<64x128xf32, #tpu.memory_space<hbm>>
      tpu.enqueue_dma source(%dma_start3A_216 : memref<64x128xf32, #tpu.memory_space<hbm>>) target(%dma_start3A_214 : memref<64x128xf32, #tpu.memory_space<vmem>>) target_semaphore(%dma_start3A_210 : memref<!tpu.dma_semaphore, #tpu.memory_space<semaphore_mem>>)
    } else {
    }
    %gt3A_16 = arith.constant 1 : i32
    %gt3A_17 = arith.cmpi sgt, %min3A_13, %gt3A_16 : i32
    %convert_element_type3A_18 = arith.extui %gt3A_17 : i1 to i32
    %cond3A_19 = arith.constant 0 : i32
    %cond3A_20 = arith.cmpi ne, %convert_element_type3A_18, %cond3A_19 : i32
    scf.if %cond3A_20 {
      %add3A_202 = arith.constant 128 : i32
      %add3A_203 = arith.addi %mul3A_2, %add3A_202 : i32
      %dma_start3A = arith.constant 1 : i32
      %dma_start3A_204 = arith.constant 1 : i32
      %dma_start3A_205 = arith.constant 0 : i32
      %dma_start3A_206 = arith.constant 0 : i32
      %dma_start3A_207 = tpu.memref_slice %arg8[%dma_start3A, %dma_start3A_205, %dma_start3A_206] : memref<3x64x128xf32, #tpu.memory_space<vmem>> -> memref<1x64x128xf32, #tpu.memory_space<vmem>>
      %dma_start3A_208 = tpu.memref_squeeze %dma_start3A_207 : memref<1x64x128xf32, #tpu.memory_space<vmem>> -> memref<64x128xf32, #tpu.memory_space<vmem>>
      %dma_start3A_209 = arith.constant 0 : i32
      %dma_start3A_210 = tpu.memref_slice %arg2[%dma_start3A_209, %add3A_203] : memref<64x500000xf32, #tpu.memory_space<hbm>> -> memref<64x128xf32, #tpu.memory_space<hbm>>
      %dma_start3A_211 = tpu.memref_slice %arg13[%dma_start3A_204] : memref<3x!tpu.dma_semaphore, #tpu.memory_space<semaphore_mem>> -> memref<1x!tpu.dma_semaphore, #tpu.memory_space<semaphore_mem>>
      %dma_start3A_212 = tpu.memref_squeeze %dma_start3A_211 : memref<1x!tpu.dma_semaphore, #tpu.memory_space<semaphore_mem>> -> memref<!tpu.dma_semaphore, #tpu.memory_space<semaphore_mem>>
      %dma_start3A_213 = arith.constant 0 : i32
      %dma_start3A_214 = arith.constant 0 : i32
      %dma_start3A_215 = tpu.memref_slice %arg8[%dma_start3A, %dma_start3A_213, %dma_start3A_214] : memref<3x64x128xf32, #tpu.memory_space<vmem>> -> memref<1x64x128xf32, #tpu.memory_space<vmem>>
      %dma_start3A_216 = tpu.memref_squeeze %dma_start3A_215 : memref<1x64x128xf32, #tpu.memory_space<vmem>> -> memref<64x128xf32, #tpu.memory_space<vmem>>
      %dma_start3A_217 = arith.constant 0 : i32
      %dma_start3A_218 = tpu.memref_slice %arg2[%dma_start3A_217, %add3A_203] : memref<64x500000xf32, #tpu.memory_space<hbm>> -> memref<64x128xf32, #tpu.memory_space<hbm>>
      tpu.enqueue_dma source(%dma_start3A_218 : memref<64x128xf32, #tpu.memory_space<hbm>>) target(%dma_start3A_216 : memref<64x128xf32, #tpu.memory_space<vmem>>) target_semaphore(%dma_start3A_212 : memref<!tpu.dma_semaphore, #tpu.memory_space<semaphore_mem>>)
    } else {
    }
    %scan3A = arith.constant 0 : i32
    %scan3A_21 = arith.constant 0 : i32
    %scan3A_22 = arith.constant 8 : i32
    %scan3A_23 = arith.addi %scan3A_21, %scan3A_22 : i32
    %scan3A_24 = arith.constant 1 : i32
    %scan3A_25 = scf.for %scan3A_202 = %scan3A_21 to %scan3A_23 step %scan3A_24 iter_args(%scan3A_203 = %scan3A) -> (i32)  : i32 {
      %mul3A_204 = arith.constant 2048 : i32
      %mul3A_205 = arith.muli %scan3A_202, %mul3A_204 : i32
      "tpu.region"() ({
        %run_scoped3A = tpu.sem_alloc : memref<!tpu.dma_semaphore, #tpu.memory_space<semaphore_mem>>
        %dma_start3A = tpu.memref_slice %arg3[%mul3A_205] : memref<16384xi32, #tpu.memory_space<hbm>> -> memref<2048xi32, #tpu.memory_space<hbm>>
        %dma_start3A_212 = tpu.memref_slice %arg3[%mul3A_205] : memref<16384xi32, #tpu.memory_space<hbm>> -> memref<2048xi32, #tpu.memory_space<hbm>>
        tpu.enqueue_dma source(%dma_start3A_212 : memref<2048xi32, #tpu.memory_space<hbm>>) target(%arg12 : memref<2048xi32, #tpu.memory_space<vmem>>) target_semaphore(%run_scoped3A : memref<!tpu.dma_semaphore, #tpu.memory_space<semaphore_mem>>)
        %dma_wait3A = tpu.memref_slice %arg3[%mul3A_205] : memref<16384xi32, #tpu.memory_space<hbm>> -> memref<2048xi32, #tpu.memory_space<hbm>>
        %dma_wait3A_213 = tpu.memref_slice %arg3[%mul3A_205] : memref<16384xi32, #tpu.memory_space<hbm>> -> memref<2048xi32, #tpu.memory_space<hbm>>
        tpu.wait_dma2 semaphore(%run_scoped3A : memref<!tpu.dma_semaphore, #tpu.memory_space<semaphore_mem>>) src(%dma_wait3A_213 : memref<2048xi32, #tpu.memory_space<hbm>>) dst(%arg12 : memref<2048xi32, #tpu.memory_space<vmem>>)
        tpu.yield
      }) : () -> ()
      %scan3A_206 = arith.constant 0 : i32
      %scan3A_207 = arith.constant 128 : i32
      %scan3A_208 = arith.addi %scan3A_206, %scan3A_207 : i32
      %scan3A_209 = arith.constant 1 : i32
      %scan3A_210 = scf.for %scan3A_212 = %scan3A_206 to %scan3A_208 step %scan3A_209 iter_args(%scan3A_213 = %scan3A_203) -> (i32)  : i32 {
        %mul3A_214 = arith.constant 16 : i32
        %mul3A_215 = arith.muli %scan3A_212, %mul3A_214 : i32
        %get3A = arith.index_cast %mul3A_215 : i32 to index
        %get3A_216 = tpu.vector_load %arg12[%get3A] {strides = array<i32>} : memref<2048xi32, #tpu.memory_space<vmem>>, vector<16xi32>,
        %ge3A_217 = arith.cmpi sge, %get3A_216, %broadcast_in_dim3A_4 : vector<16xi32>
        %lt3A = arith.cmpi slt, %get3A_216, %broadcast_in_dim3A_8 : vector<16xi32>
        %and3A_218 = arith.andi %ge3A_217, %lt3A : vector<16xi1>
        %convert_element_type3A_219 = arith.extui %and3A_218 : vector<16xi1> to vector<16xi32>
        %broadcast_in_dim3A_220 = arith.constant true
        %broadcast_in_dim3A_221 = vector.broadcast %broadcast_in_dim3A_220 : i1 to vector<16xi1>
        %masked_cumsum3A = tpu.scan <sum>, %convert_element_type3A_219 masked %broadcast_in_dim3A_221 : vector<16xi32>, vector<16xi1> -> vector<16xi32>
        %broadcast_in_dim3A_222 = vector.broadcast %scan3A_213 : i32 to vector<16xi32>
        %add3A_223 = arith.addi %broadcast_in_dim3A_222, %masked_cumsum3A : vector<16xi32>
        %sub3A_224 = arith.constant 1 : i32
        %sub3A_225 = vector.broadcast %sub3A_224 : i32 to vector<16xi32>
        %sub3A_226 = arith.subi %add3A_223, %sub3A_225 : vector<16xi32>
        tpu.vector_store_idx %arg16[%sub3A_226], %get3A_216 masked %and3A_218 : memref<16512xi32, #tpu.memory_space<vmem>>[vector<16xi32>], vector<16xi32>, vector<16xi1>
        %mul3A_227 = arith.constant 2048 : i32
        %mul3A_228 = arith.muli %scan3A_202, %mul3A_227 : i32
        %mul3A_229 = arith.constant 16 : i32
        %mul3A_230 = arith.muli %scan3A_212, %mul3A_229 : i32
        %add3A_231 = arith.addi %mul3A_228, %mul3A_230 : i32
        %add3A_232 = vector.broadcast %add3A_231 : i32 to vector<16xi32>
        %add3A_233 = arith.addi %add3A_232, %iota3A : vector<16xi32>
        tpu.vector_store_idx %arg17[%sub3A_226], %add3A_233 masked %and3A_218 : memref<16512xi32, #tpu.memory_space<vmem>>[vector<16xi32>], vector<16xi32>, vector<16xi1>
        %reduce_max3A = arith.constant true
        %reduce_max3A_234 = vector.broadcast %reduce_max3A : i1 to vector<16xi1>
        %reduce_max3A_235 = arith.constant -2147483648 : i32
        %reduce_max3A_236 = vector.broadcast %reduce_max3A_235 : i32 to vector<16xi32>
        %reduce_max3A_237 = arith.xori %masked_cumsum3A, %reduce_max3A_236 : vector<16xi32>
        %reduce_max3A_238 = tpu.scan <max>, %reduce_max3A_237 masked %reduce_max3A_234 : vector<16xi32>, vector<16xi1> -> vector<16xi32>
        %reduce_max3A_239 = arith.xori %reduce_max3A_238, %reduce_max3A_236 : vector<16xi32>
        %reduce_max3A_240 = vector.extract %reduce_max3A_239[15] : i32 from vector<16xi32>
        %add3A_241 = arith.addi %scan3A_213, %reduce_max3A_240 : i32
        scf.yield %add3A_241 : i32
      }
      %scan3A_211 = arith.constant 128 : i32
      scf.yield %scan3A_210 : i32
    }
    %scan3A_26 = arith.constant 8 : i32
    %broadcast_in_dim3A_27 = vector.broadcast %scan3A_25 : i32 to vector<16xi32>
    %add3A_28 = arith.constant 16 : i32
    %add3A_29 = arith.addi %scan3A_25, %add3A_28 : i32
    %sub3A_30 = arith.constant 1 : i32
    %sub3A_31 = arith.subi %add3A_29, %sub3A_30 : i32
    %jit3A = arith.constant 16 : i32
    %div3A = arith.divsi %sub3A_31, %jit3A : i32
    %sign3A = arith.constant 0 : i32
    %sign3A_32 = arith.cmpi sgt, %sub3A_31, %sign3A : i32
    %sign3A_33 = arith.extui %sign3A_32 : i1 to i32
    %sign3A_34 = arith.constant 0 : i32
    %sign3A_35 = arith.cmpi slt, %sub3A_31, %sign3A_34 : i32
    %sign3A_36 = arith.extui %sign3A_35 : i1 to i32
    %sign3A_37 = arith.subi %sign3A_33, %sign3A_36 : i32
    %sign3A_38 = arith.constant 0 : i32
    %sign3A_39 = arith.cmpi sgt, %jit3A, %sign3A_38 : i32
    %sign3A_40 = arith.extui %sign3A_39 : i1 to i32
    %sign3A_41 = arith.constant 0 : i32
    %sign3A_42 = arith.cmpi slt, %jit3A, %sign3A_41 : i32
    %sign3A_43 = arith.extui %sign3A_42 : i1 to i32
    %sign3A_44 = arith.subi %sign3A_40, %sign3A_43 : i32
    %ne3A = arith.cmpi ne, %sign3A_37, %sign3A_44 : i32
    %rem3A = arith.remsi %sub3A_31, %jit3A : i32
    %ne3A_45 = arith.constant 0 : i32
    %ne3A_46 = arith.cmpi ne, %rem3A, %ne3A_45 : i32
    %and3A = arith.andi %ne3A, %ne3A_46 : i1
    %sub3A_47 = arith.constant 1 : i32
    %sub3A_48 = arith.subi %div3A, %sub3A_47 : i32
    %select_n3A = arith.select %and3A, %sub3A_48, %div3A : i32
    %while3A = arith.constant 0 : i32
    %while3A_49 = arith.constant 0 : i32
    %while3A_50 = arith.subi %select_n3A, %while3A : i32
    %while3A_51 = arith.addi %while3A, %while3A_50 : i32
    %while3A_52 = arith.constant 1 : i32
    %while3A_53 = arith.divsi %while3A_50, %while3A_52 : i32
    %while3A_54 = arith.muli %while3A_53, %while3A_52 : i32
    %while3A_55 = arith.addi %while3A, %while3A_54 : i32
    %while3A_56 = arith.constant 1 : i32
    %while3A_57 = scf.for %while3A_202 = %while3A to %while3A_55 step %while3A_56 iter_args(%while3A_203 = %while3A_49) -> (i32)  : i32 {
      %mul3A_204 = arith.constant 16 : i32
      %mul3A_205 = arith.muli %while3A_202, %mul3A_204 : i32
      %add3A_206 = vector.broadcast %mul3A_205 : i32 to vector<16xi32>
      %add3A_207 = arith.addi %add3A_206, %iota3A : vector<16xi32>
      %get3A = arith.index_cast %mul3A_205 : i32 to index
      %get3A_208 = tpu.vector_load %arg16[%get3A] {strides = array<i32>} : memref<16512xi32, #tpu.memory_space<vmem>>, vector<16xi32>,
      %lt3A = arith.cmpi slt, %add3A_207, %broadcast_in_dim3A_27 : vector<16xi32>
      %add3A_209 = arith.constant 1 : i32
      %add3A_210 = arith.addi %mul3A_205, %add3A_209 : i32
      %get3A_211 = arith.index_cast %add3A_210 : i32 to index
      %get3A_212 = tpu.vector_load %arg16[%get3A_211] {strides = array<i32>} : memref<16512xi32, #tpu.memory_space<vmem>>, vector<16xi32>,
      %eq3A_213 = arith.cmpi eq, %get3A_212, %get3A_208 : vector<16xi32>
      %add3A_214 = arith.constant 1 : i32
      %add3A_215 = vector.broadcast %add3A_214 : i32 to vector<16xi32>
      %add3A_216 = arith.addi %add3A_207, %add3A_215 : vector<16xi32>
      %lt3A_217 = arith.cmpi slt, %add3A_216, %broadcast_in_dim3A_27 : vector<16xi32>
      %and3A_218 = arith.andi %eq3A_213, %lt3A_217 : vector<16xi1>
      %not3A = arith.constant dense<true> : vector<16xi1>
      %not3A_219 = arith.xori %and3A_218, %not3A : vector<16xi1>
      %and3A_220 = arith.andi %lt3A, %not3A_219 : vector<16xi1>
      %add3A_221 = arith.constant 2 : i32
      %add3A_222 = arith.addi %mul3A_205, %add3A_221 : i32
      %get3A_223 = arith.index_cast %add3A_222 : i32 to index
      %get3A_224 = tpu.vector_load %arg16[%get3A_223] {strides = array<i32>} : memref<16512xi32, #tpu.memory_space<vmem>>, vector<16xi32>,
      %eq3A_225 = arith.cmpi eq, %get3A_224, %get3A_208 : vector<16xi32>
      %add3A_226 = arith.constant 2 : i32
      %add3A_227 = vector.broadcast %add3A_226 : i32 to vector<16xi32>
      %add3A_228 = arith.addi %add3A_207, %add3A_227 : vector<16xi32>
      %lt3A_229 = arith.cmpi slt, %add3A_228, %broadcast_in_dim3A_27 : vector<16xi32>
      %and3A_230 = arith.andi %eq3A_225, %lt3A_229 : vector<16xi1>
      %not3A_231 = arith.constant dense<true> : vector<16xi1>
      %not3A_232 = arith.xori %and3A_230, %not3A_231 : vector<16xi1>
      %and3A_233 = arith.andi %and3A_220, %not3A_232 : vector<16xi1>
      %add3A_234 = arith.constant 3 : i32
      %add3A_235 = arith.addi %mul3A_205, %add3A_234 : i32
      %get3A_236 = arith.index_cast %add3A_235 : i32 to index
      %get3A_237 = tpu.vector_load %arg16[%get3A_236] {strides = array<i32>} : memref<16512xi32, #tpu.memory_space<vmem>>, vector<16xi32>,
      %eq3A_238 = arith.cmpi eq, %get3A_237, %get3A_208 : vector<16xi32>
      %add3A_239 = arith.constant 3 : i32
      %add3A_240 = vector.broadcast %add3A_239 : i32 to vector<16xi32>
      %add3A_241 = arith.addi %add3A_207, %add3A_240 : vector<16xi32>
      %lt3A_242 = arith.cmpi slt, %add3A_241, %broadcast_in_dim3A_27 : vector<16xi32>
      %and3A_243 = arith.andi %eq3A_238, %lt3A_242 : vector<16xi1>
      %not3A_244 = arith.constant dense<true> : vector<16xi1>
      %not3A_245 = arith.xori %and3A_243, %not3A_244 : vector<16xi1>
      %and3A_246 = arith.andi %and3A_233, %not3A_245 : vector<16xi1>
      %add3A_247 = arith.constant 4 : i32
      %add3A_248 = arith.addi %mul3A_205, %add3A_247 : i32
      %get3A_249 = arith.index_cast %add3A_248 : i32 to index
      %get3A_250 = tpu.vector_load %arg16[%get3A_249] {strides = array<i32>} : memref<16512xi32, #tpu.memory_space<vmem>>, vector<16xi32>,
      %eq3A_251 = arith.cmpi eq, %get3A_250, %get3A_208 : vector<16xi32>
      %add3A_252 = arith.constant 4 : i32
      %add3A_253 = vector.broadcast %add3A_252 : i32 to vector<16xi32>
      %add3A_254 = arith.addi %add3A_207, %add3A_253 : vector<16xi32>
      %lt3A_255 = arith.cmpi slt, %add3A_254, %broadcast_in_dim3A_27 : vector<16xi32>
      %and3A_256 = arith.andi %eq3A_251, %lt3A_255 : vector<16xi1>
      %not3A_257 = arith.constant dense<true> : vector<16xi1>
      %not3A_258 = arith.xori %and3A_256, %not3A_257 : vector<16xi1>
      %and3A_259 = arith.andi %and3A_246, %not3A_258 : vector<16xi1>
      %add3A_260 = arith.constant 5 : i32
      %add3A_261 = arith.addi %mul3A_205, %add3A_260 : i32
      %get3A_262 = arith.index_cast %add3A_261 : i32 to index
      %get3A_263 = tpu.vector_load %arg16[%get3A_262] {strides = array<i32>} : memref<16512xi32, #tpu.memory_space<vmem>>, vector<16xi32>,
      %eq3A_264 = arith.cmpi eq, %get3A_263, %get3A_208 : vector<16xi32>
      %add3A_265 = arith.constant 5 : i32
      %add3A_266 = vector.broadcast %add3A_265 : i32 to vector<16xi32>
      %add3A_267 = arith.addi %add3A_207, %add3A_266 : vector<16xi32>
      %lt3A_268 = arith.cmpi slt, %add3A_267, %broadcast_in_dim3A_27 : vector<16xi32>
      %and3A_269 = arith.andi %eq3A_264, %lt3A_268 : vector<16xi1>
      %not3A_270 = arith.constant dense<true> : vector<16xi1>
      %not3A_271 = arith.xori %and3A_269, %not3A_270 : vector<16xi1>
      %and3A_272 = arith.andi %and3A_259, %not3A_271 : vector<16xi1>
      %add3A_273 = arith.constant 6 : i32
      %add3A_274 = arith.addi %mul3A_205, %add3A_273 : i32
      %get3A_275 = arith.index_cast %add3A_274 : i32 to index
      %get3A_276 = tpu.vector_load %arg16[%get3A_275] {strides = array<i32>} : memref<16512xi32, #tpu.memory_space<vmem>>, vector<16xi32>,
      %eq3A_277 = arith.cmpi eq, %get3A_276, %get3A_208 : vector<16xi32>
      %add3A_278 = arith.constant 6 : i32
      %add3A_279 = vector.broadcast %add3A_278 : i32 to vector<16xi32>
      %add3A_280 = arith.addi %add3A_207, %add3A_279 : vector<16xi32>
      %lt3A_281 = arith.cmpi slt, %add3A_280, %broadcast_in_dim3A_27 : vector<16xi32>
      %and3A_282 = arith.andi %eq3A_277, %lt3A_281 : vector<16xi1>
      %not3A_283 = arith.constant dense<true> : vector<16xi1>
      %not3A_284 = arith.xori %and3A_282, %not3A_283 : vector<16xi1>
      %and3A_285 = arith.andi %and3A_272, %not3A_284 : vector<16xi1>
      %add3A_286 = arith.constant 7 : i32
      %add3A_287 = arith.addi %mul3A_205, %add3A_286 : i32
      %get3A_288 = arith.index_cast %add3A_287 : i32 to index
      %get3A_289 = tpu.vector_load %arg16[%get3A_288] {strides = array<i32>} : memref<16512xi32, #tpu.memory_space<vmem>>, vector<16xi32>,
      %eq3A_290 = arith.cmpi eq, %get3A_289, %get3A_208 : vector<16xi32>
      %add3A_291 = arith.constant 7 : i32
      %add3A_292 = vector.broadcast %add3A_291 : i32 to vector<16xi32>
      %add3A_293 = arith.addi %add3A_207, %add3A_292 : vector<16xi32>
      %lt3A_294 = arith.cmpi slt, %add3A_293, %broadcast_in_dim3A_27 : vector<16xi32>
      %and3A_295 = arith.andi %eq3A_290, %lt3A_294 : vector<16xi1>
      %not3A_296 = arith.constant dense<true> : vector<16xi1>
      %not3A_297 = arith.xori %and3A_295, %not3A_296 : vector<16xi1>
      %and3A_298 = arith.andi %and3A_285, %not3A_297 : vector<16xi1>
      %add3A_299 = arith.constant 8 : i32
      %add3A_300 = arith.addi %mul3A_205, %add3A_299 : i32
      %get3A_301 = arith.index_cast %add3A_300 : i32 to index
      %get3A_302 = tpu.vector_load %arg16[%get3A_301] {strides = array<i32>} : memref<16512xi32, #tpu.memory_space<vmem>>, vector<16xi32>,
      %eq3A_303 = arith.cmpi eq, %get3A_302, %get3A_208 : vector<16xi32>
      %add3A_304 = arith.constant 8 : i32
      %add3A_305 = vector.broadcast %add3A_304 : i32 to vector<16xi32>
      %add3A_306 = arith.addi %add3A_207, %add3A_305 : vector<16xi32>
      %lt3A_307 = arith.cmpi slt, %add3A_306, %broadcast_in_dim3A_27 : vector<16xi32>
      %and3A_308 = arith.andi %eq3A_303, %lt3A_307 : vector<16xi1>
      %not3A_309 = arith.constant dense<true> : vector<16xi1>
      %not3A_310 = arith.xori %and3A_308, %not3A_309 : vector<16xi1>
      %and3A_311 = arith.andi %and3A_298, %not3A_310 : vector<16xi1>
      %add3A_312 = arith.constant 9 : i32
      %add3A_313 = arith.addi %mul3A_205, %add3A_312 : i32
      %get3A_314 = arith.index_cast %add3A_313 : i32 to index
      %get3A_315 = tpu.vector_load %arg16[%get3A_314] {strides = array<i32>} : memref<16512xi32, #tpu.memory_space<vmem>>, vector<16xi32>,
      %eq3A_316 = arith.cmpi eq, %get3A_315, %get3A_208 : vector<16xi32>
      %add3A_317 = arith.constant 9 : i32
      %add3A_318 = vector.broadcast %add3A_317 : i32 to vector<16xi32>
      %add3A_319 = arith.addi %add3A_207, %add3A_318 : vector<16xi32>
      %lt3A_320 = arith.cmpi slt, %add3A_319, %broadcast_in_dim3A_27 : vector<16xi32>
      %and3A_321 = arith.andi %eq3A_316, %lt3A_320 : vector<16xi1>
      %not3A_322 = arith.constant dense<true> : vector<16xi1>
      %not3A_323 = arith.xori %and3A_321, %not3A_322 : vector<16xi1>
      %and3A_324 = arith.andi %and3A_311, %not3A_323 : vector<16xi1>
      %add3A_325 = arith.constant 10 : i32
      %add3A_326 = arith.addi %mul3A_205, %add3A_325 : i32
      %get3A_327 = arith.index_cast %add3A_326 : i32 to index
      %get3A_328 = tpu.vector_load %arg16[%get3A_327] {strides = array<i32>} : memref<16512xi32, #tpu.memory_space<vmem>>, vector<16xi32>,
      %eq3A_329 = arith.cmpi eq, %get3A_328, %get3A_208 : vector<16xi32>
      %add3A_330 = arith.constant 10 : i32
      %add3A_331 = vector.broadcast %add3A_330 : i32 to vector<16xi32>
      %add3A_332 = arith.addi %add3A_207, %add3A_331 : vector<16xi32>
      %lt3A_333 = arith.cmpi slt, %add3A_332, %broadcast_in_dim3A_27 : vector<16xi32>
      %and3A_334 = arith.andi %eq3A_329, %lt3A_333 : vector<16xi1>
      %not3A_335 = arith.constant dense<true> : vector<16xi1>
      %not3A_336 = arith.xori %and3A_334, %not3A_335 : vector<16xi1>
      %and3A_337 = arith.andi %and3A_324, %not3A_336 : vector<16xi1>
      %add3A_338 = arith.constant 11 : i32
      %add3A_339 = arith.addi %mul3A_205, %add3A_338 : i32
      %get3A_340 = arith.index_cast %add3A_339 : i32 to index
      %get3A_341 = tpu.vector_load %arg16[%get3A_340] {strides = array<i32>} : memref<16512xi32, #tpu.memory_space<vmem>>, vector<16xi32>,
      %eq3A_342 = arith.cmpi eq, %get3A_341, %get3A_208 : vector<16xi32>
      %add3A_343 = arith.constant 11 : i32
      %add3A_344 = vector.broadcast %add3A_343 : i32 to vector<16xi32>
      %add3A_345 = arith.addi %add3A_207, %add3A_344 : vector<16xi32>
      %lt3A_346 = arith.cmpi slt, %add3A_345, %broadcast_in_dim3A_27 : vector<16xi32>
      %and3A_347 = arith.andi %eq3A_342, %lt3A_346 : vector<16xi1>
      %not3A_348 = arith.constant dense<true> : vector<16xi1>
      %not3A_349 = arith.xori %and3A_347, %not3A_348 : vector<16xi1>
      %and3A_350 = arith.andi %and3A_337, %not3A_349 : vector<16xi1>
      %add3A_351 = arith.constant 12 : i32
      %add3A_352 = arith.addi %mul3A_205, %add3A_351 : i32
      %get3A_353 = arith.index_cast %add3A_352 : i32 to index
      %get3A_354 = tpu.vector_load %arg16[%get3A_353] {strides = array<i32>} : memref<16512xi32, #tpu.memory_space<vmem>>, vector<16xi32>,
      %eq3A_355 = arith.cmpi eq, %get3A_354, %get3A_208 : vector<16xi32>
      %add3A_356 = arith.constant 12 : i32
      %add3A_357 = vector.broadcast %add3A_356 : i32 to vector<16xi32>
      %add3A_358 = arith.addi %add3A_207, %add3A_357 : vector<16xi32>
      %lt3A_359 = arith.cmpi slt, %add3A_358, %broadcast_in_dim3A_27 : vector<16xi32>
      %and3A_360 = arith.andi %eq3A_355, %lt3A_359 : vector<16xi1>
      %not3A_361 = arith.constant dense<true> : vector<16xi1>
      %not3A_362 = arith.xori %and3A_360, %not3A_361 : vector<16xi1>
      %and3A_363 = arith.andi %and3A_350, %not3A_362 : vector<16xi1>
      %add3A_364 = arith.constant 13 : i32
      %add3A_365 = arith.addi %mul3A_205, %add3A_364 : i32
      %get3A_366 = arith.index_cast %add3A_365 : i32 to index
      %get3A_367 = tpu.vector_load %arg16[%get3A_366] {strides = array<i32>} : memref<16512xi32, #tpu.memory_space<vmem>>, vector<16xi32>,
      %eq3A_368 = arith.cmpi eq, %get3A_367, %get3A_208 : vector<16xi32>
      %add3A_369 = arith.constant 13 : i32
      %add3A_370 = vector.broadcast %add3A_369 : i32 to vector<16xi32>
      %add3A_371 = arith.addi %add3A_207, %add3A_370 : vector<16xi32>
      %lt3A_372 = arith.cmpi slt, %add3A_371, %broadcast_in_dim3A_27 : vector<16xi32>
      %and3A_373 = arith.andi %eq3A_368, %lt3A_372 : vector<16xi1>
      %not3A_374 = arith.constant dense<true> : vector<16xi1>
      %not3A_375 = arith.xori %and3A_373, %not3A_374 : vector<16xi1>
      %and3A_376 = arith.andi %and3A_363, %not3A_375 : vector<16xi1>
      %add3A_377 = arith.constant 14 : i32
      %add3A_378 = arith.addi %mul3A_205, %add3A_377 : i32
      %get3A_379 = arith.index_cast %add3A_378 : i32 to index
      %get3A_380 = tpu.vector_load %arg16[%get3A_379] {strides = array<i32>} : memref<16512xi32, #tpu.memory_space<vmem>>, vector<16xi32>,
      %eq3A_381 = arith.cmpi eq, %get3A_380, %get3A_208 : vector<16xi32>
      %add3A_382 = arith.constant 14 : i32
      %add3A_383 = vector.broadcast %add3A_382 : i32 to vector<16xi32>
      %add3A_384 = arith.addi %add3A_207, %add3A_383 : vector<16xi32>
      %lt3A_385 = arith.cmpi slt, %add3A_384, %broadcast_in_dim3A_27 : vector<16xi32>
      %and3A_386 = arith.andi %eq3A_381, %lt3A_385 : vector<16xi1>
      %not3A_387 = arith.constant dense<true> : vector<16xi1>
      %not3A_388 = arith.xori %and3A_386, %not3A_387 : vector<16xi1>
      %and3A_389 = arith.andi %and3A_376, %not3A_388 : vector<16xi1>
      %add3A_390 = arith.constant 15 : i32
      %add3A_391 = arith.addi %mul3A_205, %add3A_390 : i32
      %get3A_392 = arith.index_cast %add3A_391 : i32 to index
      %get3A_393 = tpu.vector_load %arg16[%get3A_392] {strides = array<i32>} : memref<16512xi32, #tpu.memory_space<vmem>>, vector<16xi32>,
      %eq3A_394 = arith.cmpi eq, %get3A_393, %get3A_208 : vector<16xi32>
      %add3A_395 = arith.constant 15 : i32
      %add3A_396 = vector.broadcast %add3A_395 : i32 to vector<16xi32>
      %add3A_397 = arith.addi %add3A_207, %add3A_396 : vector<16xi32>
      %lt3A_398 = arith.cmpi slt, %add3A_397, %broadcast_in_dim3A_27 : vector<16xi32>
      %and3A_399 = arith.andi %eq3A_394, %lt3A_398 : vector<16xi1>
      %not3A_400 = arith.constant dense<true> : vector<16xi1>
      %not3A_401 = arith.xori %and3A_399, %not3A_400 : vector<16xi1>
      %and3A_402 = arith.andi %and3A_389, %not3A_401 : vector<16xi1>
      %sub3A_403 = arith.subi %get3A_208, %broadcast_in_dim3A_4 : vector<16xi32>
      tpu.vector_store_idx %arg19[%sub3A_403], %add3A_207 masked %and3A_402 : memref<15744xi32, #tpu.memory_space<vmem>>[vector<16xi32>], vector<16xi32>, vector<16xi1>
      %while3A_404 = arith.constant 0 : i32
      scf.yield %while3A_404 : i32
    }
    %while3A_58 = arith.constant 1 : i32
    %while3A_59 = scf.for %while3A_202 = %while3A_55 to %while3A_51 step %while3A_58 iter_args(%while3A_203 = %while3A_57) -> (i32)  : i32 {
      %mul3A_204 = arith.constant 16 : i32
      %mul3A_205 = arith.muli %while3A_202, %mul3A_204 : i32
      %add3A_206 = vector.broadcast %mul3A_205 : i32 to vector<16xi32>
      %add3A_207 = arith.addi %add3A_206, %iota3A : vector<16xi32>
      %get3A = arith.index_cast %mul3A_205 : i32 to index
      %get3A_208 = tpu.vector_load %arg16[%get3A] {strides = array<i32>} : memref<16512xi32, #tpu.memory_space<vmem>>, vector<16xi32>,
      %lt3A = arith.cmpi slt, %add3A_207, %broadcast_in_dim3A_27 : vector<16xi32>
      %add3A_209 = arith.constant 1 : i32
      %add3A_210 = arith.addi %mul3A_205, %add3A_209 : i32
      %get3A_211 = arith.index_cast %add3A_210 : i32 to index
      %get3A_212 = tpu.vector_load %arg16[%get3A_211] {strides = array<i32>} : memref<16512xi32, #tpu.memory_space<vmem>>, vector<16xi32>,
      %eq3A_213 = arith.cmpi eq, %get3A_212, %get3A_208 : vector<16xi32>
      %add3A_214 = arith.constant 1 : i32
      %add3A_215 = vector.broadcast %add3A_214 : i32 to vector<16xi32>
      %add3A_216 = arith.addi %add3A_207, %add3A_215 : vector<16xi32>
      %lt3A_217 = arith.cmpi slt, %add3A_216, %broadcast_in_dim3A_27 : vector<16xi32>
      %and3A_218 = arith.andi %eq3A_213, %lt3A_217 : vector<16xi1>
      %not3A = arith.constant dense<true> : vector<16xi1>
      %not3A_219 = arith.xori %and3A_218, %not3A : vector<16xi1>
      %and3A_220 = arith.andi %lt3A, %not3A_219 : vector<16xi1>
      %add3A_221 = arith.constant 2 : i32
      %add3A_222 = arith.addi %mul3A_205, %add3A_221 : i32
      %get3A_223 = arith.index_cast %add3A_222 : i32 to index
      %get3A_224 = tpu.vector_load %arg16[%get3A_223] {strides = array<i32>} : memref<16512xi32, #tpu.memory_space<vmem>>, vector<16xi32>,
      %eq3A_225 = arith.cmpi eq, %get3A_224, %get3A_208 : vector<16xi32>
      %add3A_226 = arith.constant 2 : i32
      %add3A_227 = vector.broadcast %add3A_226 : i32 to vector<16xi32>
      %add3A_228 = arith.addi %add3A_207, %add3A_227 : vector<16xi32>
      %lt3A_229 = arith.cmpi slt, %add3A_228, %broadcast_in_dim3A_27 : vector<16xi32>
      %and3A_230 = arith.andi %eq3A_225, %lt3A_229 : vector<16xi1>
      %not3A_231 = arith.constant dense<true> : vector<16xi1>
      %not3A_232 = arith.xori %and3A_230, %not3A_231 : vector<16xi1>
      %and3A_233 = arith.andi %and3A_220, %not3A_232 : vector<16xi1>
      %add3A_234 = arith.constant 3 : i32
      %add3A_235 = arith.addi %mul3A_205, %add3A_234 : i32
      %get3A_236 = arith.index_cast %add3A_235 : i32 to index
      %get3A_237 = tpu.vector_load %arg16[%get3A_236] {strides = array<i32>} : memref<16512xi32, #tpu.memory_space<vmem>>, vector<16xi32>,
      %eq3A_238 = arith.cmpi eq, %get3A_237, %get3A_208 : vector<16xi32>
      %add3A_239 = arith.constant 3 : i32
      %add3A_240 = vector.broadcast %add3A_239 : i32 to vector<16xi32>
      %add3A_241 = arith.addi %add3A_207, %add3A_240 : vector<16xi32>
      %lt3A_242 = arith.cmpi slt, %add3A_241, %broadcast_in_dim3A_27 : vector<16xi32>
      %and3A_243 = arith.andi %eq3A_238, %lt3A_242 : vector<16xi1>
      %not3A_244 = arith.constant dense<true> : vector<16xi1>
      %not3A_245 = arith.xori %and3A_243, %not3A_244 : vector<16xi1>
      %and3A_246 = arith.andi %and3A_233, %not3A_245 : vector<16xi1>
      %add3A_247 = arith.constant 4 : i32
      %add3A_248 = arith.addi %mul3A_205, %add3A_247 : i32
      %get3A_249 = arith.index_cast %add3A_248 : i32 to index
      %get3A_250 = tpu.vector_load %arg16[%get3A_249] {strides = array<i32>} : memref<16512xi32, #tpu.memory_space<vmem>>, vector<16xi32>,
      %eq3A_251 = arith.cmpi eq, %get3A_250, %get3A_208 : vector<16xi32>
      %add3A_252 = arith.constant 4 : i32
      %add3A_253 = vector.broadcast %add3A_252 : i32 to vector<16xi32>
      %add3A_254 = arith.addi %add3A_207, %add3A_253 : vector<16xi32>
      %lt3A_255 = arith.cmpi slt, %add3A_254, %broadcast_in_dim3A_27 : vector<16xi32>
      %and3A_256 = arith.andi %eq3A_251, %lt3A_255 : vector<16xi1>
      %not3A_257 = arith.constant dense<true> : vector<16xi1>
      %not3A_258 = arith.xori %and3A_256, %not3A_257 : vector<16xi1>
      %and3A_259 = arith.andi %and3A_246, %not3A_258 : vector<16xi1>
      %add3A_260 = arith.constant 5 : i32
      %add3A_261 = arith.addi %mul3A_205, %add3A_260 : i32
      %get3A_262 = arith.index_cast %add3A_261 : i32 to index
      %get3A_263 = tpu.vector_load %arg16[%get3A_262] {strides = array<i32>} : memref<16512xi32, #tpu.memory_space<vmem>>, vector<16xi32>,
      %eq3A_264 = arith.cmpi eq, %get3A_263, %get3A_208 : vector<16xi32>
      %add3A_265 = arith.constant 5 : i32
      %add3A_266 = vector.broadcast %add3A_265 : i32 to vector<16xi32>
      %add3A_267 = arith.addi %add3A_207, %add3A_266 : vector<16xi32>
      %lt3A_268 = arith.cmpi slt, %add3A_267, %broadcast_in_dim3A_27 : vector<16xi32>
      %and3A_269 = arith.andi %eq3A_264, %lt3A_268 : vector<16xi1>
      %not3A_270 = arith.constant dense<true> : vector<16xi1>
      %not3A_271 = arith.xori %and3A_269, %not3A_270 : vector<16xi1>
      %and3A_272 = arith.andi %and3A_259, %not3A_271 : vector<16xi1>
      %add3A_273 = arith.constant 6 : i32
      %add3A_274 = arith.addi %mul3A_205, %add3A_273 : i32
      %get3A_275 = arith.index_cast %add3A_274 : i32 to index
      %get3A_276 = tpu.vector_load %arg16[%get3A_275] {strides = array<i32>} : memref<16512xi32, #tpu.memory_space<vmem>>, vector<16xi32>,
      %eq3A_277 = arith.cmpi eq, %get3A_276, %get3A_208 : vector<16xi32>
      %add3A_278 = arith.constant 6 : i32
      %add3A_279 = vector.broadcast %add3A_278 : i32 to vector<16xi32>
      %add3A_280 = arith.addi %add3A_207, %add3A_279 : vector<16xi32>
      %lt3A_281 = arith.cmpi slt, %add3A_280, %broadcast_in_dim3A_27 : vector<16xi32>
      %and3A_282 = arith.andi %eq3A_277, %lt3A_281 : vector<16xi1>
      %not3A_283 = arith.constant dense<true> : vector<16xi1>
      %not3A_284 = arith.xori %and3A_282, %not3A_283 : vector<16xi1>
      %and3A_285 = arith.andi %and3A_272, %not3A_284 : vector<16xi1>
      %add3A_286 = arith.constant 7 : i32
      %add3A_287 = arith.addi %mul3A_205, %add3A_286 : i32
      %get3A_288 = arith.index_cast %add3A_287 : i32 to index
      %get3A_289 = tpu.vector_load %arg16[%get3A_288] {strides = array<i32>} : memref<16512xi32, #tpu.memory_space<vmem>>, vector<16xi32>,
      %eq3A_290 = arith.cmpi eq, %get3A_289, %get3A_208 : vector<16xi32>
      %add3A_291 = arith.constant 7 : i32
      %add3A_292 = vector.broadcast %add3A_291 : i32 to vector<16xi32>
      %add3A_293 = arith.addi %add3A_207, %add3A_292 : vector<16xi32>
      %lt3A_294 = arith.cmpi slt, %add3A_293, %broadcast_in_dim3A_27 : vector<16xi32>
      %and3A_295 = arith.andi %eq3A_290, %lt3A_294 : vector<16xi1>
      %not3A_296 = arith.constant dense<true> : vector<16xi1>
      %not3A_297 = arith.xori %and3A_295, %not3A_296 : vector<16xi1>
      %and3A_298 = arith.andi %and3A_285, %not3A_297 : vector<16xi1>
      %add3A_299 = arith.constant 8 : i32
      %add3A_300 = arith.addi %mul3A_205, %add3A_299 : i32
      %get3A_301 = arith.index_cast %add3A_300 : i32 to index
      %get3A_302 = tpu.vector_load %arg16[%get3A_301] {strides = array<i32>} : memref<16512xi32, #tpu.memory_space<vmem>>, vector<16xi32>,
      %eq3A_303 = arith.cmpi eq, %get3A_302, %get3A_208 : vector<16xi32>
      %add3A_304 = arith.constant 8 : i32
      %add3A_305 = vector.broadcast %add3A_304 : i32 to vector<16xi32>
      %add3A_306 = arith.addi %add3A_207, %add3A_305 : vector<16xi32>
      %lt3A_307 = arith.cmpi slt, %add3A_306, %broadcast_in_dim3A_27 : vector<16xi32>
      %and3A_308 = arith.andi %eq3A_303, %lt3A_307 : vector<16xi1>
      %not3A_309 = arith.constant dense<true> : vector<16xi1>
      %not3A_310 = arith.xori %and3A_308, %not3A_309 : vector<16xi1>
      %and3A_311 = arith.andi %and3A_298, %not3A_310 : vector<16xi1>
      %add3A_312 = arith.constant 9 : i32
      %add3A_313 = arith.addi %mul3A_205, %add3A_312 : i32
      %get3A_314 = arith.index_cast %add3A_313 : i32 to index
      %get3A_315 = tpu.vector_load %arg16[%get3A_314] {strides = array<i32>} : memref<16512xi32, #tpu.memory_space<vmem>>, vector<16xi32>,
      %eq3A_316 = arith.cmpi eq, %get3A_315, %get3A_208 : vector<16xi32>
      %add3A_317 = arith.constant 9 : i32
      %add3A_318 = vector.broadcast %add3A_317 : i32 to vector<16xi32>
      %add3A_319 = arith.addi %add3A_207, %add3A_318 : vector<16xi32>
      %lt3A_320 = arith.cmpi slt, %add3A_319, %broadcast_in_dim3A_27 : vector<16xi32>
      %and3A_321 = arith.andi %eq3A_316, %lt3A_320 : vector<16xi1>
      %not3A_322 = arith.constant dense<true> : vector<16xi1>
      %not3A_323 = arith.xori %and3A_321, %not3A_322 : vector<16xi1>
      %and3A_324 = arith.andi %and3A_311, %not3A_323 : vector<16xi1>
      %add3A_325 = arith.constant 10 : i32
      %add3A_326 = arith.addi %mul3A_205, %add3A_325 : i32
      %get3A_327 = arith.index_cast %add3A_326 : i32 to index
      %get3A_328 = tpu.vector_load %arg16[%get3A_327] {strides = array<i32>} : memref<16512xi32, #tpu.memory_space<vmem>>, vector<16xi32>,
      %eq3A_329 = arith.cmpi eq, %get3A_328, %get3A_208 : vector<16xi32>
      %add3A_330 = arith.constant 10 : i32
      %add3A_331 = vector.broadcast %add3A_330 : i32 to vector<16xi32>
      %add3A_332 = arith.addi %add3A_207, %add3A_331 : vector<16xi32>
      %lt3A_333 = arith.cmpi slt, %add3A_332, %broadcast_in_dim3A_27 : vector<16xi32>
      %and3A_334 = arith.andi %eq3A_329, %lt3A_333 : vector<16xi1>
      %not3A_335 = arith.constant dense<true> : vector<16xi1>
      %not3A_336 = arith.xori %and3A_334, %not3A_335 : vector<16xi1>
      %and3A_337 = arith.andi %and3A_324, %not3A_336 : vector<16xi1>
      %add3A_338 = arith.constant 11 : i32
      %add3A_339 = arith.addi %mul3A_205, %add3A_338 : i32
      %get3A_340 = arith.index_cast %add3A_339 : i32 to index
      %get3A_341 = tpu.vector_load %arg16[%get3A_340] {strides = array<i32>} : memref<16512xi32, #tpu.memory_space<vmem>>, vector<16xi32>,
      %eq3A_342 = arith.cmpi eq, %get3A_341, %get3A_208 : vector<16xi32>
      %add3A_343 = arith.constant 11 : i32
      %add3A_344 = vector.broadcast %add3A_343 : i32 to vector<16xi32>
      %add3A_345 = arith.addi %add3A_207, %add3A_344 : vector<16xi32>
      %lt3A_346 = arith.cmpi slt, %add3A_345, %broadcast_in_dim3A_27 : vector<16xi32>
      %and3A_347 = arith.andi %eq3A_342, %lt3A_346 : vector<16xi1>
      %not3A_348 = arith.constant dense<true> : vector<16xi1>
      %not3A_349 = arith.xori %and3A_347, %not3A_348 : vector<16xi1>
      %and3A_350 = arith.andi %and3A_337, %not3A_349 : vector<16xi1>
      %add3A_351 = arith.constant 12 : i32
      %add3A_352 = arith.addi %mul3A_205, %add3A_351 : i32
      %get3A_353 = arith.index_cast %add3A_352 : i32 to index
      %get3A_354 = tpu.vector_load %arg16[%get3A_353] {strides = array<i32>} : memref<16512xi32, #tpu.memory_space<vmem>>, vector<16xi32>,
      %eq3A_355 = arith.cmpi eq, %get3A_354, %get3A_208 : vector<16xi32>
      %add3A_356 = arith.constant 12 : i32
      %add3A_357 = vector.broadcast %add3A_356 : i32 to vector<16xi32>
      %add3A_358 = arith.addi %add3A_207, %add3A_357 : vector<16xi32>
      %lt3A_359 = arith.cmpi slt, %add3A_358, %broadcast_in_dim3A_27 : vector<16xi32>
      %and3A_360 = arith.andi %eq3A_355, %lt3A_359 : vector<16xi1>
      %not3A_361 = arith.constant dense<true> : vector<16xi1>
      %not3A_362 = arith.xori %and3A_360, %not3A_361 : vector<16xi1>
      %and3A_363 = arith.andi %and3A_350, %not3A_362 : vector<16xi1>
      %add3A_364 = arith.constant 13 : i32
      %add3A_365 = arith.addi %mul3A_205, %add3A_364 : i32
      %get3A_366 = arith.index_cast %add3A_365 : i32 to index
      %get3A_367 = tpu.vector_load %arg16[%get3A_366] {strides = array<i32>} : memref<16512xi32, #tpu.memory_space<vmem>>, vector<16xi32>,
      %eq3A_368 = arith.cmpi eq, %get3A_367, %get3A_208 : vector<16xi32>
      %add3A_369 = arith.constant 13 : i32
      %add3A_370 = vector.broadcast %add3A_369 : i32 to vector<16xi32>
      %add3A_371 = arith.addi %add3A_207, %add3A_370 : vector<16xi32>
      %lt3A_372 = arith.cmpi slt, %add3A_371, %broadcast_in_dim3A_27 : vector<16xi32>
      %and3A_373 = arith.andi %eq3A_368, %lt3A_372 : vector<16xi1>
      %not3A_374 = arith.constant dense<true> : vector<16xi1>
      %not3A_375 = arith.xori %and3A_373, %not3A_374 : vector<16xi1>
      %and3A_376 = arith.andi %and3A_363, %not3A_375 : vector<16xi1>
      %add3A_377 = arith.constant 14 : i32
      %add3A_378 = arith.addi %mul3A_205, %add3A_377 : i32
      %get3A_379 = arith.index_cast %add3A_378 : i32 to index
      %get3A_380 = tpu.vector_load %arg16[%get3A_379] {strides = array<i32>} : memref<16512xi32, #tpu.memory_space<vmem>>, vector<16xi32>,
      %eq3A_381 = arith.cmpi eq, %get3A_380, %get3A_208 : vector<16xi32>
      %add3A_382 = arith.constant 14 : i32
      %add3A_383 = vector.broadcast %add3A_382 : i32 to vector<16xi32>
      %add3A_384 = arith.addi %add3A_207, %add3A_383 : vector<16xi32>
      %lt3A_385 = arith.cmpi slt, %add3A_384, %broadcast_in_dim3A_27 : vector<16xi32>
      %and3A_386 = arith.andi %eq3A_381, %lt3A_385 : vector<16xi1>
      %not3A_387 = arith.constant dense<true> : vector<16xi1>
      %not3A_388 = arith.xori %and3A_386, %not3A_387 : vector<16xi1>
      %and3A_389 = arith.andi %and3A_376, %not3A_388 : vector<16xi1>
      %add3A_390 = arith.constant 15 : i32
      %add3A_391 = arith.addi %mul3A_205, %add3A_390 : i32
      %get3A_392 = arith.index_cast %add3A_391 : i32 to index
      %get3A_393 = tpu.vector_load %arg16[%get3A_392] {strides = array<i32>} : memref<16512xi32, #tpu.memory_space<vmem>>, vector<16xi32>,
      %eq3A_394 = arith.cmpi eq, %get3A_393, %get3A_208 : vector<16xi32>
      %add3A_395 = arith.constant 15 : i32
      %add3A_396 = vector.broadcast %add3A_395 : i32 to vector<16xi32>
      %add3A_397 = arith.addi %add3A_207, %add3A_396 : vector<16xi32>
      %lt3A_398 = arith.cmpi slt, %add3A_397, %broadcast_in_dim3A_27 : vector<16xi32>
      %and3A_399 = arith.andi %eq3A_394, %lt3A_398 : vector<16xi1>
      %not3A_400 = arith.constant dense<true> : vector<16xi1>
      %not3A_401 = arith.xori %and3A_399, %not3A_400 : vector<16xi1>
      %and3A_402 = arith.andi %and3A_389, %not3A_401 : vector<16xi1>
      %sub3A_403 = arith.subi %get3A_208, %broadcast_in_dim3A_4 : vector<16xi32>
      tpu.vector_store_idx %arg19[%sub3A_403], %add3A_207 masked %and3A_402 : memref<15744xi32, #tpu.memory_space<vmem>>[vector<16xi32>], vector<16xi32>, vector<16xi1>
      %while3A_404 = arith.constant 0 : i32
      scf.yield %while3A_404 : i32
    }
    %scan3A_60 = arith.constant 0 : i32
    %scan3A_61 = arith.constant 0 : i32
    %scan3A_62 = arith.constant 984 : i32
    %scan3A_63 = arith.addi %scan3A_61, %scan3A_62 : i32
    %scan3A_64 = arith.constant 1 : i32
    %scan3A_65 = scf.for %scan3A_202 = %scan3A_61 to %scan3A_63 step %scan3A_64 iter_args(%scan3A_203 = %scan3A_60) -> (i32)  : i32 {
      %mul3A_204 = arith.constant 16 : i32
      %mul3A_205 = arith.muli %scan3A_202, %mul3A_204 : i32
      %swap3A_206 = arith.index_cast %mul3A_205 : i32 to index
      %swap3A_207 = tpu.vector_load %arg10[%swap3A_206] {strides = array<i32>} : memref<15744xi32, #tpu.memory_space<vmem>>, vector<16xi32>,
      tpu.vector_store %arg10[%swap3A_206], %broadcast_in_dim3A_3 {strides = array<i32>} : memref<15744xi32, #tpu.memory_space<vmem>>, vector<16xi32>,
      %scan3A_208 = arith.constant 0 : i32
      scf.yield %scan3A_208 : i32
    }
    %scan3A_66 = arith.constant 984 : i32
    %while3A_67 = arith.constant 0 : i32
    %while3A_68 = arith.constant 0 : i32
    %while3A_69 = arith.subi %select_n3A, %while3A_67 : i32
    %while3A_70 = arith.addi %while3A_67, %while3A_69 : i32
    %while3A_71 = arith.constant 1 : i32
    %while3A_72 = arith.divsi %while3A_69, %while3A_71 : i32
    %while3A_73 = arith.muli %while3A_72, %while3A_71 : i32
    %while3A_74 = arith.addi %while3A_67, %while3A_73 : i32
    %while3A_75 = arith.constant 1 : i32
    %while3A_76 = scf.for %while3A_202 = %while3A_67 to %while3A_74 step %while3A_75 iter_args(%while3A_203 = %while3A_68) -> (i32)  : i32 {
      %mul3A_204 = arith.constant 16 : i32
      %mul3A_205 = arith.muli %while3A_202, %mul3A_204 : i32
      %add3A_206 = vector.broadcast %mul3A_205 : i32 to vector<16xi32>
      %add3A_207 = arith.addi %add3A_206, %iota3A : vector<16xi32>
      %lt3A = arith.cmpi slt, %add3A_207, %broadcast_in_dim3A_27 : vector<16xi32>
      %get3A = arith.index_cast %mul3A_205 : i32 to index
      %get3A_208 = tpu.vector_load %arg16[%get3A] {strides = array<i32>} : memref<16512xi32, #tpu.memory_space<vmem>>, vector<16xi32>,
      %get3A_209 = arith.index_cast %mul3A_205 : i32 to index
      %get3A_210 = tpu.vector_load %arg17[%get3A_209] {strides = array<i32>} : memref<16512xi32, #tpu.memory_space<vmem>>, vector<16xi32>,
      %sub3A_211 = arith.subi %get3A_208, %broadcast_in_dim3A_4 : vector<16xi32>
      %gather3A = tpu.vector_load_idx %arg19[%sub3A_211] masked %lt3A : memref<15744xi32, #tpu.memory_space<vmem>>[vector<16xi32>], vector<16xi32>, vector<16xi1>
      %eq3A_212 = arith.cmpi eq, %gather3A, %add3A_207 : vector<16xi32>
      %and3A_213 = arith.andi %lt3A, %eq3A_212 : vector<16xi1>
      %sub3A_214 = arith.subi %get3A_208, %broadcast_in_dim3A_4 : vector<16xi32>
      %add3A_215 = arith.constant 1 : i32
      %add3A_216 = vector.broadcast %add3A_215 : i32 to vector<16xi32>
      %add3A_217 = arith.addi %get3A_210, %add3A_216 : vector<16xi32>
      tpu.vector_store_idx %arg10[%sub3A_214], %add3A_217 masked %and3A_213 : memref<15744xi32, #tpu.memory_space<vmem>>[vector<16xi32>], vector<16xi32>, vector<16xi1>
      %while3A_218 = arith.constant 0 : i32
      scf.yield %while3A_218 : i32
    }
    %while3A_77 = arith.constant 1 : i32
    %while3A_78 = scf.for %while3A_202 = %while3A_74 to %while3A_70 step %while3A_77 iter_args(%while3A_203 = %while3A_76) -> (i32)  : i32 {
      %mul3A_204 = arith.constant 16 : i32
      %mul3A_205 = arith.muli %while3A_202, %mul3A_204 : i32
      %add3A_206 = vector.broadcast %mul3A_205 : i32 to vector<16xi32>
      %add3A_207 = arith.addi %add3A_206, %iota3A : vector<16xi32>
      %lt3A = arith.cmpi slt, %add3A_207, %broadcast_in_dim3A_27 : vector<16xi32>
      %get3A = arith.index_cast %mul3A_205 : i32 to index
      %get3A_208 = tpu.vector_load %arg16[%get3A] {strides = array<i32>} : memref<16512xi32, #tpu.memory_space<vmem>>, vector<16xi32>,
      %get3A_209 = arith.index_cast %mul3A_205 : i32 to index
      %get3A_210 = tpu.vector_load %arg17[%get3A_209] {strides = array<i32>} : memref<16512xi32, #tpu.memory_space<vmem>>, vector<16xi32>,
      %sub3A_211 = arith.subi %get3A_208, %broadcast_in_dim3A_4 : vector<16xi32>
      %gather3A = tpu.vector_load_idx %arg19[%sub3A_211] masked %lt3A : memref<15744xi32, #tpu.memory_space<vmem>>[vector<16xi32>], vector<16xi32>, vector<16xi1>
      %eq3A_212 = arith.cmpi eq, %gather3A, %add3A_207 : vector<16xi32>
      %and3A_213 = arith.andi %lt3A, %eq3A_212 : vector<16xi1>
      %sub3A_214 = arith.subi %get3A_208, %broadcast_in_dim3A_4 : vector<16xi32>
      %add3A_215 = arith.constant 1 : i32
      %add3A_216 = vector.broadcast %add3A_215 : i32 to vector<16xi32>
      %add3A_217 = arith.addi %get3A_210, %add3A_216 : vector<16xi32>
      tpu.vector_store_idx %arg10[%sub3A_214], %add3A_217 masked %and3A_213 : memref<15744xi32, #tpu.memory_space<vmem>>[vector<16xi32>], vector<16xi32>, vector<16xi1>
      %while3A_218 = arith.constant 0 : i32
      scf.yield %while3A_218 : i32
    }
    %scan3A_79 = arith.constant 0 : i32
    %scan3A_80 = arith.constant 0 : i32
    %scan3A_81 = arith.constant 984 : i32
    %scan3A_82 = arith.addi %scan3A_80, %scan3A_81 : i32
    %scan3A_83 = arith.constant 1 : i32
    %scan3A_84 = scf.for %scan3A_202 = %scan3A_80 to %scan3A_82 step %scan3A_83 iter_args(%scan3A_203 = %scan3A_79) -> (i32)  : i32 {
      %mul3A_204 = arith.constant 16 : i32
      %mul3A_205 = arith.muli %scan3A_202, %mul3A_204 : i32
      %get3A = arith.index_cast %mul3A_205 : i32 to index
      %get3A_206 = tpu.vector_load %arg10[%get3A] {strides = array<i32>} : memref<15744xi32, #tpu.memory_space<vmem>>, vector<16xi32>,
      %gt3A_207 = arith.cmpi sgt, %get3A_206, %broadcast_in_dim3A_3 : vector<16xi32>
      %convert_element_type3A_208 = arith.extui %gt3A_207 : vector<16xi1> to vector<16xi32>
      %broadcast_in_dim3A_209 = arith.constant true
      %broadcast_in_dim3A_210 = vector.broadcast %broadcast_in_dim3A_209 : i1 to vector<16xi1>
      %masked_cumsum3A = tpu.scan <sum>, %convert_element_type3A_208 masked %broadcast_in_dim3A_210 : vector<16xi32>, vector<16xi1> -> vector<16xi32>
      %broadcast_in_dim3A_211 = vector.broadcast %scan3A_203 : i32 to vector<16xi32>
      %add3A_212 = arith.addi %broadcast_in_dim3A_211, %masked_cumsum3A : vector<16xi32>
      %sub3A_213 = arith.constant 1 : i32
      %sub3A_214 = vector.broadcast %sub3A_213 : i32 to vector<16xi32>
      %sub3A_215 = arith.subi %add3A_212, %sub3A_214 : vector<16xi32>
      %sub3A_216 = arith.constant 1 : i32
      %sub3A_217 = vector.broadcast %sub3A_216 : i32 to vector<16xi32>
      %sub3A_218 = arith.subi %get3A_206, %sub3A_217 : vector<16xi32>
      %shift_right_arithmetic3A = arith.constant 1 : i32
      %shift_right_arithmetic3A_219 = vector.broadcast %shift_right_arithmetic3A : i32 to vector<16xi32>
      %shift_right_arithmetic3A_220 = arith.shrsi %sub3A_218, %shift_right_arithmetic3A_219 : vector<16xi32>
      tpu.vector_store_idx %arg16[%sub3A_215], %shift_right_arithmetic3A_220 masked %gt3A_207 : memref<16512xi32, #tpu.memory_space<vmem>>[vector<16xi32>], vector<16xi32>, vector<16xi1>
      %and3A_221 = arith.constant 1 : i32
      %and3A_222 = vector.broadcast %and3A_221 : i32 to vector<16xi32>
      %and3A_223 = arith.andi %sub3A_218, %and3A_222 : vector<16xi32>
      %mul3A_224 = arith.constant 64 : i32
      %mul3A_225 = vector.broadcast %mul3A_224 : i32 to vector<16xi32>
      %mul3A_226 = arith.muli %and3A_223, %mul3A_225 : vector<16xi32>
      tpu.vector_store_idx %arg17[%sub3A_215], %mul3A_226 masked %gt3A_207 : memref<16512xi32, #tpu.memory_space<vmem>>[vector<16xi32>], vector<16xi32>, vector<16xi1>
      %reduce_max3A = arith.constant true
      %reduce_max3A_227 = vector.broadcast %reduce_max3A : i1 to vector<16xi1>
      %reduce_max3A_228 = arith.constant -2147483648 : i32
      %reduce_max3A_229 = vector.broadcast %reduce_max3A_228 : i32 to vector<16xi32>
      %reduce_max3A_230 = arith.xori %masked_cumsum3A, %reduce_max3A_229 : vector<16xi32>
      %reduce_max3A_231 = tpu.scan <max>, %reduce_max3A_230 masked %reduce_max3A_227 : vector<16xi32>, vector<16xi1> -> vector<16xi32>
      %reduce_max3A_232 = arith.xori %reduce_max3A_231, %reduce_max3A_229 : vector<16xi32>
      %reduce_max3A_233 = vector.extract %reduce_max3A_232[15] : i32 from vector<16xi32>
      %add3A_234 = arith.addi %scan3A_203, %reduce_max3A_233 : i32
      scf.yield %add3A_234 : i32
    }
    %scan3A_85 = arith.constant 984 : i32
    %add3A_86 = arith.constant 0 : i32
    %add3A_87 = arith.addi %scan3A_84, %add3A_86 : i32
    %swap3A = arith.index_cast %add3A_87 : i32 to index
    %swap3A_88 = tpu.vector_load %arg16[%swap3A] {strides = array<i32>} : memref<16512xi32, #tpu.memory_space<vmem>>, vector<16xi32>,
    tpu.vector_store %arg16[%swap3A], %broadcast_in_dim3A_3 {strides = array<i32>} : memref<16512xi32, #tpu.memory_space<vmem>>, vector<16xi32>,
    %add3A_89 = arith.constant 16 : i32
    %add3A_90 = arith.addi %scan3A_84, %add3A_89 : i32
    %swap3A_91 = arith.index_cast %add3A_90 : i32 to index
    %swap3A_92 = tpu.vector_load %arg16[%swap3A_91] {strides = array<i32>} : memref<16512xi32, #tpu.memory_space<vmem>>, vector<16xi32>,
    tpu.vector_store %arg16[%swap3A_91], %broadcast_in_dim3A_3 {strides = array<i32>} : memref<16512xi32, #tpu.memory_space<vmem>>, vector<16xi32>,
    %add3A_93 = arith.constant 32 : i32
    %add3A_94 = arith.addi %scan3A_84, %add3A_93 : i32
    %swap3A_95 = arith.index_cast %add3A_94 : i32 to index
    %swap3A_96 = tpu.vector_load %arg16[%swap3A_95] {strides = array<i32>} : memref<16512xi32, #tpu.memory_space<vmem>>, vector<16xi32>,
    tpu.vector_store %arg16[%swap3A_95], %broadcast_in_dim3A_3 {strides = array<i32>} : memref<16512xi32, #tpu.memory_space<vmem>>, vector<16xi32>,
    %add3A_97 = arith.constant 48 : i32
    %add3A_98 = arith.addi %scan3A_84, %add3A_97 : i32
    %swap3A_99 = arith.index_cast %add3A_98 : i32 to index
    %swap3A_100 = tpu.vector_load %arg16[%swap3A_99] {strides = array<i32>} : memref<16512xi32, #tpu.memory_space<vmem>>, vector<16xi32>,
    tpu.vector_store %arg16[%swap3A_99], %broadcast_in_dim3A_3 {strides = array<i32>} : memref<16512xi32, #tpu.memory_space<vmem>>, vector<16xi32>,
    %add3A_101 = arith.constant 64 : i32
    %add3A_102 = arith.addi %scan3A_84, %add3A_101 : i32
    %swap3A_103 = arith.index_cast %add3A_102 : i32 to index
    %swap3A_104 = tpu.vector_load %arg16[%swap3A_103] {strides = array<i32>} : memref<16512xi32, #tpu.memory_space<vmem>>, vector<16xi32>,
    tpu.vector_store %arg16[%swap3A_103], %broadcast_in_dim3A_3 {strides = array<i32>} : memref<16512xi32, #tpu.memory_space<vmem>>, vector<16xi32>,
    %add3A_105 = arith.constant 80 : i32
    %add3A_106 = arith.addi %scan3A_84, %add3A_105 : i32
    %swap3A_107 = arith.index_cast %add3A_106 : i32 to index
    %swap3A_108 = tpu.vector_load %arg16[%swap3A_107] {strides = array<i32>} : memref<16512xi32, #tpu.memory_space<vmem>>, vector<16xi32>,
    tpu.vector_store %arg16[%swap3A_107], %broadcast_in_dim3A_3 {strides = array<i32>} : memref<16512xi32, #tpu.memory_space<vmem>>, vector<16xi32>,
    %add3A_109 = arith.constant 96 : i32
    %add3A_110 = arith.addi %scan3A_84, %add3A_109 : i32
    %swap3A_111 = arith.index_cast %add3A_110 : i32 to index
    %swap3A_112 = tpu.vector_load %arg16[%swap3A_111] {strides = array<i32>} : memref<16512xi32, #tpu.memory_space<vmem>>, vector<16xi32>,
    tpu.vector_store %arg16[%swap3A_111], %broadcast_in_dim3A_3 {strides = array<i32>} : memref<16512xi32, #tpu.memory_space<vmem>>, vector<16xi32>,
    %add3A_113 = arith.constant 112 : i32
    %add3A_114 = arith.addi %scan3A_84, %add3A_113 : i32
    %swap3A_115 = arith.index_cast %add3A_114 : i32 to index
    %swap3A_116 = tpu.vector_load %arg16[%swap3A_115] {strides = array<i32>} : memref<16512xi32, #tpu.memory_space<vmem>>, vector<16xi32>,
    tpu.vector_store %arg16[%swap3A_115], %broadcast_in_dim3A_3 {strides = array<i32>} : memref<16512xi32, #tpu.memory_space<vmem>>, vector<16xi32>,
    %add3A_117 = arith.constant 128 : i32
    %add3A_118 = arith.addi %scan3A_84, %add3A_117 : i32
    %sub3A_119 = arith.constant 1 : i32
    %sub3A_120 = arith.subi %add3A_118, %sub3A_119 : i32
    %jit3A_121 = arith.constant 128 : i32
    %div3A_122 = arith.divsi %sub3A_120, %jit3A_121 : i32
    %sign3A_123 = arith.constant 0 : i32
    %sign3A_124 = arith.cmpi sgt, %sub3A_120, %sign3A_123 : i32
    %sign3A_125 = arith.extui %sign3A_124 : i1 to i32
    %sign3A_126 = arith.constant 0 : i32
    %sign3A_127 = arith.cmpi slt, %sub3A_120, %sign3A_126 : i32
    %sign3A_128 = arith.extui %sign3A_127 : i1 to i32
    %sign3A_129 = arith.subi %sign3A_125, %sign3A_128 : i32
    %sign3A_130 = arith.constant 0 : i32
    %sign3A_131 = arith.cmpi sgt, %jit3A_121, %sign3A_130 : i32
    %sign3A_132 = arith.extui %sign3A_131 : i1 to i32
    %sign3A_133 = arith.constant 0 : i32
    %sign3A_134 = arith.cmpi slt, %jit3A_121, %sign3A_133 : i32
    %sign3A_135 = arith.extui %sign3A_134 : i1 to i32
    %sign3A_136 = arith.subi %sign3A_132, %sign3A_135 : i32
    %ne3A_137 = arith.cmpi ne, %sign3A_129, %sign3A_136 : i32
    %rem3A_138 = arith.remsi %sub3A_120, %jit3A_121 : i32
    %ne3A_139 = arith.constant 0 : i32
    %ne3A_140 = arith.cmpi ne, %rem3A_138, %ne3A_139 : i32
    %and3A_141 = arith.andi %ne3A_137, %ne3A_140 : i1
    %sub3A_142 = arith.constant 1 : i32
    %sub3A_143 = arith.subi %div3A_122, %sub3A_142 : i32
    %select_n3A_144 = arith.select %and3A_141, %sub3A_143, %div3A_122 : i32
    %min3A_145 = arith.constant 2 : i32
    %min3A_146 = arith.minsi %min3A_145, %select_n3A_144 : i32
    %sub3A_147 = arith.constant 0 : i32
    %sub3A_148 = arith.subi %min3A_146, %sub3A_147 : i32
    %max3A = arith.constant 0 : i32
    %max3A_149 = arith.maxsi %sub3A_148, %max3A : i32
    %while3A_150 = arith.constant 0 : i32
    %while3A_151 = arith.constant 0 : i32
    %while3A_152 = arith.constant 0 : i32
    %while3A_153 = arith.subi %max3A_149, %while3A_151 : i32
    %while3A_154 = arith.addi %while3A_151, %while3A_153 : i32
    %while3A_155 = arith.constant 1 : i32
    %while3A_156 = arith.divsi %while3A_153, %while3A_155 : i32
    %while3A_157 = arith.muli %while3A_156, %while3A_155 : i32
    %while3A_158 = arith.addi %while3A_151, %while3A_157 : i32
    %while3A_159 = arith.constant 1 : i32
    %while3A_160 = scf.for %while3A_202 = %while3A_151 to %while3A_158 step %while3A_159 iter_args(%while3A_203 = %while3A_152) -> (i32)  : i32 {
      %add3A_204 = arith.addi %while3A_150, %while3A_202 : i32
      %mul3A_205 = arith.constant 128 : i32
      %mul3A_206 = arith.muli %add3A_204, %mul3A_205 : i32
      %and3A_207 = arith.constant 1 : i32
      %and3A_208 = arith.andi %add3A_204, %and3A_207 : i32
      %mul3A_209 = arith.constant 128 : i32
      %mul3A_210 = arith.muli %and3A_208, %mul3A_209 : i32
      %and3A_211 = arith.constant 1 : i32
      %and3A_212 = arith.andi %add3A_204, %and3A_211 : i32
      %dma_start3A = arith.constant 0 : i32
      %dma_start3A_213 = tpu.memref_slice %arg18[%mul3A_210, %dma_start3A] : memref<256x128xf32, #tpu.memory_space<vmem>> -> memref<128x128xf32, #tpu.memory_space<vmem>>
      %dma_start3A_214 = tpu.memref_slice %arg16[%mul3A_206] : memref<16512xi32, #tpu.memory_space<vmem>> -> memref<128xi32, #tpu.memory_space<vmem>>
      %dma_start3A_215 = arith.constant 0 : i32
      %dma_start3A_216 = arith.constant 0 : i32
      %dma_start3A_217 = tpu.memref_slice %arg4[%dma_start3A_215, %dma_start3A_216] : memref<8192x128xf32, #tpu.memory_space<hbm>> -> memref<8192x128xf32, #tpu.memory_space<hbm>>
      %dma_start3A_218 = tpu.memref_slice %arg11[%and3A_212] : memref<2x!tpu.dma_semaphore, #tpu.memory_space<semaphore_mem>> -> memref<1x!tpu.dma_semaphore, #tpu.memory_space<semaphore_mem>>
      %dma_start3A_219 = tpu.memref_squeeze %dma_start3A_218 : memref<1x!tpu.dma_semaphore, #tpu.memory_space<semaphore_mem>> -> memref<!tpu.dma_semaphore, #tpu.memory_space<semaphore_mem>>
      tpu.enqueue_indirect_dma source(%dma_start3A_217 : memref<8192x128xf32, #tpu.memory_space<hbm>>) target(%dma_start3A_213 : memref<128x128xf32, #tpu.memory_space<vmem>>) offsets(%dma_start3A_214 : memref<128xi32, #tpu.memory_space<vmem>>) semaphore(%dma_start3A_219 : memref<!tpu.dma_semaphore, #tpu.memory_space<semaphore_mem>>)
      %while3A_220 = arith.constant 0 : i32
      scf.yield %while3A_220 : i32
    }
    %while3A_161 = arith.constant 1 : i32
    %while3A_162 = scf.for %while3A_202 = %while3A_158 to %while3A_154 step %while3A_161 iter_args(%while3A_203 = %while3A_160) -> (i32)  : i32 {
      %add3A_204 = arith.addi %while3A_150, %while3A_202 : i32
      %mul3A_205 = arith.constant 128 : i32
      %mul3A_206 = arith.muli %add3A_204, %mul3A_205 : i32
      %and3A_207 = arith.constant 1 : i32
      %and3A_208 = arith.andi %add3A_204, %and3A_207 : i32
      %mul3A_209 = arith.constant 128 : i32
      %mul3A_210 = arith.muli %and3A_208, %mul3A_209 : i32
      %and3A_211 = arith.constant 1 : i32
      %and3A_212 = arith.andi %add3A_204, %and3A_211 : i32
      %dma_start3A = arith.constant 0 : i32
      %dma_start3A_213 = tpu.memref_slice %arg18[%mul3A_210, %dma_start3A] : memref<256x128xf32, #tpu.memory_space<vmem>> -> memref<128x128xf32, #tpu.memory_space<vmem>>
      %dma_start3A_214 = tpu.memref_slice %arg16[%mul3A_206] : memref<16512xi32, #tpu.memory_space<vmem>> -> memref<128xi32, #tpu.memory_space<vmem>>
      %dma_start3A_215 = arith.constant 0 : i32
      %dma_start3A_216 = arith.constant 0 : i32
      %dma_start3A_217 = tpu.memref_slice %arg4[%dma_start3A_215, %dma_start3A_216] : memref<8192x128xf32, #tpu.memory_space<hbm>> -> memref<8192x128xf32, #tpu.memory_space<hbm>>
      %dma_start3A_218 = tpu.memref_slice %arg11[%and3A_212] : memref<2x!tpu.dma_semaphore, #tpu.memory_space<semaphore_mem>> -> memref<1x!tpu.dma_semaphore, #tpu.memory_space<semaphore_mem>>
      %dma_start3A_219 = tpu.memref_squeeze %dma_start3A_218 : memref<1x!tpu.dma_semaphore, #tpu.memory_space<semaphore_mem>> -> memref<!tpu.dma_semaphore, #tpu.memory_space<semaphore_mem>>
      tpu.enqueue_indirect_dma source(%dma_start3A_217 : memref<8192x128xf32, #tpu.memory_space<hbm>>) target(%dma_start3A_213 : memref<128x128xf32, #tpu.memory_space<vmem>>) offsets(%dma_start3A_214 : memref<128xi32, #tpu.memory_space<vmem>>) semaphore(%dma_start3A_219 : memref<!tpu.dma_semaphore, #tpu.memory_space<semaphore_mem>>)
      %while3A_220 = arith.constant 0 : i32
      scf.yield %while3A_220 : i32
    }
    %max3A_163 = arith.constant 0 : i32
    %max3A_164 = arith.maxsi %max3A_163, %min3A_146 : i32
    %while3A_165 = arith.constant 0 : i32
    %while3A_166 = arith.constant 0 : i32
    %while3A_167 = arith.constant 0 : i32
    %while3A_168 = arith.constant 0 : i32
    %while3A_169 = arith.subi %min3A_13, %while3A_165 : i32
    %while3A_170 = arith.addi %while3A_165, %while3A_169 : i32
    %while3A_171 = arith.constant 1 : i32
    %while3A_172 = arith.divsi %while3A_169, %while3A_171 : i32
    %while3A_173 = arith.muli %while3A_172, %while3A_171 : i32
    %while3A_174 = arith.addi %while3A_165, %while3A_173 : i32
    %while3A_175 = arith.constant 1 : i32
    %while3A_176:4 = scf.for %while3A_202 = %while3A_165 to %while3A_174 step %while3A_175 iter_args(%while3A_203 = %while3A_166, %while3A_204 = %max3A_164, %while3A_205 = %while3A_167, %while3A_206 = %while3A_168) -> (i32, i32, i32, i32)  : i32 {
      %mul3A_207 = arith.constant 128 : i32
      %mul3A_208 = arith.muli %while3A_202, %mul3A_207 : i32
      %add3A_209 = arith.constant 0 : i32
      %add3A_210 = arith.addi %mul3A_208, %add3A_209 : i32
      %get3A = arith.index_cast %add3A_210 : i32 to index
      %get3A_211 = tpu.vector_load %arg10[%get3A] {strides = array<i32>} : memref<15744xi32, #tpu.memory_space<vmem>>, vector<16xi32>,
      %gt3A_212 = arith.cmpi sgt, %get3A_211, %broadcast_in_dim3A_3 : vector<16xi32>
      %convert_element_type3A_213 = arith.extui %gt3A_212 : vector<16xi1> to vector<16xi32>
      %broadcast_in_dim3A_214 = arith.constant true
      %broadcast_in_dim3A_215 = vector.broadcast %broadcast_in_dim3A_214 : i1 to vector<16xi1>
      %masked_cumsum3A = tpu.scan <sum>, %convert_element_type3A_213 masked %broadcast_in_dim3A_215 : vector<16xi32>, vector<16xi1> -> vector<16xi32>
      %broadcast_in_dim3A_216 = arith.constant 0 : i32
      %broadcast_in_dim3A_217 = vector.broadcast %broadcast_in_dim3A_216 : i32 to vector<16xi32>
      %add3A_218 = arith.addi %broadcast_in_dim3A_217, %masked_cumsum3A : vector<16xi32>
      %sub3A_219 = arith.constant 1 : i32
      %sub3A_220 = vector.broadcast %sub3A_219 : i32 to vector<16xi32>
      %sub3A_221 = arith.subi %add3A_218, %sub3A_220 : vector<16xi32>
      %add3A_222 = arith.constant 0 : i32
      %add3A_223 = vector.broadcast %add3A_222 : i32 to vector<16xi32>
      %add3A_224 = arith.addi %add3A_223, %iota3A : vector<16xi32>
      tpu.vector_store_idx %arg9[%sub3A_221], %add3A_224 masked %gt3A_212 : memref<128xi32, #tpu.memory_space<vmem>>[vector<16xi32>], vector<16xi32>, vector<16xi1>
      %reduce_max3A = arith.constant true
      %reduce_max3A_225 = vector.broadcast %reduce_max3A : i1 to vector<16xi1>
      %reduce_max3A_226 = arith.constant -2147483648 : i32
      %reduce_max3A_227 = vector.broadcast %reduce_max3A_226 : i32 to vector<16xi32>
      %reduce_max3A_228 = arith.xori %masked_cumsum3A, %reduce_max3A_227 : vector<16xi32>
      %reduce_max3A_229 = tpu.scan <max>, %reduce_max3A_228 masked %reduce_max3A_225 : vector<16xi32>, vector<16xi1> -> vector<16xi32>
      %reduce_max3A_230 = arith.xori %reduce_max3A_229, %reduce_max3A_227 : vector<16xi32>
      %reduce_max3A_231 = vector.extract %reduce_max3A_230[15] : i32 from vector<16xi32>
      %add3A_232 = arith.constant 0 : i32
      %add3A_233 = arith.addi %add3A_232, %reduce_max3A_231 : i32
      %add3A_234 = arith.constant 16 : i32
      %add3A_235 = arith.addi %mul3A_208, %add3A_234 : i32
      %get3A_236 = arith.index_cast %add3A_235 : i32 to index
      %get3A_237 = tpu.vector_load %arg10[%get3A_236] {strides = array<i32>} : memref<15744xi32, #tpu.memory_space<vmem>>, vector<16xi32>,
      %gt3A_238 = arith.cmpi sgt, %get3A_237, %broadcast_in_dim3A_3 : vector<16xi32>
      %convert_element_type3A_239 = arith.extui %gt3A_238 : vector<16xi1> to vector<16xi32>
      %broadcast_in_dim3A_240 = arith.constant true
      %broadcast_in_dim3A_241 = vector.broadcast %broadcast_in_dim3A_240 : i1 to vector<16xi1>
      %masked_cumsum3A_242 = tpu.scan <sum>, %convert_element_type3A_239 masked %broadcast_in_dim3A_241 : vector<16xi32>, vector<16xi1> -> vector<16xi32>
      %broadcast_in_dim3A_243 = vector.broadcast %add3A_233 : i32 to vector<16xi32>
      %add3A_244 = arith.addi %broadcast_in_dim3A_243, %masked_cumsum3A_242 : vector<16xi32>
      %sub3A_245 = arith.constant 1 : i32
      %sub3A_246 = vector.broadcast %sub3A_245 : i32 to vector<16xi32>
      %sub3A_247 = arith.subi %add3A_244, %sub3A_246 : vector<16xi32>
      %add3A_248 = arith.constant 16 : i32
      %add3A_249 = vector.broadcast %add3A_248 : i32 to vector<16xi32>
      %add3A_250 = arith.addi %add3A_249, %iota3A : vector<16xi32>
      tpu.vector_store_idx %arg9[%sub3A_247], %add3A_250 masked %gt3A_238 : memref<128xi32, #tpu.memory_space<vmem>>[vector<16xi32>], vector<16xi32>, vector<16xi1>
      %reduce_max3A_251 = arith.constant true
      %reduce_max3A_252 = vector.broadcast %reduce_max3A_251 : i1 to vector<16xi1>
      %reduce_max3A_253 = arith.constant -2147483648 : i32
      %reduce_max3A_254 = vector.broadcast %reduce_max3A_253 : i32 to vector<16xi32>
      %reduce_max3A_255 = arith.xori %masked_cumsum3A_242, %reduce_max3A_254 : vector<16xi32>
      %reduce_max3A_256 = tpu.scan <max>, %reduce_max3A_255 masked %reduce_max3A_252 : vector<16xi32>, vector<16xi1> -> vector<16xi32>
      %reduce_max3A_257 = arith.xori %reduce_max3A_256, %reduce_max3A_254 : vector<16xi32>
      %reduce_max3A_258 = vector.extract %reduce_max3A_257[15] : i32 from vector<16xi32>
      %add3A_259 = arith.addi %add3A_233, %reduce_max3A_258 : i32
      %add3A_260 = arith.constant 32 : i32
      %add3A_261 = arith.addi %mul3A_208, %add3A_260 : i32
      %get3A_262 = arith.index_cast %add3A_261 : i32 to index
      %get3A_263 = tpu.vector_load %arg10[%get3A_262] {strides = array<i32>} : memref<15744xi32, #tpu.memory_space<vmem>>, vector<16xi32>,
      %gt3A_264 = arith.cmpi sgt, %get3A_263, %broadcast_in_dim3A_3 : vector<16xi32>
      %convert_element_type3A_265 = arith.extui %gt3A_264 : vector<16xi1> to vector<16xi32>
      %broadcast_in_dim3A_266 = arith.constant true
      %broadcast_in_dim3A_267 = vector.broadcast %broadcast_in_dim3A_266 : i1 to vector<16xi1>
      %masked_cumsum3A_268 = tpu.scan <sum>, %convert_element_type3A_265 masked %broadcast_in_dim3A_267 : vector<16xi32>, vector<16xi1> -> vector<16xi32>
      %broadcast_in_dim3A_269 = vector.broadcast %add3A_259 : i32 to vector<16xi32>
      %add3A_270 = arith.addi %broadcast_in_dim3A_269, %masked_cumsum3A_268 : vector<16xi32>
      %sub3A_271 = arith.constant 1 : i32
      %sub3A_272 = vector.broadcast %sub3A_271 : i32 to vector<16xi32>
      %sub3A_273 = arith.subi %add3A_270, %sub3A_272 : vector<16xi32>
      %add3A_274 = arith.constant 32 : i32
      %add3A_275 = vector.broadcast %add3A_274 : i32 to vector<16xi32>
      %add3A_276 = arith.addi %add3A_275, %iota3A : vector<16xi32>
      tpu.vector_store_idx %arg9[%sub3A_273], %add3A_276 masked %gt3A_264 : memref<128xi32, #tpu.memory_space<vmem>>[vector<16xi32>], vector<16xi32>, vector<16xi1>
      %reduce_max3A_277 = arith.constant true
      %reduce_max3A_278 = vector.broadcast %reduce_max3A_277 : i1 to vector<16xi1>
      %reduce_max3A_279 = arith.constant -2147483648 : i32
      %reduce_max3A_280 = vector.broadcast %reduce_max3A_279 : i32 to vector<16xi32>
      %reduce_max3A_281 = arith.xori %masked_cumsum3A_268, %reduce_max3A_280 : vector<16xi32>
      %reduce_max3A_282 = tpu.scan <max>, %reduce_max3A_281 masked %reduce_max3A_278 : vector<16xi32>, vector<16xi1> -> vector<16xi32>
      %reduce_max3A_283 = arith.xori %reduce_max3A_282, %reduce_max3A_280 : vector<16xi32>
      %reduce_max3A_284 = vector.extract %reduce_max3A_283[15] : i32 from vector<16xi32>
      %add3A_285 = arith.addi %add3A_259, %reduce_max3A_284 : i32
      %add3A_286 = arith.constant 48 : i32
      %add3A_287 = arith.addi %mul3A_208, %add3A_286 : i32
      %get3A_288 = arith.index_cast %add3A_287 : i32 to index
      %get3A_289 = tpu.vector_load %arg10[%get3A_288] {strides = array<i32>} : memref<15744xi32, #tpu.memory_space<vmem>>, vector<16xi32>,
      %gt3A_290 = arith.cmpi sgt, %get3A_289, %broadcast_in_dim3A_3 : vector<16xi32>
      %convert_element_type3A_291 = arith.extui %gt3A_290 : vector<16xi1> to vector<16xi32>
      %broadcast_in_dim3A_292 = arith.constant true
      %broadcast_in_dim3A_293 = vector.broadcast %broadcast_in_dim3A_292 : i1 to vector<16xi1>
      %masked_cumsum3A_294 = tpu.scan <sum>, %convert_element_type3A_291 masked %broadcast_in_dim3A_293 : vector<16xi32>, vector<16xi1> -> vector<16xi32>
      %broadcast_in_dim3A_295 = vector.broadcast %add3A_285 : i32 to vector<16xi32>
      %add3A_296 = arith.addi %broadcast_in_dim3A_295, %masked_cumsum3A_294 : vector<16xi32>
      %sub3A_297 = arith.constant 1 : i32
      %sub3A_298 = vector.broadcast %sub3A_297 : i32 to vector<16xi32>
      %sub3A_299 = arith.subi %add3A_296, %sub3A_298 : vector<16xi32>
      %add3A_300 = arith.constant 48 : i32
      %add3A_301 = vector.broadcast %add3A_300 : i32 to vector<16xi32>
      %add3A_302 = arith.addi %add3A_301, %iota3A : vector<16xi32>
      tpu.vector_store_idx %arg9[%sub3A_299], %add3A_302 masked %gt3A_290 : memref<128xi32, #tpu.memory_space<vmem>>[vector<16xi32>], vector<16xi32>, vector<16xi1>
      %reduce_max3A_303 = arith.constant true
      %reduce_max3A_304 = vector.broadcast %reduce_max3A_303 : i1 to vector<16xi1>
      %reduce_max3A_305 = arith.constant -2147483648 : i32
      %reduce_max3A_306 = vector.broadcast %reduce_max3A_305 : i32 to vector<16xi32>
      %reduce_max3A_307 = arith.xori %masked_cumsum3A_294, %reduce_max3A_306 : vector<16xi32>
      %reduce_max3A_308 = tpu.scan <max>, %reduce_max3A_307 masked %reduce_max3A_304 : vector<16xi32>, vector<16xi1> -> vector<16xi32>
      %reduce_max3A_309 = arith.xori %reduce_max3A_308, %reduce_max3A_306 : vector<16xi32>
      %reduce_max3A_310 = vector.extract %reduce_max3A_309[15] : i32 from vector<16xi32>
      %add3A_311 = arith.addi %add3A_285, %reduce_max3A_310 : i32
      %add3A_312 = arith.constant 64 : i32
      %add3A_313 = arith.addi %mul3A_208, %add3A_312 : i32
      %get3A_314 = arith.index_cast %add3A_313 : i32 to index
      %get3A_315 = tpu.vector_load %arg10[%get3A_314] {strides = array<i32>} : memref<15744xi32, #tpu.memory_space<vmem>>, vector<16xi32>,
      %gt3A_316 = arith.cmpi sgt, %get3A_315, %broadcast_in_dim3A_3 : vector<16xi32>
      %convert_element_type3A_317 = arith.extui %gt3A_316 : vector<16xi1> to vector<16xi32>
      %broadcast_in_dim3A_318 = arith.constant true
      %broadcast_in_dim3A_319 = vector.broadcast %broadcast_in_dim3A_318 : i1 to vector<16xi1>
      %masked_cumsum3A_320 = tpu.scan <sum>, %convert_element_type3A_317 masked %broadcast_in_dim3A_319 : vector<16xi32>, vector<16xi1> -> vector<16xi32>
      %broadcast_in_dim3A_321 = vector.broadcast %add3A_311 : i32 to vector<16xi32>
      %add3A_322 = arith.addi %broadcast_in_dim3A_321, %masked_cumsum3A_320 : vector<16xi32>
      %sub3A_323 = arith.constant 1 : i32
      %sub3A_324 = vector.broadcast %sub3A_323 : i32 to vector<16xi32>
      %sub3A_325 = arith.subi %add3A_322, %sub3A_324 : vector<16xi32>
      %add3A_326 = arith.constant 64 : i32
      %add3A_327 = vector.broadcast %add3A_326 : i32 to vector<16xi32>
      %add3A_328 = arith.addi %add3A_327, %iota3A : vector<16xi32>
      tpu.vector_store_idx %arg9[%sub3A_325], %add3A_328 masked %gt3A_316 : memref<128xi32, #tpu.memory_space<vmem>>[vector<16xi32>], vector<16xi32>, vector<16xi1>
      %reduce_max3A_329 = arith.constant true
      %reduce_max3A_330 = vector.broadcast %reduce_max3A_329 : i1 to vector<16xi1>
      %reduce_max3A_331 = arith.constant -2147483648 : i32
      %reduce_max3A_332 = vector.broadcast %reduce_max3A_331 : i32 to vector<16xi32>
      %reduce_max3A_333 = arith.xori %masked_cumsum3A_320, %reduce_max3A_332 : vector<16xi32>
      %reduce_max3A_334 = tpu.scan <max>, %reduce_max3A_333 masked %reduce_max3A_330 : vector<16xi32>, vector<16xi1> -> vector<16xi32>
      %reduce_max3A_335 = arith.xori %reduce_max3A_334, %reduce_max3A_332 : vector<16xi32>
      %reduce_max3A_336 = vector.extract %reduce_max3A_335[15] : i32 from vector<16xi32>
      %add3A_337 = arith.addi %add3A_311, %reduce_max3A_336 : i32
      %add3A_338 = arith.constant 80 : i32
      %add3A_339 = arith.addi %mul3A_208, %add3A_338 : i32
      %get3A_340 = arith.index_cast %add3A_339 : i32 to index
      %get3A_341 = tpu.vector_load %arg10[%get3A_340] {strides = array<i32>} : memref<15744xi32, #tpu.memory_space<vmem>>, vector<16xi32>,
      %gt3A_342 = arith.cmpi sgt, %get3A_341, %broadcast_in_dim3A_3 : vector<16xi32>
      %convert_element_type3A_343 = arith.extui %gt3A_342 : vector<16xi1> to vector<16xi32>
      %broadcast_in_dim3A_344 = arith.constant true
      %broadcast_in_dim3A_345 = vector.broadcast %broadcast_in_dim3A_344 : i1 to vector<16xi1>
      %masked_cumsum3A_346 = tpu.scan <sum>, %convert_element_type3A_343 masked %broadcast_in_dim3A_345 : vector<16xi32>, vector<16xi1> -> vector<16xi32>
      %broadcast_in_dim3A_347 = vector.broadcast %add3A_337 : i32 to vector<16xi32>
      %add3A_348 = arith.addi %broadcast_in_dim3A_347, %masked_cumsum3A_346 : vector<16xi32>
      %sub3A_349 = arith.constant 1 : i32
      %sub3A_350 = vector.broadcast %sub3A_349 : i32 to vector<16xi32>
      %sub3A_351 = arith.subi %add3A_348, %sub3A_350 : vector<16xi32>
      %add3A_352 = arith.constant 80 : i32
      %add3A_353 = vector.broadcast %add3A_352 : i32 to vector<16xi32>
      %add3A_354 = arith.addi %add3A_353, %iota3A : vector<16xi32>
      tpu.vector_store_idx %arg9[%sub3A_351], %add3A_354 masked %gt3A_342 : memref<128xi32, #tpu.memory_space<vmem>>[vector<16xi32>], vector<16xi32>, vector<16xi1>
      %reduce_max3A_355 = arith.constant true
      %reduce_max3A_356 = vector.broadcast %reduce_max3A_355 : i1 to vector<16xi1>
      %reduce_max3A_357 = arith.constant -2147483648 : i32
      %reduce_max3A_358 = vector.broadcast %reduce_max3A_357 : i32 to vector<16xi32>
      %reduce_max3A_359 = arith.xori %masked_cumsum3A_346, %reduce_max3A_358 : vector<16xi32>
      %reduce_max3A_360 = tpu.scan <max>, %reduce_max3A_359 masked %reduce_max3A_356 : vector<16xi32>, vector<16xi1> -> vector<16xi32>
      %reduce_max3A_361 = arith.xori %reduce_max3A_360, %reduce_max3A_358 : vector<16xi32>
      %reduce_max3A_362 = vector.extract %reduce_max3A_361[15] : i32 from vector<16xi32>
      %add3A_363 = arith.addi %add3A_337, %reduce_max3A_362 : i32
      %add3A_364 = arith.constant 96 : i32
      %add3A_365 = arith.addi %mul3A_208, %add3A_364 : i32
      %get3A_366 = arith.index_cast %add3A_365 : i32 to index
      %get3A_367 = tpu.vector_load %arg10[%get3A_366] {strides = array<i32>} : memref<15744xi32, #tpu.memory_space<vmem>>, vector<16xi32>,
      %gt3A_368 = arith.cmpi sgt, %get3A_367, %broadcast_in_dim3A_3 : vector<16xi32>
      %convert_element_type3A_369 = arith.extui %gt3A_368 : vector<16xi1> to vector<16xi32>
      %broadcast_in_dim3A_370 = arith.constant true
      %broadcast_in_dim3A_371 = vector.broadcast %broadcast_in_dim3A_370 : i1 to vector<16xi1>
      %masked_cumsum3A_372 = tpu.scan <sum>, %convert_element_type3A_369 masked %broadcast_in_dim3A_371 : vector<16xi32>, vector<16xi1> -> vector<16xi32>
      %broadcast_in_dim3A_373 = vector.broadcast %add3A_363 : i32 to vector<16xi32>
      %add3A_374 = arith.addi %broadcast_in_dim3A_373, %masked_cumsum3A_372 : vector<16xi32>
      %sub3A_375 = arith.constant 1 : i32
      %sub3A_376 = vector.broadcast %sub3A_375 : i32 to vector<16xi32>
      %sub3A_377 = arith.subi %add3A_374, %sub3A_376 : vector<16xi32>
      %add3A_378 = arith.constant 96 : i32
      %add3A_379 = vector.broadcast %add3A_378 : i32 to vector<16xi32>
      %add3A_380 = arith.addi %add3A_379, %iota3A : vector<16xi32>
      tpu.vector_store_idx %arg9[%sub3A_377], %add3A_380 masked %gt3A_368 : memref<128xi32, #tpu.memory_space<vmem>>[vector<16xi32>], vector<16xi32>, vector<16xi1>
      %reduce_max3A_381 = arith.constant true
      %reduce_max3A_382 = vector.broadcast %reduce_max3A_381 : i1 to vector<16xi1>
      %reduce_max3A_383 = arith.constant -2147483648 : i32
      %reduce_max3A_384 = vector.broadcast %reduce_max3A_383 : i32 to vector<16xi32>
      %reduce_max3A_385 = arith.xori %masked_cumsum3A_372, %reduce_max3A_384 : vector<16xi32>
      %reduce_max3A_386 = tpu.scan <max>, %reduce_max3A_385 masked %reduce_max3A_382 : vector<16xi32>, vector<16xi1> -> vector<16xi32>
      %reduce_max3A_387 = arith.xori %reduce_max3A_386, %reduce_max3A_384 : vector<16xi32>
      %reduce_max3A_388 = vector.extract %reduce_max3A_387[15] : i32 from vector<16xi32>
      %add3A_389 = arith.addi %add3A_363, %reduce_max3A_388 : i32
      %add3A_390 = arith.constant 112 : i32
      %add3A_391 = arith.addi %mul3A_208, %add3A_390 : i32
      %get3A_392 = arith.index_cast %add3A_391 : i32 to index
      %get3A_393 = tpu.vector_load %arg10[%get3A_392] {strides = array<i32>} : memref<15744xi32, #tpu.memory_space<vmem>>, vector<16xi32>,
      %gt3A_394 = arith.cmpi sgt, %get3A_393, %broadcast_in_dim3A_3 : vector<16xi32>
      %convert_element_type3A_395 = arith.extui %gt3A_394 : vector<16xi1> to vector<16xi32>
      %broadcast_in_dim3A_396 = arith.constant true
      %broadcast_in_dim3A_397 = vector.broadcast %broadcast_in_dim3A_396 : i1 to vector<16xi1>
      %masked_cumsum3A_398 = tpu.scan <sum>, %convert_element_type3A_395 masked %broadcast_in_dim3A_397 : vector<16xi32>, vector<16xi1> -> vector<16xi32>
      %broadcast_in_dim3A_399 = vector.broadcast %add3A_389 : i32 to vector<16xi32>
      %add3A_400 = arith.addi %broadcast_in_dim3A_399, %masked_cumsum3A_398 : vector<16xi32>
      %sub3A_401 = arith.constant 1 : i32
      %sub3A_402 = vector.broadcast %sub3A_401 : i32 to vector<16xi32>
      %sub3A_403 = arith.subi %add3A_400, %sub3A_402 : vector<16xi32>
      %add3A_404 = arith.constant 112 : i32
      %add3A_405 = vector.broadcast %add3A_404 : i32 to vector<16xi32>
      %add3A_406 = arith.addi %add3A_405, %iota3A : vector<16xi32>
      tpu.vector_store_idx %arg9[%sub3A_403], %add3A_406 masked %gt3A_394 : memref<128xi32, #tpu.memory_space<vmem>>[vector<16xi32>], vector<16xi32>, vector<16xi1>
      %reduce_max3A_407 = arith.constant true
      %reduce_max3A_408 = vector.broadcast %reduce_max3A_407 : i1 to vector<16xi1>
      %reduce_max3A_409 = arith.constant -2147483648 : i32
      %reduce_max3A_410 = vector.broadcast %reduce_max3A_409 : i32 to vector<16xi32>
      %reduce_max3A_411 = arith.xori %masked_cumsum3A_398, %reduce_max3A_410 : vector<16xi32>
      %reduce_max3A_412 = tpu.scan <max>, %reduce_max3A_411 masked %reduce_max3A_408 : vector<16xi32>, vector<16xi1> -> vector<16xi32>
      %reduce_max3A_413 = arith.xori %reduce_max3A_412, %reduce_max3A_410 : vector<16xi32>
      %reduce_max3A_414 = vector.extract %reduce_max3A_413[15] : i32 from vector<16xi32>
      %add3A_415 = arith.addi %add3A_389, %reduce_max3A_414 : i32
      %jit3A_416 = arith.constant 128 : i32
      %div3A_417 = arith.divsi %while3A_203, %jit3A_416 : i32
      %sign3A_418 = arith.constant 0 : i32
      %sign3A_419 = arith.cmpi sgt, %while3A_203, %sign3A_418 : i32
      %sign3A_420 = arith.extui %sign3A_419 : i1 to i32
      %sign3A_421 = arith.constant 0 : i32
      %sign3A_422 = arith.cmpi slt, %while3A_203, %sign3A_421 : i32
      %sign3A_423 = arith.extui %sign3A_422 : i1 to i32
      %sign3A_424 = arith.subi %sign3A_420, %sign3A_423 : i32
      %sign3A_425 = arith.constant 0 : i32
      %sign3A_426 = arith.cmpi sgt, %jit3A_416, %sign3A_425 : i32
      %sign3A_427 = arith.extui %sign3A_426 : i1 to i32
      %sign3A_428 = arith.constant 0 : i32
      %sign3A_429 = arith.cmpi slt, %jit3A_416, %sign3A_428 : i32
      %sign3A_430 = arith.extui %sign3A_429 : i1 to i32
      %sign3A_431 = arith.subi %sign3A_427, %sign3A_430 : i32
      %ne3A_432 = arith.cmpi ne, %sign3A_424, %sign3A_431 : i32
      %rem3A_433 = arith.remsi %while3A_203, %jit3A_416 : i32
      %ne3A_434 = arith.constant 0 : i32
      %ne3A_435 = arith.cmpi ne, %rem3A_433, %ne3A_434 : i32
      %and3A_436 = arith.andi %ne3A_432, %ne3A_435 : i1
      %sub3A_437 = arith.constant 1 : i32
      %sub3A_438 = arith.subi %div3A_417, %sub3A_437 : i32
      %select_n3A_439 = arith.select %and3A_436, %sub3A_438, %div3A_417 : i32
      %add3A_440 = arith.constant 2 : i32
      %add3A_441 = arith.addi %select_n3A_439, %add3A_440 : i32
      %min3A_442 = arith.minsi %add3A_441, %select_n3A_144 : i32
      %sub3A_443 = arith.subi %min3A_442, %while3A_204 : i32
      %max3A_444 = arith.constant 0 : i32
      %max3A_445 = arith.maxsi %sub3A_443, %max3A_444 : i32
      %while3A_446 = arith.constant 0 : i32
      %while3A_447 = arith.constant 0 : i32
      %while3A_448 = arith.subi %max3A_445, %while3A_446 : i32
      %while3A_449 = arith.addi %while3A_446, %while3A_448 : i32
      %while3A_450 = arith.constant 1 : i32
      %while3A_451 = arith.divsi %while3A_448, %while3A_450 : i32
      %while3A_452 = arith.muli %while3A_451, %while3A_450 : i32
      %while3A_453 = arith.addi %while3A_446, %while3A_452 : i32
      %while3A_454 = arith.constant 1 : i32
      %while3A_455 = scf.for %while3A_569 = %while3A_446 to %while3A_453 step %while3A_454 iter_args(%while3A_570 = %while3A_447) -> (i32)  : i32 {
        %add3A_571 = arith.addi %while3A_204, %while3A_569 : i32
        %mul3A_572 = arith.constant 128 : i32
        %mul3A_573 = arith.muli %add3A_571, %mul3A_572 : i32
        %and3A_574 = arith.constant 1 : i32
        %and3A_575 = arith.andi %add3A_571, %and3A_574 : i32
        %mul3A_576 = arith.constant 128 : i32
        %mul3A_577 = arith.muli %and3A_575, %mul3A_576 : i32
        %and3A_578 = arith.constant 1 : i32
        %and3A_579 = arith.andi %add3A_571, %and3A_578 : i32
        %dma_start3A_580 = arith.constant 0 : i32
        %dma_start3A_581 = tpu.memref_slice %arg18[%mul3A_577, %dma_start3A_580] : memref<256x128xf32, #tpu.memory_space<vmem>> -> memref<128x128xf32, #tpu.memory_space<vmem>>
        %dma_start3A_582 = tpu.memref_slice %arg16[%mul3A_573] : memref<16512xi32, #tpu.memory_space<vmem>> -> memref<128xi32, #tpu.memory_space<vmem>>
        %dma_start3A_583 = arith.constant 0 : i32
        %dma_start3A_584 = arith.constant 0 : i32
        %dma_start3A_585 = tpu.memref_slice %arg4[%dma_start3A_583, %dma_start3A_584] : memref<8192x128xf32, #tpu.memory_space<hbm>> -> memref<8192x128xf32, #tpu.memory_space<hbm>>
        %dma_start3A_586 = tpu.memref_slice %arg11[%and3A_579] : memref<2x!tpu.dma_semaphore, #tpu.memory_space<semaphore_mem>> -> memref<1x!tpu.dma_semaphore, #tpu.memory_space<semaphore_mem>>
        %dma_start3A_587 = tpu.memref_squeeze %dma_start3A_586 : memref<1x!tpu.dma_semaphore, #tpu.memory_space<semaphore_mem>> -> memref<!tpu.dma_semaphore, #tpu.memory_space<semaphore_mem>>
        tpu.enqueue_indirect_dma source(%dma_start3A_585 : memref<8192x128xf32, #tpu.memory_space<hbm>>) target(%dma_start3A_581 : memref<128x128xf32, #tpu.memory_space<vmem>>) offsets(%dma_start3A_582 : memref<128xi32, #tpu.memory_space<vmem>>) semaphore(%dma_start3A_587 : memref<!tpu.dma_semaphore, #tpu.memory_space<semaphore_mem>>)
        %while3A_588 = arith.constant 0 : i32
        scf.yield %while3A_588 : i32
      }
      %while3A_456 = arith.constant 1 : i32
      %while3A_457 = scf.for %while3A_569 = %while3A_453 to %while3A_449 step %while3A_456 iter_args(%while3A_570 = %while3A_455) -> (i32)  : i32 {
        %add3A_571 = arith.addi %while3A_204, %while3A_569 : i32
        %mul3A_572 = arith.constant 128 : i32
        %mul3A_573 = arith.muli %add3A_571, %mul3A_572 : i32
        %and3A_574 = arith.constant 1 : i32
        %and3A_575 = arith.andi %add3A_571, %and3A_574 : i32
        %mul3A_576 = arith.constant 128 : i32
        %mul3A_577 = arith.muli %and3A_575, %mul3A_576 : i32
        %and3A_578 = arith.constant 1 : i32
        %and3A_579 = arith.andi %add3A_571, %and3A_578 : i32
        %dma_start3A_580 = arith.constant 0 : i32
        %dma_start3A_581 = tpu.memref_slice %arg18[%mul3A_577, %dma_start3A_580] : memref<256x128xf32, #tpu.memory_space<vmem>> -> memref<128x128xf32, #tpu.memory_space<vmem>>
        %dma_start3A_582 = tpu.memref_slice %arg16[%mul3A_573] : memref<16512xi32, #tpu.memory_space<vmem>> -> memref<128xi32, #tpu.memory_space<vmem>>
        %dma_start3A_583 = arith.constant 0 : i32
        %dma_start3A_584 = arith.constant 0 : i32
        %dma_start3A_585 = tpu.memref_slice %arg4[%dma_start3A_583, %dma_start3A_584] : memref<8192x128xf32, #tpu.memory_space<hbm>> -> memref<8192x128xf32, #tpu.memory_space<hbm>>
        %dma_start3A_586 = tpu.memref_slice %arg11[%and3A_579] : memref<2x!tpu.dma_semaphore, #tpu.memory_space<semaphore_mem>> -> memref<1x!tpu.dma_semaphore, #tpu.memory_space<semaphore_mem>>
        %dma_start3A_587 = tpu.memref_squeeze %dma_start3A_586 : memref<1x!tpu.dma_semaphore, #tpu.memory_space<semaphore_mem>> -> memref<!tpu.dma_semaphore, #tpu.memory_space<semaphore_mem>>
        tpu.enqueue_indirect_dma source(%dma_start3A_585 : memref<8192x128xf32, #tpu.memory_space<hbm>>) target(%dma_start3A_581 : memref<128x128xf32, #tpu.memory_space<vmem>>) offsets(%dma_start3A_582 : memref<128xi32, #tpu.memory_space<vmem>>) semaphore(%dma_start3A_587 : memref<!tpu.dma_semaphore, #tpu.memory_space<semaphore_mem>>)
        %while3A_588 = arith.constant 0 : i32
        scf.yield %while3A_588 : i32
      }
      %max3A_458 = arith.maxsi %while3A_204, %min3A_442 : i32
      %add3A_459 = arith.addi %while3A_203, %add3A_415 : i32
      %add3A_460 = arith.constant 128 : i32
      %add3A_461 = arith.addi %add3A_459, %add3A_460 : i32
      %sub3A_462 = arith.constant 1 : i32
      %sub3A_463 = arith.subi %add3A_461, %sub3A_462 : i32
      %jit3A_464 = arith.constant 128 : i32
      %div3A_465 = arith.divsi %sub3A_463, %jit3A_464 : i32
      %sign3A_466 = arith.constant 0 : i32
      %sign3A_467 = arith.cmpi sgt, %sub3A_463, %sign3A_466 : i32
      %sign3A_468 = arith.extui %sign3A_467 : i1 to i32
      %sign3A_469 = arith.constant 0 : i32
      %sign3A_470 = arith.cmpi slt, %sub3A_463, %sign3A_469 : i32
      %sign3A_471 = arith.extui %sign3A_470 : i1 to i32
      %sign3A_472 = arith.subi %sign3A_468, %sign3A_471 : i32
      %sign3A_473 = arith.constant 0 : i32
      %sign3A_474 = arith.cmpi sgt, %jit3A_464, %sign3A_473 : i32
      %sign3A_475 = arith.extui %sign3A_474 : i1 to i32
      %sign3A_476 = arith.constant 0 : i32
      %sign3A_477 = arith.cmpi slt, %jit3A_464, %sign3A_476 : i32
      %sign3A_478 = arith.extui %sign3A_477 : i1 to i32
      %sign3A_479 = arith.subi %sign3A_475, %sign3A_478 : i32
      %ne3A_480 = arith.cmpi ne, %sign3A_472, %sign3A_479 : i32
      %rem3A_481 = arith.remsi %sub3A_463, %jit3A_464 : i32
      %ne3A_482 = arith.constant 0 : i32
      %ne3A_483 = arith.cmpi ne, %rem3A_481, %ne3A_482 : i32
      %and3A_484 = arith.andi %ne3A_480, %ne3A_483 : i1
      %sub3A_485 = arith.constant 1 : i32
      %sub3A_486 = arith.subi %div3A_465, %sub3A_485 : i32
      %select_n3A_487 = arith.select %and3A_484, %sub3A_486, %div3A_465 : i32
      %min3A_488 = arith.minsi %select_n3A_487, %select_n3A_144 : i32
      %mul3A_489 = arith.constant 128 : i32
      %mul3A_490 = arith.muli %while3A_202, %mul3A_489 : i32
      %add3A_491 = arith.addi %mul3A_2, %mul3A_490 : i32
      %dma_wait3A = arith.constant 0 : i32
      %dma_wait3A_492 = arith.constant 0 : i32
      %dma_wait3A_493 = tpu.memref_slice %arg8[%while3A_206, %dma_wait3A, %dma_wait3A_492] : memref<3x64x128xf32, #tpu.memory_space<vmem>> -> memref<1x64x128xf32, #tpu.memory_space<vmem>>
      %dma_wait3A_494 = tpu.memref_squeeze %dma_wait3A_493 : memref<1x64x128xf32, #tpu.memory_space<vmem>> -> memref<64x128xf32, #tpu.memory_space<vmem>>
      %dma_wait3A_495 = arith.constant 0 : i32
      %dma_wait3A_496 = tpu.memref_slice %arg2[%dma_wait3A_495, %add3A_491] : memref<64x500000xf32, #tpu.memory_space<hbm>> -> memref<64x128xf32, #tpu.memory_space<hbm>>
      %dma_wait3A_497 = tpu.memref_slice %arg13[%while3A_206] : memref<3x!tpu.dma_semaphore, #tpu.memory_space<semaphore_mem>> -> memref<1x!tpu.dma_semaphore, #tpu.memory_space<semaphore_mem>>
      %dma_wait3A_498 = tpu.memref_squeeze %dma_wait3A_497 : memref<1x!tpu.dma_semaphore, #tpu.memory_space<semaphore_mem>> -> memref<!tpu.dma_semaphore, #tpu.memory_space<semaphore_mem>>
      %dma_wait3A_499 = arith.constant 0 : i32
      %dma_wait3A_500 = arith.constant 0 : i32
      %dma_wait3A_501 = tpu.memref_slice %arg8[%while3A_206, %dma_wait3A_499, %dma_wait3A_500] : memref<3x64x128xf32, #tpu.memory_space<vmem>> -> memref<1x64x128xf32, #tpu.memory_space<vmem>>
      %dma_wait3A_502 = tpu.memref_squeeze %dma_wait3A_501 : memref<1x64x128xf32, #tpu.memory_space<vmem>> -> memref<64x128xf32, #tpu.memory_space<vmem>>
      %dma_wait3A_503 = arith.constant 0 : i32
      %dma_wait3A_504 = tpu.memref_slice %arg2[%dma_wait3A_503, %add3A_491] : memref<64x500000xf32, #tpu.memory_space<hbm>> -> memref<64x128xf32, #tpu.memory_space<hbm>>
      tpu.wait_dma2 semaphore(%dma_wait3A_498 : memref<!tpu.dma_semaphore, #tpu.memory_space<semaphore_mem>>) src(%dma_wait3A_504 : memref<64x128xf32, #tpu.memory_space<hbm>>) dst(%dma_wait3A_502 : memref<64x128xf32, #tpu.memory_space<vmem>>)
      %sub3A_505 = arith.subi %min3A_488, %while3A_205 : i32
      %max3A_506 = arith.constant 0 : i32
      %max3A_507 = arith.maxsi %sub3A_505, %max3A_506 : i32
      %while3A_508 = arith.constant 0 : i32
      %while3A_509 = arith.constant 0 : i32
      %while3A_510 = arith.subi %max3A_507, %while3A_508 : i32
      %while3A_511 = arith.addi %while3A_508, %while3A_510 : i32
      %while3A_512 = arith.constant 1 : i32
      %while3A_513 = arith.divsi %while3A_510, %while3A_512 : i32
      %while3A_514 = arith.muli %while3A_513, %while3A_512 : i32
      %while3A_515 = arith.addi %while3A_508, %while3A_514 : i32
      %while3A_516 = arith.constant 1 : i32
      %while3A_517 = scf.for %while3A_569 = %while3A_508 to %while3A_515 step %while3A_516 iter_args(%while3A_570 = %while3A_509) -> (i32)  : i32 {
        %add3A_571 = arith.addi %while3A_205, %while3A_569 : i32
        %mul3A_572 = arith.constant 128 : i32
        %mul3A_573 = arith.muli %add3A_571, %mul3A_572 : i32
        %and3A_574 = arith.constant 1 : i32
        %and3A_575 = arith.andi %add3A_571, %and3A_574 : i32
        %mul3A_576 = arith.constant 128 : i32
        %mul3A_577 = arith.muli %and3A_575, %mul3A_576 : i32
        %and3A_578 = arith.constant 1 : i32
        %and3A_579 = arith.andi %add3A_571, %and3A_578 : i32
        %dma_wait3A_580 = arith.constant 0 : i32
        %dma_wait3A_581 = tpu.memref_slice %arg18[%mul3A_577, %dma_wait3A_580] : memref<256x128xf32, #tpu.memory_space<vmem>> -> memref<128x128xf32, #tpu.memory_space<vmem>>
        %dma_wait3A_582 = tpu.memref_slice %arg16[%mul3A_573] : memref<16512xi32, #tpu.memory_space<vmem>> -> memref<128xi32, #tpu.memory_space<vmem>>
        %dma_wait3A_583 = arith.constant 0 : i32
        %dma_wait3A_584 = arith.constant 0 : i32
        %dma_wait3A_585 = tpu.memref_slice %arg4[%dma_wait3A_583, %dma_wait3A_584] : memref<8192x128xf32, #tpu.memory_space<hbm>> -> memref<8192x128xf32, #tpu.memory_space<hbm>>
        %dma_wait3A_586 = tpu.memref_slice %arg11[%and3A_579] : memref<2x!tpu.dma_semaphore, #tpu.memory_space<semaphore_mem>> -> memref<1x!tpu.dma_semaphore, #tpu.memory_space<semaphore_mem>>
        %dma_wait3A_587 = tpu.memref_squeeze %dma_wait3A_586 : memref<1x!tpu.dma_semaphore, #tpu.memory_space<semaphore_mem>> -> memref<!tpu.dma_semaphore, #tpu.memory_space<semaphore_mem>>
        tpu.wait_indirect_dma semaphore(%dma_wait3A_587 : memref<!tpu.dma_semaphore, #tpu.memory_space<semaphore_mem>>) src(%dma_wait3A_585 : memref<8192x128xf32, #tpu.memory_space<hbm>>) dst(%dma_wait3A_581 : memref<128x128xf32, #tpu.memory_space<vmem>>)
        %while3A_588 = arith.constant 0 : i32
        scf.yield %while3A_588 : i32
      }
      %while3A_518 = arith.constant 1 : i32
      %while3A_519 = scf.for %while3A_569 = %while3A_515 to %while3A_511 step %while3A_518 iter_args(%while3A_570 = %while3A_517) -> (i32)  : i32 {
        %add3A_571 = arith.addi %while3A_205, %while3A_569 : i32
        %mul3A_572 = arith.constant 128 : i32
        %mul3A_573 = arith.muli %add3A_571, %mul3A_572 : i32
        %and3A_574 = arith.constant 1 : i32
        %and3A_575 = arith.andi %add3A_571, %and3A_574 : i32
        %mul3A_576 = arith.constant 128 : i32
        %mul3A_577 = arith.muli %and3A_575, %mul3A_576 : i32
        %and3A_578 = arith.constant 1 : i32
        %and3A_579 = arith.andi %add3A_571, %and3A_578 : i32
        %dma_wait3A_580 = arith.constant 0 : i32
        %dma_wait3A_581 = tpu.memref_slice %arg18[%mul3A_577, %dma_wait3A_580] : memref<256x128xf32, #tpu.memory_space<vmem>> -> memref<128x128xf32, #tpu.memory_space<vmem>>
        %dma_wait3A_582 = tpu.memref_slice %arg16[%mul3A_573] : memref<16512xi32, #tpu.memory_space<vmem>> -> memref<128xi32, #tpu.memory_space<vmem>>
        %dma_wait3A_583 = arith.constant 0 : i32
        %dma_wait3A_584 = arith.constant 0 : i32
        %dma_wait3A_585 = tpu.memref_slice %arg4[%dma_wait3A_583, %dma_wait3A_584] : memref<8192x128xf32, #tpu.memory_space<hbm>> -> memref<8192x128xf32, #tpu.memory_space<hbm>>
        %dma_wait3A_586 = tpu.memref_slice %arg11[%and3A_579] : memref<2x!tpu.dma_semaphore, #tpu.memory_space<semaphore_mem>> -> memref<1x!tpu.dma_semaphore, #tpu.memory_space<semaphore_mem>>
        %dma_wait3A_587 = tpu.memref_squeeze %dma_wait3A_586 : memref<1x!tpu.dma_semaphore, #tpu.memory_space<semaphore_mem>> -> memref<!tpu.dma_semaphore, #tpu.memory_space<semaphore_mem>>
        tpu.wait_indirect_dma semaphore(%dma_wait3A_587 : memref<!tpu.dma_semaphore, #tpu.memory_space<semaphore_mem>>) src(%dma_wait3A_585 : memref<8192x128xf32, #tpu.memory_space<hbm>>) dst(%dma_wait3A_581 : memref<128x128xf32, #tpu.memory_space<vmem>>)
        %while3A_588 = arith.constant 0 : i32
        scf.yield %while3A_588 : i32
      }
      %max3A_520 = arith.maxsi %while3A_205, %min3A_488 : i32
      %broadcast_in_dim3A_521 = vector.broadcast %while3A_203 : i32 to vector<16xi32>
      %while3A_522 = arith.constant 0 : i32
      %while3A_523 = arith.constant 0 : i32
      %while3A_524 = arith.subi %add3A_415, %while3A_522 : i32
      %while3A_525 = arith.addi %while3A_522, %while3A_524 : i32
      %while3A_526 = arith.constant 1 : i32
      %while3A_527 = arith.divsi %while3A_524, %while3A_526 : i32
      %while3A_528 = arith.muli %while3A_527, %while3A_526 : i32
      %while3A_529 = arith.addi %while3A_522, %while3A_528 : i32
      %while3A_530 = arith.constant 1 : i32
      %while3A_531 = scf.for %while3A_569 = %while3A_522 to %while3A_529 step %while3A_530 iter_args(%while3A_570 = %while3A_523) -> (i32)  : i32 {
        %broadcast_in_dim3A_571 = vector.broadcast %while3A_569 : i32 to vector<16xi32>
        %gather3A = tpu.vector_load_idx %arg9[%broadcast_in_dim3A_571] : memref<128xi32, #tpu.memory_space<vmem>>[vector<16xi32>], vector<16xi32>,
        %add3A_572 = arith.addi %broadcast_in_dim3A_521, %broadcast_in_dim3A_571 : vector<16xi32>
        %and3A_573 = arith.constant 255 : i32
        %and3A_574 = vector.broadcast %and3A_573 : i32 to vector<16xi32>
        %and3A_575 = arith.andi %add3A_572, %and3A_574 : vector<16xi32>
        %add3A_576 = arith.addi %broadcast_in_dim3A_521, %broadcast_in_dim3A_571 : vector<16xi32>
        %gather3A_577 = tpu.vector_load_idx %arg17[%add3A_576] : memref<16512xi32, #tpu.memory_space<vmem>>[vector<16xi32>], vector<16xi32>,
        %add3A_578 = arith.constant 0 : i32
        %add3A_579 = vector.broadcast %add3A_578 : i32 to vector<16xi32>
        %add3A_580 = arith.addi %gather3A_577, %add3A_579 : vector<16xi32>
        %add3A_581 = arith.addi %add3A_580, %iota3A : vector<16xi32>
        %gather3A_582 = tpu.vector_load_idx %arg18[%and3A_575, %add3A_581] : memref<256x128xf32, #tpu.memory_space<vmem>>[vector<16xi32>, vector<16xi32>], vector<16xf32>,
        %add3A_583 = arith.constant 0 : i32
        %add3A_584 = vector.broadcast %add3A_583 : i32 to vector<16xi32>
        %add3A_585 = arith.addi %add3A_584, %iota3A : vector<16xi32>
        %scatter3A = arith.constant 0 : i32
        %scatter3A_586 = arith.constant 0 : i32
        %scatter3A_587 = tpu.memref_slice %arg8[%while3A_206, %scatter3A, %scatter3A_586] : memref<3x64x128xf32, #tpu.memory_space<vmem>> -> memref<1x64x128xf32, #tpu.memory_space<vmem>>
        %scatter3A_588 = tpu.memref_squeeze %scatter3A_587 : memref<1x64x128xf32, #tpu.memory_space<vmem>> -> memref<64x128xf32, #tpu.memory_space<vmem>>
        tpu.vector_store_idx %scatter3A_588[%add3A_585, %gather3A], %gather3A_582 : memref<64x128xf32, #tpu.memory_space<vmem>>[vector<16xi32>, vector<16xi32>], vector<16xf32>,
        %add3A_589 = arith.constant 16 : i32
        %add3A_590 = vector.broadcast %add3A_589 : i32 to vector<16xi32>
        %add3A_591 = arith.addi %gather3A_577, %add3A_590 : vector<16xi32>
        %add3A_592 = arith.addi %add3A_591, %iota3A : vector<16xi32>
        %gather3A_593 = tpu.vector_load_idx %arg18[%and3A_575, %add3A_592] : memref<256x128xf32, #tpu.memory_space<vmem>>[vector<16xi32>, vector<16xi32>], vector<16xf32>,
        %add3A_594 = arith.constant 16 : i32
        %add3A_595 = vector.broadcast %add3A_594 : i32 to vector<16xi32>
        %add3A_596 = arith.addi %add3A_595, %iota3A : vector<16xi32>
        %scatter3A_597 = arith.constant 0 : i32
        %scatter3A_598 = arith.constant 0 : i32
        %scatter3A_599 = tpu.memref_slice %arg8[%while3A_206, %scatter3A_597, %scatter3A_598] : memref<3x64x128xf32, #tpu.memory_space<vmem>> -> memref<1x64x128xf32, #tpu.memory_space<vmem>>
        %scatter3A_600 = tpu.memref_squeeze %scatter3A_599 : memref<1x64x128xf32, #tpu.memory_space<vmem>> -> memref<64x128xf32, #tpu.memory_space<vmem>>
        tpu.vector_store_idx %scatter3A_600[%add3A_596, %gather3A], %gather3A_593 : memref<64x128xf32, #tpu.memory_space<vmem>>[vector<16xi32>, vector<16xi32>], vector<16xf32>,
        %add3A_601 = arith.constant 32 : i32
        %add3A_602 = vector.broadcast %add3A_601 : i32 to vector<16xi32>
        %add3A_603 = arith.addi %gather3A_577, %add3A_602 : vector<16xi32>
        %add3A_604 = arith.addi %add3A_603, %iota3A : vector<16xi32>
        %gather3A_605 = tpu.vector_load_idx %arg18[%and3A_575, %add3A_604] : memref<256x128xf32, #tpu.memory_space<vmem>>[vector<16xi32>, vector<16xi32>], vector<16xf32>,
        %add3A_606 = arith.constant 32 : i32
        %add3A_607 = vector.broadcast %add3A_606 : i32 to vector<16xi32>
        %add3A_608 = arith.addi %add3A_607, %iota3A : vector<16xi32>
        %scatter3A_609 = arith.constant 0 : i32
        %scatter3A_610 = arith.constant 0 : i32
        %scatter3A_611 = tpu.memref_slice %arg8[%while3A_206, %scatter3A_609, %scatter3A_610] : memref<3x64x128xf32, #tpu.memory_space<vmem>> -> memref<1x64x128xf32, #tpu.memory_space<vmem>>
        %scatter3A_612 = tpu.memref_squeeze %scatter3A_611 : memref<1x64x128xf32, #tpu.memory_space<vmem>> -> memref<64x128xf32, #tpu.memory_space<vmem>>
        tpu.vector_store_idx %scatter3A_612[%add3A_608, %gather3A], %gather3A_605 : memref<64x128xf32, #tpu.memory_space<vmem>>[vector<16xi32>, vector<16xi32>], vector<16xf32>,
        %add3A_613 = arith.constant 48 : i32
        %add3A_614 = vector.broadcast %add3A_613 : i32 to vector<16xi32>
        %add3A_615 = arith.addi %gather3A_577, %add3A_614 : vector<16xi32>
        %add3A_616 = arith.addi %add3A_615, %iota3A : vector<16xi32>
        %gather3A_617 = tpu.vector_load_idx %arg18[%and3A_575, %add3A_616] : memref<256x128xf32, #tpu.memory_space<vmem>>[vector<16xi32>, vector<16xi32>], vector<16xf32>,
        %add3A_618 = arith.constant 48 : i32
        %add3A_619 = vector.broadcast %add3A_618 : i32 to vector<16xi32>
        %add3A_620 = arith.addi %add3A_619, %iota3A : vector<16xi32>
        %scatter3A_621 = arith.constant 0 : i32
        %scatter3A_622 = arith.constant 0 : i32
        %scatter3A_623 = tpu.memref_slice %arg8[%while3A_206, %scatter3A_621, %scatter3A_622] : memref<3x64x128xf32, #tpu.memory_space<vmem>> -> memref<1x64x128xf32, #tpu.memory_space<vmem>>
        %scatter3A_624 = tpu.memref_squeeze %scatter3A_623 : memref<1x64x128xf32, #tpu.memory_space<vmem>> -> memref<64x128xf32, #tpu.memory_space<vmem>>
        tpu.vector_store_idx %scatter3A_624[%add3A_620, %gather3A], %gather3A_617 : memref<64x128xf32, #tpu.memory_space<vmem>>[vector<16xi32>, vector<16xi32>], vector<16xf32>,
        %while3A_625 = arith.constant 0 : i32
        scf.yield %while3A_625 : i32
      }
      %while3A_532 = arith.constant 1 : i32
      %while3A_533 = scf.for %while3A_569 = %while3A_529 to %while3A_525 step %while3A_532 iter_args(%while3A_570 = %while3A_531) -> (i32)  : i32 {
        %broadcast_in_dim3A_571 = vector.broadcast %while3A_569 : i32 to vector<16xi32>
        %gather3A = tpu.vector_load_idx %arg9[%broadcast_in_dim3A_571] : memref<128xi32, #tpu.memory_space<vmem>>[vector<16xi32>], vector<16xi32>,
        %add3A_572 = arith.addi %broadcast_in_dim3A_521, %broadcast_in_dim3A_571 : vector<16xi32>
        %and3A_573 = arith.constant 255 : i32
        %and3A_574 = vector.broadcast %and3A_573 : i32 to vector<16xi32>
        %and3A_575 = arith.andi %add3A_572, %and3A_574 : vector<16xi32>
        %add3A_576 = arith.addi %broadcast_in_dim3A_521, %broadcast_in_dim3A_571 : vector<16xi32>
        %gather3A_577 = tpu.vector_load_idx %arg17[%add3A_576] : memref<16512xi32, #tpu.memory_space<vmem>>[vector<16xi32>], vector<16xi32>,
        %add3A_578 = arith.constant 0 : i32
        %add3A_579 = vector.broadcast %add3A_578 : i32 to vector<16xi32>
        %add3A_580 = arith.addi %gather3A_577, %add3A_579 : vector<16xi32>
        %add3A_581 = arith.addi %add3A_580, %iota3A : vector<16xi32>
        %gather3A_582 = tpu.vector_load_idx %arg18[%and3A_575, %add3A_581] : memref<256x128xf32, #tpu.memory_space<vmem>>[vector<16xi32>, vector<16xi32>], vector<16xf32>,
        %add3A_583 = arith.constant 0 : i32
        %add3A_584 = vector.broadcast %add3A_583 : i32 to vector<16xi32>
        %add3A_585 = arith.addi %add3A_584, %iota3A : vector<16xi32>
        %scatter3A = arith.constant 0 : i32
        %scatter3A_586 = arith.constant 0 : i32
        %scatter3A_587 = tpu.memref_slice %arg8[%while3A_206, %scatter3A, %scatter3A_586] : memref<3x64x128xf32, #tpu.memory_space<vmem>> -> memref<1x64x128xf32, #tpu.memory_space<vmem>>
        %scatter3A_588 = tpu.memref_squeeze %scatter3A_587 : memref<1x64x128xf32, #tpu.memory_space<vmem>> -> memref<64x128xf32, #tpu.memory_space<vmem>>
        tpu.vector_store_idx %scatter3A_588[%add3A_585, %gather3A], %gather3A_582 : memref<64x128xf32, #tpu.memory_space<vmem>>[vector<16xi32>, vector<16xi32>], vector<16xf32>,
        %add3A_589 = arith.constant 16 : i32
        %add3A_590 = vector.broadcast %add3A_589 : i32 to vector<16xi32>
        %add3A_591 = arith.addi %gather3A_577, %add3A_590 : vector<16xi32>
        %add3A_592 = arith.addi %add3A_591, %iota3A : vector<16xi32>
        %gather3A_593 = tpu.vector_load_idx %arg18[%and3A_575, %add3A_592] : memref<256x128xf32, #tpu.memory_space<vmem>>[vector<16xi32>, vector<16xi32>], vector<16xf32>,
        %add3A_594 = arith.constant 16 : i32
        %add3A_595 = vector.broadcast %add3A_594 : i32 to vector<16xi32>
        %add3A_596 = arith.addi %add3A_595, %iota3A : vector<16xi32>
        %scatter3A_597 = arith.constant 0 : i32
        %scatter3A_598 = arith.constant 0 : i32
        %scatter3A_599 = tpu.memref_slice %arg8[%while3A_206, %scatter3A_597, %scatter3A_598] : memref<3x64x128xf32, #tpu.memory_space<vmem>> -> memref<1x64x128xf32, #tpu.memory_space<vmem>>
        %scatter3A_600 = tpu.memref_squeeze %scatter3A_599 : memref<1x64x128xf32, #tpu.memory_space<vmem>> -> memref<64x128xf32, #tpu.memory_space<vmem>>
        tpu.vector_store_idx %scatter3A_600[%add3A_596, %gather3A], %gather3A_593 : memref<64x128xf32, #tpu.memory_space<vmem>>[vector<16xi32>, vector<16xi32>], vector<16xf32>,
        %add3A_601 = arith.constant 32 : i32
        %add3A_602 = vector.broadcast %add3A_601 : i32 to vector<16xi32>
        %add3A_603 = arith.addi %gather3A_577, %add3A_602 : vector<16xi32>
        %add3A_604 = arith.addi %add3A_603, %iota3A : vector<16xi32>
        %gather3A_605 = tpu.vector_load_idx %arg18[%and3A_575, %add3A_604] : memref<256x128xf32, #tpu.memory_space<vmem>>[vector<16xi32>, vector<16xi32>], vector<16xf32>,
        %add3A_606 = arith.constant 32 : i32
        %add3A_607 = vector.broadcast %add3A_606 : i32 to vector<16xi32>
        %add3A_608 = arith.addi %add3A_607, %iota3A : vector<16xi32>
        %scatter3A_609 = arith.constant 0 : i32
        %scatter3A_610 = arith.constant 0 : i32
        %scatter3A_611 = tpu.memref_slice %arg8[%while3A_206, %scatter3A_609, %scatter3A_610] : memref<3x64x128xf32, #tpu.memory_space<vmem>> -> memref<1x64x128xf32, #tpu.memory_space<vmem>>
        %scatter3A_612 = tpu.memref_squeeze %scatter3A_611 : memref<1x64x128xf32, #tpu.memory_space<vmem>> -> memref<64x128xf32, #tpu.memory_space<vmem>>
        tpu.vector_store_idx %scatter3A_612[%add3A_608, %gather3A], %gather3A_605 : memref<64x128xf32, #tpu.memory_space<vmem>>[vector<16xi32>, vector<16xi32>], vector<16xf32>,
        %add3A_613 = arith.constant 48 : i32
        %add3A_614 = vector.broadcast %add3A_613 : i32 to vector<16xi32>
        %add3A_615 = arith.addi %gather3A_577, %add3A_614 : vector<16xi32>
        %add3A_616 = arith.addi %add3A_615, %iota3A : vector<16xi32>
        %gather3A_617 = tpu.vector_load_idx %arg18[%and3A_575, %add3A_616] : memref<256x128xf32, #tpu.memory_space<vmem>>[vector<16xi32>, vector<16xi32>], vector<16xf32>,
        %add3A_618 = arith.constant 48 : i32
        %add3A_619 = vector.broadcast %add3A_618 : i32 to vector<16xi32>
        %add3A_620 = arith.addi %add3A_619, %iota3A : vector<16xi32>
        %scatter3A_621 = arith.constant 0 : i32
        %scatter3A_622 = arith.constant 0 : i32
        %scatter3A_623 = tpu.memref_slice %arg8[%while3A_206, %scatter3A_621, %scatter3A_622] : memref<3x64x128xf32, #tpu.memory_space<vmem>> -> memref<1x64x128xf32, #tpu.memory_space<vmem>>
        %scatter3A_624 = tpu.memref_squeeze %scatter3A_623 : memref<1x64x128xf32, #tpu.memory_space<vmem>> -> memref<64x128xf32, #tpu.memory_space<vmem>>
        tpu.vector_store_idx %scatter3A_624[%add3A_620, %gather3A], %gather3A_617 : memref<64x128xf32, #tpu.memory_space<vmem>>[vector<16xi32>, vector<16xi32>], vector<16xf32>,
        %while3A_625 = arith.constant 0 : i32
        scf.yield %while3A_625 : i32
      }
      %mul3A_534 = arith.constant 128 : i32
      %mul3A_535 = arith.muli %while3A_202, %mul3A_534 : i32
      %add3A_536 = arith.addi %mul3A_2, %mul3A_535 : i32
      %dma_start3A = arith.constant 0 : i32
      %dma_start3A_537 = arith.constant 0 : i32
      %dma_start3A_538 = tpu.memref_slice %arg8[%while3A_206, %dma_start3A, %dma_start3A_537] : memref<3x64x128xf32, #tpu.memory_space<vmem>> -> memref<1x64x128xf32, #tpu.memory_space<vmem>>
      %dma_start3A_539 = tpu.memref_squeeze %dma_start3A_538 : memref<1x64x128xf32, #tpu.memory_space<vmem>> -> memref<64x128xf32, #tpu.memory_space<vmem>>
      %dma_start3A_540 = arith.constant 0 : i32
      %dma_start3A_541 = tpu.memref_slice %arg6[%dma_start3A_540, %add3A_536] : memref<64x500000xf32, #tpu.memory_space<hbm>> -> memref<64x128xf32, #tpu.memory_space<hbm>>
      %dma_start3A_542 = tpu.memref_slice %arg14[%while3A_206] : memref<3x!tpu.dma_semaphore, #tpu.memory_space<semaphore_mem>> -> memref<1x!tpu.dma_semaphore, #tpu.memory_space<semaphore_mem>>
      %dma_start3A_543 = tpu.memref_squeeze %dma_start3A_542 : memref<1x!tpu.dma_semaphore, #tpu.memory_space<semaphore_mem>> -> memref<!tpu.dma_semaphore, #tpu.memory_space<semaphore_mem>>
      %dma_start3A_544 = arith.constant 0 : i32
      %dma_start3A_545 = tpu.memref_slice %arg6[%dma_start3A_544, %add3A_536] : memref<64x500000xf32, #tpu.memory_space<hbm>> -> memref<64x128xf32, #tpu.memory_space<hbm>>
      %dma_start3A_546 = arith.constant 0 : i32
      %dma_start3A_547 = arith.constant 0 : i32
      %dma_start3A_548 = tpu.memref_slice %arg8[%while3A_206, %dma_start3A_546, %dma_start3A_547] : memref<3x64x128xf32, #tpu.memory_space<vmem>> -> memref<1x64x128xf32, #tpu.memory_space<vmem>>
      %dma_start3A_549 = tpu.memref_squeeze %dma_start3A_548 : memref<1x64x128xf32, #tpu.memory_space<vmem>> -> memref<64x128xf32, #tpu.memory_space<vmem>>
      tpu.enqueue_dma source(%dma_start3A_549 : memref<64x128xf32, #tpu.memory_space<vmem>>) target(%dma_start3A_545 : memref<64x128xf32, #tpu.memory_space<hbm>>) target_semaphore(%dma_start3A_543 : memref<!tpu.dma_semaphore, #tpu.memory_space<semaphore_mem>>)
      %ge3A_550 = arith.constant 1 : i32
      %ge3A_551 = arith.cmpi sge, %while3A_206, %ge3A_550 : i32
      %sub3A_552 = arith.constant 1 : i32
      %sub3A_553 = arith.subi %while3A_206, %sub3A_552 : i32
      %add3A_554 = arith.constant 2 : i32
      %add3A_555 = arith.addi %while3A_206, %add3A_554 : i32
      %select_n3A_556 = arith.select %ge3A_551, %sub3A_553, %add3A_555 : i32
      %add3A_557 = arith.constant 2 : i32
      %add3A_558 = arith.addi %while3A_202, %add3A_557 : i32
      %lt3A = arith.cmpi slt, %add3A_558, %min3A_13 : i32
      %convert_element_type3A_559 = arith.extui %lt3A : i1 to i32
      %cond3A_560 = arith.constant 0 : i32
      %cond3A_561 = arith.cmpi ne, %convert_element_type3A_559, %cond3A_560 : i32
      scf.if %cond3A_561 {
        %ge3A_569 = arith.constant 1 : i32
        %ge3A_570 = arith.cmpi sge, %while3A_202, %ge3A_569 : i32
        %convert_element_type3A_571 = arith.extui %ge3A_570 : i1 to i32
        %cond3A_572 = arith.constant 0 : i32
        %cond3A_573 = arith.cmpi ne, %convert_element_type3A_571, %cond3A_572 : i32
        scf.if %cond3A_573 {
          %sub3A_593 = arith.constant 1 : i32
          %sub3A_594 = arith.subi %while3A_202, %sub3A_593 : i32
          %mul3A_595 = arith.constant 128 : i32
          %mul3A_596 = arith.muli %sub3A_594, %mul3A_595 : i32
          %add3A_597 = arith.addi %mul3A_2, %mul3A_596 : i32
          %dma_wait3A_598 = arith.constant 0 : i32
          %dma_wait3A_599 = arith.constant 0 : i32
          %dma_wait3A_600 = tpu.memref_slice %arg8[%select_n3A_556, %dma_wait3A_598, %dma_wait3A_599] : memref<3x64x128xf32, #tpu.memory_space<vmem>> -> memref<1x64x128xf32, #tpu.memory_space<vmem>>
          %dma_wait3A_601 = tpu.memref_squeeze %dma_wait3A_600 : memref<1x64x128xf32, #tpu.memory_space<vmem>> -> memref<64x128xf32, #tpu.memory_space<vmem>>
          %dma_wait3A_602 = arith.constant 0 : i32
          %dma_wait3A_603 = tpu.memref_slice %arg6[%dma_wait3A_602, %add3A_597] : memref<64x500000xf32, #tpu.memory_space<hbm>> -> memref<64x128xf32, #tpu.memory_space<hbm>>
          %dma_wait3A_604 = tpu.memref_slice %arg14[%select_n3A_556] : memref<3x!tpu.dma_semaphore, #tpu.memory_space<semaphore_mem>> -> memref<1x!tpu.dma_semaphore, #tpu.memory_space<semaphore_mem>>
          %dma_wait3A_605 = tpu.memref_squeeze %dma_wait3A_604 : memref<1x!tpu.dma_semaphore, #tpu.memory_space<semaphore_mem>> -> memref<!tpu.dma_semaphore, #tpu.memory_space<semaphore_mem>>
          %dma_wait3A_606 = arith.constant 0 : i32
          %dma_wait3A_607 = tpu.memref_slice %arg6[%dma_wait3A_606, %add3A_597] : memref<64x500000xf32, #tpu.memory_space<hbm>> -> memref<64x128xf32, #tpu.memory_space<hbm>>
          %dma_wait3A_608 = arith.constant 0 : i32
          %dma_wait3A_609 = arith.constant 0 : i32
          %dma_wait3A_610 = tpu.memref_slice %arg8[%select_n3A_556, %dma_wait3A_608, %dma_wait3A_609] : memref<3x64x128xf32, #tpu.memory_space<vmem>> -> memref<1x64x128xf32, #tpu.memory_space<vmem>>
          %dma_wait3A_611 = tpu.memref_squeeze %dma_wait3A_610 : memref<1x64x128xf32, #tpu.memory_space<vmem>> -> memref<64x128xf32, #tpu.memory_space<vmem>>
          tpu.wait_dma2 semaphore(%dma_wait3A_605 : memref<!tpu.dma_semaphore, #tpu.memory_space<semaphore_mem>>) src(%dma_wait3A_611 : memref<64x128xf32, #tpu.memory_space<vmem>>) dst(%dma_wait3A_607 : memref<64x128xf32, #tpu.memory_space<hbm>>)
        } else {
        }
        %add3A_574 = arith.constant 2 : i32
        %add3A_575 = arith.addi %while3A_202, %add3A_574 : i32
        %mul3A_576 = arith.constant 128 : i32
        %mul3A_577 = arith.muli %add3A_575, %mul3A_576 : i32
        %add3A_578 = arith.addi %mul3A_2, %mul3A_577 : i32
        %dma_start3A_579 = arith.constant 0 : i32
        %dma_start3A_580 = arith.constant 0 : i32
        %dma_start3A_581 = tpu.memref_slice %arg8[%select_n3A_556, %dma_start3A_579, %dma_start3A_580] : memref<3x64x128xf32, #tpu.memory_space<vmem>> -> memref<1x64x128xf32, #tpu.memory_space<vmem>>
        %dma_start3A_582 = tpu.memref_squeeze %dma_start3A_581 : memref<1x64x128xf32, #tpu.memory_space<vmem>> -> memref<64x128xf32, #tpu.memory_space<vmem>>
        %dma_start3A_583 = arith.constant 0 : i32
        %dma_start3A_584 = tpu.memref_slice %arg2[%dma_start3A_583, %add3A_578] : memref<64x500000xf32, #tpu.memory_space<hbm>> -> memref<64x128xf32, #tpu.memory_space<hbm>>
        %dma_start3A_585 = tpu.memref_slice %arg13[%select_n3A_556] : memref<3x!tpu.dma_semaphore, #tpu.memory_space<semaphore_mem>> -> memref<1x!tpu.dma_semaphore, #tpu.memory_space<semaphore_mem>>
        %dma_start3A_586 = tpu.memref_squeeze %dma_start3A_585 : memref<1x!tpu.dma_semaphore, #tpu.memory_space<semaphore_mem>> -> memref<!tpu.dma_semaphore, #tpu.memory_space<semaphore_mem>>
        %dma_start3A_587 = arith.constant 0 : i32
        %dma_start3A_588 = arith.constant 0 : i32
        %dma_start3A_589 = tpu.memref_slice %arg8[%select_n3A_556, %dma_start3A_587, %dma_start3A_588] : memref<3x64x128xf32, #tpu.memory_space<vmem>> -> memref<1x64x128xf32, #tpu.memory_space<vmem>>
        %dma_start3A_590 = tpu.memref_squeeze %dma_start3A_589 : memref<1x64x128xf32, #tpu.memory_space<vmem>> -> memref<64x128xf32, #tpu.memory_space<vmem>>
        %dma_start3A_591 = arith.constant 0 : i32
        %dma_start3A_592 = tpu.memref_slice %arg2[%dma_start3A_591, %add3A_578] : memref<64x500000xf32, #tpu.memory_space<hbm>> -> memref<64x128xf32, #tpu.memory_space<hbm>>
        tpu.enqueue_dma source(%dma_start3A_592 : memref<64x128xf32, #tpu.memory_space<hbm>>) target(%dma_start3A_590 : memref<64x128xf32, #tpu.memory_space<vmem>>) target_semaphore(%dma_start3A_586 : memref<!tpu.dma_semaphore, #tpu.memory_space<semaphore_mem>>)
      } else {
      }
      %eq3A_562 = arith.constant 2 : i32
      %eq3A_563 = arith.cmpi eq, %while3A_206, %eq3A_562 : i32
      %add3A_564 = arith.constant 1 : i32
      %add3A_565 = arith.addi %while3A_206, %add3A_564 : i32
      %jit3A_566 = arith.constant 0 : i32
      %select_n3A_567 = arith.select %eq3A_563, %jit3A_566, %add3A_565 : i32
      %add3A_568 = arith.addi %while3A_203, %add3A_415 : i32
      scf.yield %add3A_568, %max3A_458, %max3A_520, %select_n3A_567 : i32, i32, i32, i32
    }
    %while3A_177 = arith.constant 1 : i32
    %while3A_178:4 = scf.for %while3A_202 = %while3A_174 to %while3A_170 step %while3A_177 iter_args(%while3A_203 = %while3A_176#0, %while3A_204 = %while3A_176#1, %while3A_205 = %while3A_176#2, %while3A_206 = %while3A_176#3) -> (i32, i32, i32, i32)  : i32 {
      %mul3A_207 = arith.constant 128 : i32
      %mul3A_208 = arith.muli %while3A_202, %mul3A_207 : i32
      %add3A_209 = arith.constant 0 : i32
      %add3A_210 = arith.addi %mul3A_208, %add3A_209 : i32
      %get3A = arith.index_cast %add3A_210 : i32 to index
      %get3A_211 = tpu.vector_load %arg10[%get3A] {strides = array<i32>} : memref<15744xi32, #tpu.memory_space<vmem>>, vector<16xi32>,
      %gt3A_212 = arith.cmpi sgt, %get3A_211, %broadcast_in_dim3A_3 : vector<16xi32>
      %convert_element_type3A_213 = arith.extui %gt3A_212 : vector<16xi1> to vector<16xi32>
      %broadcast_in_dim3A_214 = arith.constant true
      %broadcast_in_dim3A_215 = vector.broadcast %broadcast_in_dim3A_214 : i1 to vector<16xi1>
      %masked_cumsum3A = tpu.scan <sum>, %convert_element_type3A_213 masked %broadcast_in_dim3A_215 : vector<16xi32>, vector<16xi1> -> vector<16xi32>
      %broadcast_in_dim3A_216 = arith.constant 0 : i32
      %broadcast_in_dim3A_217 = vector.broadcast %broadcast_in_dim3A_216 : i32 to vector<16xi32>
      %add3A_218 = arith.addi %broadcast_in_dim3A_217, %masked_cumsum3A : vector<16xi32>
      %sub3A_219 = arith.constant 1 : i32
      %sub3A_220 = vector.broadcast %sub3A_219 : i32 to vector<16xi32>
      %sub3A_221 = arith.subi %add3A_218, %sub3A_220 : vector<16xi32>
      %add3A_222 = arith.constant 0 : i32
      %add3A_223 = vector.broadcast %add3A_222 : i32 to vector<16xi32>
      %add3A_224 = arith.addi %add3A_223, %iota3A : vector<16xi32>
      tpu.vector_store_idx %arg9[%sub3A_221], %add3A_224 masked %gt3A_212 : memref<128xi32, #tpu.memory_space<vmem>>[vector<16xi32>], vector<16xi32>, vector<16xi1>
      %reduce_max3A = arith.constant true
      %reduce_max3A_225 = vector.broadcast %reduce_max3A : i1 to vector<16xi1>
      %reduce_max3A_226 = arith.constant -2147483648 : i32
      %reduce_max3A_227 = vector.broadcast %reduce_max3A_226 : i32 to vector<16xi32>
      %reduce_max3A_228 = arith.xori %masked_cumsum3A, %reduce_max3A_227 : vector<16xi32>
      %reduce_max3A_229 = tpu.scan <max>, %reduce_max3A_228 masked %reduce_max3A_225 : vector<16xi32>, vector<16xi1> -> vector<16xi32>
      %reduce_max3A_230 = arith.xori %reduce_max3A_229, %reduce_max3A_227 : vector<16xi32>
      %reduce_max3A_231 = vector.extract %reduce_max3A_230[15] : i32 from vector<16xi32>
      %add3A_232 = arith.constant 0 : i32
      %add3A_233 = arith.addi %add3A_232, %reduce_max3A_231 : i32
      %add3A_234 = arith.constant 16 : i32
      %add3A_235 = arith.addi %mul3A_208, %add3A_234 : i32
      %get3A_236 = arith.index_cast %add3A_235 : i32 to index
      %get3A_237 = tpu.vector_load %arg10[%get3A_236] {strides = array<i32>} : memref<15744xi32, #tpu.memory_space<vmem>>, vector<16xi32>,
      %gt3A_238 = arith.cmpi sgt, %get3A_237, %broadcast_in_dim3A_3 : vector<16xi32>
      %convert_element_type3A_239 = arith.extui %gt3A_238 : vector<16xi1> to vector<16xi32>
      %broadcast_in_dim3A_240 = arith.constant true
      %broadcast_in_dim3A_241 = vector.broadcast %broadcast_in_dim3A_240 : i1 to vector<16xi1>
      %masked_cumsum3A_242 = tpu.scan <sum>, %convert_element_type3A_239 masked %broadcast_in_dim3A_241 : vector<16xi32>, vector<16xi1> -> vector<16xi32>
      %broadcast_in_dim3A_243 = vector.broadcast %add3A_233 : i32 to vector<16xi32>
      %add3A_244 = arith.addi %broadcast_in_dim3A_243, %masked_cumsum3A_242 : vector<16xi32>
      %sub3A_245 = arith.constant 1 : i32
      %sub3A_246 = vector.broadcast %sub3A_245 : i32 to vector<16xi32>
      %sub3A_247 = arith.subi %add3A_244, %sub3A_246 : vector<16xi32>
      %add3A_248 = arith.constant 16 : i32
      %add3A_249 = vector.broadcast %add3A_248 : i32 to vector<16xi32>
      %add3A_250 = arith.addi %add3A_249, %iota3A : vector<16xi32>
      tpu.vector_store_idx %arg9[%sub3A_247], %add3A_250 masked %gt3A_238 : memref<128xi32, #tpu.memory_space<vmem>>[vector<16xi32>], vector<16xi32>, vector<16xi1>
      %reduce_max3A_251 = arith.constant true
      %reduce_max3A_252 = vector.broadcast %reduce_max3A_251 : i1 to vector<16xi1>
      %reduce_max3A_253 = arith.constant -2147483648 : i32
      %reduce_max3A_254 = vector.broadcast %reduce_max3A_253 : i32 to vector<16xi32>
      %reduce_max3A_255 = arith.xori %masked_cumsum3A_242, %reduce_max3A_254 : vector<16xi32>
      %reduce_max3A_256 = tpu.scan <max>, %reduce_max3A_255 masked %reduce_max3A_252 : vector<16xi32>, vector<16xi1> -> vector<16xi32>
      %reduce_max3A_257 = arith.xori %reduce_max3A_256, %reduce_max3A_254 : vector<16xi32>
      %reduce_max3A_258 = vector.extract %reduce_max3A_257[15] : i32 from vector<16xi32>
      %add3A_259 = arith.addi %add3A_233, %reduce_max3A_258 : i32
      %add3A_260 = arith.constant 32 : i32
      %add3A_261 = arith.addi %mul3A_208, %add3A_260 : i32
      %get3A_262 = arith.index_cast %add3A_261 : i32 to index
      %get3A_263 = tpu.vector_load %arg10[%get3A_262] {strides = array<i32>} : memref<15744xi32, #tpu.memory_space<vmem>>, vector<16xi32>,
      %gt3A_264 = arith.cmpi sgt, %get3A_263, %broadcast_in_dim3A_3 : vector<16xi32>
      %convert_element_type3A_265 = arith.extui %gt3A_264 : vector<16xi1> to vector<16xi32>
      %broadcast_in_dim3A_266 = arith.constant true
      %broadcast_in_dim3A_267 = vector.broadcast %broadcast_in_dim3A_266 : i1 to vector<16xi1>
      %masked_cumsum3A_268 = tpu.scan <sum>, %convert_element_type3A_265 masked %broadcast_in_dim3A_267 : vector<16xi32>, vector<16xi1> -> vector<16xi32>
      %broadcast_in_dim3A_269 = vector.broadcast %add3A_259 : i32 to vector<16xi32>
      %add3A_270 = arith.addi %broadcast_in_dim3A_269, %masked_cumsum3A_268 : vector<16xi32>
      %sub3A_271 = arith.constant 1 : i32
      %sub3A_272 = vector.broadcast %sub3A_271 : i32 to vector<16xi32>
      %sub3A_273 = arith.subi %add3A_270, %sub3A_272 : vector<16xi32>
      %add3A_274 = arith.constant 32 : i32
      %add3A_275 = vector.broadcast %add3A_274 : i32 to vector<16xi32>
      %add3A_276 = arith.addi %add3A_275, %iota3A : vector<16xi32>
      tpu.vector_store_idx %arg9[%sub3A_273], %add3A_276 masked %gt3A_264 : memref<128xi32, #tpu.memory_space<vmem>>[vector<16xi32>], vector<16xi32>, vector<16xi1>
      %reduce_max3A_277 = arith.constant true
      %reduce_max3A_278 = vector.broadcast %reduce_max3A_277 : i1 to vector<16xi1>
      %reduce_max3A_279 = arith.constant -2147483648 : i32
      %reduce_max3A_280 = vector.broadcast %reduce_max3A_279 : i32 to vector<16xi32>
      %reduce_max3A_281 = arith.xori %masked_cumsum3A_268, %reduce_max3A_280 : vector<16xi32>
      %reduce_max3A_282 = tpu.scan <max>, %reduce_max3A_281 masked %reduce_max3A_278 : vector<16xi32>, vector<16xi1> -> vector<16xi32>
      %reduce_max3A_283 = arith.xori %reduce_max3A_282, %reduce_max3A_280 : vector<16xi32>
      %reduce_max3A_284 = vector.extract %reduce_max3A_283[15] : i32 from vector<16xi32>
      %add3A_285 = arith.addi %add3A_259, %reduce_max3A_284 : i32
      %add3A_286 = arith.constant 48 : i32
      %add3A_287 = arith.addi %mul3A_208, %add3A_286 : i32
      %get3A_288 = arith.index_cast %add3A_287 : i32 to index
      %get3A_289 = tpu.vector_load %arg10[%get3A_288] {strides = array<i32>} : memref<15744xi32, #tpu.memory_space<vmem>>, vector<16xi32>,
      %gt3A_290 = arith.cmpi sgt, %get3A_289, %broadcast_in_dim3A_3 : vector<16xi32>
      %convert_element_type3A_291 = arith.extui %gt3A_290 : vector<16xi1> to vector<16xi32>
      %broadcast_in_dim3A_292 = arith.constant true
      %broadcast_in_dim3A_293 = vector.broadcast %broadcast_in_dim3A_292 : i1 to vector<16xi1>
      %masked_cumsum3A_294 = tpu.scan <sum>, %convert_element_type3A_291 masked %broadcast_in_dim3A_293 : vector<16xi32>, vector<16xi1> -> vector<16xi32>
      %broadcast_in_dim3A_295 = vector.broadcast %add3A_285 : i32 to vector<16xi32>
      %add3A_296 = arith.addi %broadcast_in_dim3A_295, %masked_cumsum3A_294 : vector<16xi32>
      %sub3A_297 = arith.constant 1 : i32
      %sub3A_298 = vector.broadcast %sub3A_297 : i32 to vector<16xi32>
      %sub3A_299 = arith.subi %add3A_296, %sub3A_298 : vector<16xi32>
      %add3A_300 = arith.constant 48 : i32
      %add3A_301 = vector.broadcast %add3A_300 : i32 to vector<16xi32>
      %add3A_302 = arith.addi %add3A_301, %iota3A : vector<16xi32>
      tpu.vector_store_idx %arg9[%sub3A_299], %add3A_302 masked %gt3A_290 : memref<128xi32, #tpu.memory_space<vmem>>[vector<16xi32>], vector<16xi32>, vector<16xi1>
      %reduce_max3A_303 = arith.constant true
      %reduce_max3A_304 = vector.broadcast %reduce_max3A_303 : i1 to vector<16xi1>
      %reduce_max3A_305 = arith.constant -2147483648 : i32
      %reduce_max3A_306 = vector.broadcast %reduce_max3A_305 : i32 to vector<16xi32>
      %reduce_max3A_307 = arith.xori %masked_cumsum3A_294, %reduce_max3A_306 : vector<16xi32>
      %reduce_max3A_308 = tpu.scan <max>, %reduce_max3A_307 masked %reduce_max3A_304 : vector<16xi32>, vector<16xi1> -> vector<16xi32>
      %reduce_max3A_309 = arith.xori %reduce_max3A_308, %reduce_max3A_306 : vector<16xi32>
      %reduce_max3A_310 = vector.extract %reduce_max3A_309[15] : i32 from vector<16xi32>
      %add3A_311 = arith.addi %add3A_285, %reduce_max3A_310 : i32
      %add3A_312 = arith.constant 64 : i32
      %add3A_313 = arith.addi %mul3A_208, %add3A_312 : i32
      %get3A_314 = arith.index_cast %add3A_313 : i32 to index
      %get3A_315 = tpu.vector_load %arg10[%get3A_314] {strides = array<i32>} : memref<15744xi32, #tpu.memory_space<vmem>>, vector<16xi32>,
      %gt3A_316 = arith.cmpi sgt, %get3A_315, %broadcast_in_dim3A_3 : vector<16xi32>
      %convert_element_type3A_317 = arith.extui %gt3A_316 : vector<16xi1> to vector<16xi32>
      %broadcast_in_dim3A_318 = arith.constant true
      %broadcast_in_dim3A_319 = vector.broadcast %broadcast_in_dim3A_318 : i1 to vector<16xi1>
      %masked_cumsum3A_320 = tpu.scan <sum>, %convert_element_type3A_317 masked %broadcast_in_dim3A_319 : vector<16xi32>, vector<16xi1> -> vector<16xi32>
      %broadcast_in_dim3A_321 = vector.broadcast %add3A_311 : i32 to vector<16xi32>
      %add3A_322 = arith.addi %broadcast_in_dim3A_321, %masked_cumsum3A_320 : vector<16xi32>
      %sub3A_323 = arith.constant 1 : i32
      %sub3A_324 = vector.broadcast %sub3A_323 : i32 to vector<16xi32>
      %sub3A_325 = arith.subi %add3A_322, %sub3A_324 : vector<16xi32>
      %add3A_326 = arith.constant 64 : i32
      %add3A_327 = vector.broadcast %add3A_326 : i32 to vector<16xi32>
      %add3A_328 = arith.addi %add3A_327, %iota3A : vector<16xi32>
      tpu.vector_store_idx %arg9[%sub3A_325], %add3A_328 masked %gt3A_316 : memref<128xi32, #tpu.memory_space<vmem>>[vector<16xi32>], vector<16xi32>, vector<16xi1>
      %reduce_max3A_329 = arith.constant true
      %reduce_max3A_330 = vector.broadcast %reduce_max3A_329 : i1 to vector<16xi1>
      %reduce_max3A_331 = arith.constant -2147483648 : i32
      %reduce_max3A_332 = vector.broadcast %reduce_max3A_331 : i32 to vector<16xi32>
      %reduce_max3A_333 = arith.xori %masked_cumsum3A_320, %reduce_max3A_332 : vector<16xi32>
      %reduce_max3A_334 = tpu.scan <max>, %reduce_max3A_333 masked %reduce_max3A_330 : vector<16xi32>, vector<16xi1> -> vector<16xi32>
      %reduce_max3A_335 = arith.xori %reduce_max3A_334, %reduce_max3A_332 : vector<16xi32>
      %reduce_max3A_336 = vector.extract %reduce_max3A_335[15] : i32 from vector<16xi32>
      %add3A_337 = arith.addi %add3A_311, %reduce_max3A_336 : i32
      %add3A_338 = arith.constant 80 : i32
      %add3A_339 = arith.addi %mul3A_208, %add3A_338 : i32
      %get3A_340 = arith.index_cast %add3A_339 : i32 to index
      %get3A_341 = tpu.vector_load %arg10[%get3A_340] {strides = array<i32>} : memref<15744xi32, #tpu.memory_space<vmem>>, vector<16xi32>,
      %gt3A_342 = arith.cmpi sgt, %get3A_341, %broadcast_in_dim3A_3 : vector<16xi32>
      %convert_element_type3A_343 = arith.extui %gt3A_342 : vector<16xi1> to vector<16xi32>
      %broadcast_in_dim3A_344 = arith.constant true
      %broadcast_in_dim3A_345 = vector.broadcast %broadcast_in_dim3A_344 : i1 to vector<16xi1>
      %masked_cumsum3A_346 = tpu.scan <sum>, %convert_element_type3A_343 masked %broadcast_in_dim3A_345 : vector<16xi32>, vector<16xi1> -> vector<16xi32>
      %broadcast_in_dim3A_347 = vector.broadcast %add3A_337 : i32 to vector<16xi32>
      %add3A_348 = arith.addi %broadcast_in_dim3A_347, %masked_cumsum3A_346 : vector<16xi32>
      %sub3A_349 = arith.constant 1 : i32
      %sub3A_350 = vector.broadcast %sub3A_349 : i32 to vector<16xi32>
      %sub3A_351 = arith.subi %add3A_348, %sub3A_350 : vector<16xi32>
      %add3A_352 = arith.constant 80 : i32
      %add3A_353 = vector.broadcast %add3A_352 : i32 to vector<16xi32>
      %add3A_354 = arith.addi %add3A_353, %iota3A : vector<16xi32>
      tpu.vector_store_idx %arg9[%sub3A_351], %add3A_354 masked %gt3A_342 : memref<128xi32, #tpu.memory_space<vmem>>[vector<16xi32>], vector<16xi32>, vector<16xi1>
      %reduce_max3A_355 = arith.constant true
      %reduce_max3A_356 = vector.broadcast %reduce_max3A_355 : i1 to vector<16xi1>
      %reduce_max3A_357 = arith.constant -2147483648 : i32
      %reduce_max3A_358 = vector.broadcast %reduce_max3A_357 : i32 to vector<16xi32>
      %reduce_max3A_359 = arith.xori %masked_cumsum3A_346, %reduce_max3A_358 : vector<16xi32>
      %reduce_max3A_360 = tpu.scan <max>, %reduce_max3A_359 masked %reduce_max3A_356 : vector<16xi32>, vector<16xi1> -> vector<16xi32>
      %reduce_max3A_361 = arith.xori %reduce_max3A_360, %reduce_max3A_358 : vector<16xi32>
      %reduce_max3A_362 = vector.extract %reduce_max3A_361[15] : i32 from vector<16xi32>
      %add3A_363 = arith.addi %add3A_337, %reduce_max3A_362 : i32
      %add3A_364 = arith.constant 96 : i32
      %add3A_365 = arith.addi %mul3A_208, %add3A_364 : i32
      %get3A_366 = arith.index_cast %add3A_365 : i32 to index
      %get3A_367 = tpu.vector_load %arg10[%get3A_366] {strides = array<i32>} : memref<15744xi32, #tpu.memory_space<vmem>>, vector<16xi32>,
      %gt3A_368 = arith.cmpi sgt, %get3A_367, %broadcast_in_dim3A_3 : vector<16xi32>
      %convert_element_type3A_369 = arith.extui %gt3A_368 : vector<16xi1> to vector<16xi32>
      %broadcast_in_dim3A_370 = arith.constant true
      %broadcast_in_dim3A_371 = vector.broadcast %broadcast_in_dim3A_370 : i1 to vector<16xi1>
      %masked_cumsum3A_372 = tpu.scan <sum>, %convert_element_type3A_369 masked %broadcast_in_dim3A_371 : vector<16xi32>, vector<16xi1> -> vector<16xi32>
      %broadcast_in_dim3A_373 = vector.broadcast %add3A_363 : i32 to vector<16xi32>
      %add3A_374 = arith.addi %broadcast_in_dim3A_373, %masked_cumsum3A_372 : vector<16xi32>
      %sub3A_375 = arith.constant 1 : i32
      %sub3A_376 = vector.broadcast %sub3A_375 : i32 to vector<16xi32>
      %sub3A_377 = arith.subi %add3A_374, %sub3A_376 : vector<16xi32>
      %add3A_378 = arith.constant 96 : i32
      %add3A_379 = vector.broadcast %add3A_378 : i32 to vector<16xi32>
      %add3A_380 = arith.addi %add3A_379, %iota3A : vector<16xi32>
      tpu.vector_store_idx %arg9[%sub3A_377], %add3A_380 masked %gt3A_368 : memref<128xi32, #tpu.memory_space<vmem>>[vector<16xi32>], vector<16xi32>, vector<16xi1>
      %reduce_max3A_381 = arith.constant true
      %reduce_max3A_382 = vector.broadcast %reduce_max3A_381 : i1 to vector<16xi1>
      %reduce_max3A_383 = arith.constant -2147483648 : i32
      %reduce_max3A_384 = vector.broadcast %reduce_max3A_383 : i32 to vector<16xi32>
      %reduce_max3A_385 = arith.xori %masked_cumsum3A_372, %reduce_max3A_384 : vector<16xi32>
      %reduce_max3A_386 = tpu.scan <max>, %reduce_max3A_385 masked %reduce_max3A_382 : vector<16xi32>, vector<16xi1> -> vector<16xi32>
      %reduce_max3A_387 = arith.xori %reduce_max3A_386, %reduce_max3A_384 : vector<16xi32>
      %reduce_max3A_388 = vector.extract %reduce_max3A_387[15] : i32 from vector<16xi32>
      %add3A_389 = arith.addi %add3A_363, %reduce_max3A_388 : i32
      %add3A_390 = arith.constant 112 : i32
      %add3A_391 = arith.addi %mul3A_208, %add3A_390 : i32
      %get3A_392 = arith.index_cast %add3A_391 : i32 to index
      %get3A_393 = tpu.vector_load %arg10[%get3A_392] {strides = array<i32>} : memref<15744xi32, #tpu.memory_space<vmem>>, vector<16xi32>,
      %gt3A_394 = arith.cmpi sgt, %get3A_393, %broadcast_in_dim3A_3 : vector<16xi32>
      %convert_element_type3A_395 = arith.extui %gt3A_394 : vector<16xi1> to vector<16xi32>
      %broadcast_in_dim3A_396 = arith.constant true
      %broadcast_in_dim3A_397 = vector.broadcast %broadcast_in_dim3A_396 : i1 to vector<16xi1>
      %masked_cumsum3A_398 = tpu.scan <sum>, %convert_element_type3A_395 masked %broadcast_in_dim3A_397 : vector<16xi32>, vector<16xi1> -> vector<16xi32>
      %broadcast_in_dim3A_399 = vector.broadcast %add3A_389 : i32 to vector<16xi32>
      %add3A_400 = arith.addi %broadcast_in_dim3A_399, %masked_cumsum3A_398 : vector<16xi32>
      %sub3A_401 = arith.constant 1 : i32
      %sub3A_402 = vector.broadcast %sub3A_401 : i32 to vector<16xi32>
      %sub3A_403 = arith.subi %add3A_400, %sub3A_402 : vector<16xi32>
      %add3A_404 = arith.constant 112 : i32
      %add3A_405 = vector.broadcast %add3A_404 : i32 to vector<16xi32>
      %add3A_406 = arith.addi %add3A_405, %iota3A : vector<16xi32>
      tpu.vector_store_idx %arg9[%sub3A_403], %add3A_406 masked %gt3A_394 : memref<128xi32, #tpu.memory_space<vmem>>[vector<16xi32>], vector<16xi32>, vector<16xi1>
      %reduce_max3A_407 = arith.constant true
      %reduce_max3A_408 = vector.broadcast %reduce_max3A_407 : i1 to vector<16xi1>
      %reduce_max3A_409 = arith.constant -2147483648 : i32
      %reduce_max3A_410 = vector.broadcast %reduce_max3A_409 : i32 to vector<16xi32>
      %reduce_max3A_411 = arith.xori %masked_cumsum3A_398, %reduce_max3A_410 : vector<16xi32>
      %reduce_max3A_412 = tpu.scan <max>, %reduce_max3A_411 masked %reduce_max3A_408 : vector<16xi32>, vector<16xi1> -> vector<16xi32>
      %reduce_max3A_413 = arith.xori %reduce_max3A_412, %reduce_max3A_410 : vector<16xi32>
      %reduce_max3A_414 = vector.extract %reduce_max3A_413[15] : i32 from vector<16xi32>
      %add3A_415 = arith.addi %add3A_389, %reduce_max3A_414 : i32
      %jit3A_416 = arith.constant 128 : i32
      %div3A_417 = arith.divsi %while3A_203, %jit3A_416 : i32
      %sign3A_418 = arith.constant 0 : i32
      %sign3A_419 = arith.cmpi sgt, %while3A_203, %sign3A_418 : i32
      %sign3A_420 = arith.extui %sign3A_419 : i1 to i32
      %sign3A_421 = arith.constant 0 : i32
      %sign3A_422 = arith.cmpi slt, %while3A_203, %sign3A_421 : i32
      %sign3A_423 = arith.extui %sign3A_422 : i1 to i32
      %sign3A_424 = arith.subi %sign3A_420, %sign3A_423 : i32
      %sign3A_425 = arith.constant 0 : i32
      %sign3A_426 = arith.cmpi sgt, %jit3A_416, %sign3A_425 : i32
      %sign3A_427 = arith.extui %sign3A_426 : i1 to i32
      %sign3A_428 = arith.constant 0 : i32
      %sign3A_429 = arith.cmpi slt, %jit3A_416, %sign3A_428 : i32
      %sign3A_430 = arith.extui %sign3A_429 : i1 to i32
      %sign3A_431 = arith.subi %sign3A_427, %sign3A_430 : i32
      %ne3A_432 = arith.cmpi ne, %sign3A_424, %sign3A_431 : i32
      %rem3A_433 = arith.remsi %while3A_203, %jit3A_416 : i32
      %ne3A_434 = arith.constant 0 : i32
      %ne3A_435 = arith.cmpi ne, %rem3A_433, %ne3A_434 : i32
      %and3A_436 = arith.andi %ne3A_432, %ne3A_435 : i1
      %sub3A_437 = arith.constant 1 : i32
      %sub3A_438 = arith.subi %div3A_417, %sub3A_437 : i32
      %select_n3A_439 = arith.select %and3A_436, %sub3A_438, %div3A_417 : i32
      %add3A_440 = arith.constant 2 : i32
      %add3A_441 = arith.addi %select_n3A_439, %add3A_440 : i32
      %min3A_442 = arith.minsi %add3A_441, %select_n3A_144 : i32
      %sub3A_443 = arith.subi %min3A_442, %while3A_204 : i32
      %max3A_444 = arith.constant 0 : i32
      %max3A_445 = arith.maxsi %sub3A_443, %max3A_444 : i32
      %while3A_446 = arith.constant 0 : i32
      %while3A_447 = arith.constant 0 : i32
      %while3A_448 = arith.subi %max3A_445, %while3A_446 : i32
      %while3A_449 = arith.addi %while3A_446, %while3A_448 : i32
      %while3A_450 = arith.constant 1 : i32
      %while3A_451 = arith.divsi %while3A_448, %while3A_450 : i32
      %while3A_452 = arith.muli %while3A_451, %while3A_450 : i32
      %while3A_453 = arith.addi %while3A_446, %while3A_452 : i32
      %while3A_454 = arith.constant 1 : i32
      %while3A_455 = scf.for %while3A_569 = %while3A_446 to %while3A_453 step %while3A_454 iter_args(%while3A_570 = %while3A_447) -> (i32)  : i32 {
        %add3A_571 = arith.addi %while3A_204, %while3A_569 : i32
        %mul3A_572 = arith.constant 128 : i32
        %mul3A_573 = arith.muli %add3A_571, %mul3A_572 : i32
        %and3A_574 = arith.constant 1 : i32
        %and3A_575 = arith.andi %add3A_571, %and3A_574 : i32
        %mul3A_576 = arith.constant 128 : i32
        %mul3A_577 = arith.muli %and3A_575, %mul3A_576 : i32
        %and3A_578 = arith.constant 1 : i32
        %and3A_579 = arith.andi %add3A_571, %and3A_578 : i32
        %dma_start3A_580 = arith.constant 0 : i32
        %dma_start3A_581 = tpu.memref_slice %arg18[%mul3A_577, %dma_start3A_580] : memref<256x128xf32, #tpu.memory_space<vmem>> -> memref<128x128xf32, #tpu.memory_space<vmem>>
        %dma_start3A_582 = tpu.memref_slice %arg16[%mul3A_573] : memref<16512xi32, #tpu.memory_space<vmem>> -> memref<128xi32, #tpu.memory_space<vmem>>
        %dma_start3A_583 = arith.constant 0 : i32
        %dma_start3A_584 = arith.constant 0 : i32
        %dma_start3A_585 = tpu.memref_slice %arg4[%dma_start3A_583, %dma_start3A_584] : memref<8192x128xf32, #tpu.memory_space<hbm>> -> memref<8192x128xf32, #tpu.memory_space<hbm>>
        %dma_start3A_586 = tpu.memref_slice %arg11[%and3A_579] : memref<2x!tpu.dma_semaphore, #tpu.memory_space<semaphore_mem>> -> memref<1x!tpu.dma_semaphore, #tpu.memory_space<semaphore_mem>>
        %dma_start3A_587 = tpu.memref_squeeze %dma_start3A_586 : memref<1x!tpu.dma_semaphore, #tpu.memory_space<semaphore_mem>> -> memref<!tpu.dma_semaphore, #tpu.memory_space<semaphore_mem>>
        tpu.enqueue_indirect_dma source(%dma_start3A_585 : memref<8192x128xf32, #tpu.memory_space<hbm>>) target(%dma_start3A_581 : memref<128x128xf32, #tpu.memory_space<vmem>>) offsets(%dma_start3A_582 : memref<128xi32, #tpu.memory_space<vmem>>) semaphore(%dma_start3A_587 : memref<!tpu.dma_semaphore, #tpu.memory_space<semaphore_mem>>)
        %while3A_588 = arith.constant 0 : i32
        scf.yield %while3A_588 : i32
      }
      %while3A_456 = arith.constant 1 : i32
      %while3A_457 = scf.for %while3A_569 = %while3A_453 to %while3A_449 step %while3A_456 iter_args(%while3A_570 = %while3A_455) -> (i32)  : i32 {
        %add3A_571 = arith.addi %while3A_204, %while3A_569 : i32
        %mul3A_572 = arith.constant 128 : i32
        %mul3A_573 = arith.muli %add3A_571, %mul3A_572 : i32
        %and3A_574 = arith.constant 1 : i32
        %and3A_575 = arith.andi %add3A_571, %and3A_574 : i32
        %mul3A_576 = arith.constant 128 : i32
        %mul3A_577 = arith.muli %and3A_575, %mul3A_576 : i32
        %and3A_578 = arith.constant 1 : i32
        %and3A_579 = arith.andi %add3A_571, %and3A_578 : i32
        %dma_start3A_580 = arith.constant 0 : i32
        %dma_start3A_581 = tpu.memref_slice %arg18[%mul3A_577, %dma_start3A_580] : memref<256x128xf32, #tpu.memory_space<vmem>> -> memref<128x128xf32, #tpu.memory_space<vmem>>
        %dma_start3A_582 = tpu.memref_slice %arg16[%mul3A_573] : memref<16512xi32, #tpu.memory_space<vmem>> -> memref<128xi32, #tpu.memory_space<vmem>>
        %dma_start3A_583 = arith.constant 0 : i32
        %dma_start3A_584 = arith.constant 0 : i32
        %dma_start3A_585 = tpu.memref_slice %arg4[%dma_start3A_583, %dma_start3A_584] : memref<8192x128xf32, #tpu.memory_space<hbm>> -> memref<8192x128xf32, #tpu.memory_space<hbm>>
        %dma_start3A_586 = tpu.memref_slice %arg11[%and3A_579] : memref<2x!tpu.dma_semaphore, #tpu.memory_space<semaphore_mem>> -> memref<1x!tpu.dma_semaphore, #tpu.memory_space<semaphore_mem>>
        %dma_start3A_587 = tpu.memref_squeeze %dma_start3A_586 : memref<1x!tpu.dma_semaphore, #tpu.memory_space<semaphore_mem>> -> memref<!tpu.dma_semaphore, #tpu.memory_space<semaphore_mem>>
        tpu.enqueue_indirect_dma source(%dma_start3A_585 : memref<8192x128xf32, #tpu.memory_space<hbm>>) target(%dma_start3A_581 : memref<128x128xf32, #tpu.memory_space<vmem>>) offsets(%dma_start3A_582 : memref<128xi32, #tpu.memory_space<vmem>>) semaphore(%dma_start3A_587 : memref<!tpu.dma_semaphore, #tpu.memory_space<semaphore_mem>>)
        %while3A_588 = arith.constant 0 : i32
        scf.yield %while3A_588 : i32
      }
      %max3A_458 = arith.maxsi %while3A_204, %min3A_442 : i32
      %add3A_459 = arith.addi %while3A_203, %add3A_415 : i32
      %add3A_460 = arith.constant 128 : i32
      %add3A_461 = arith.addi %add3A_459, %add3A_460 : i32
      %sub3A_462 = arith.constant 1 : i32
      %sub3A_463 = arith.subi %add3A_461, %sub3A_462 : i32
      %jit3A_464 = arith.constant 128 : i32
      %div3A_465 = arith.divsi %sub3A_463, %jit3A_464 : i32
      %sign3A_466 = arith.constant 0 : i32
      %sign3A_467 = arith.cmpi sgt, %sub3A_463, %sign3A_466 : i32
      %sign3A_468 = arith.extui %sign3A_467 : i1 to i32
      %sign3A_469 = arith.constant 0 : i32
      %sign3A_470 = arith.cmpi slt, %sub3A_463, %sign3A_469 : i32
      %sign3A_471 = arith.extui %sign3A_470 : i1 to i32
      %sign3A_472 = arith.subi %sign3A_468, %sign3A_471 : i32
      %sign3A_473 = arith.constant 0 : i32
      %sign3A_474 = arith.cmpi sgt, %jit3A_464, %sign3A_473 : i32
      %sign3A_475 = arith.extui %sign3A_474 : i1 to i32
      %sign3A_476 = arith.constant 0 : i32
      %sign3A_477 = arith.cmpi slt, %jit3A_464, %sign3A_476 : i32
      %sign3A_478 = arith.extui %sign3A_477 : i1 to i32
      %sign3A_479 = arith.subi %sign3A_475, %sign3A_478 : i32
      %ne3A_480 = arith.cmpi ne, %sign3A_472, %sign3A_479 : i32
      %rem3A_481 = arith.remsi %sub3A_463, %jit3A_464 : i32
      %ne3A_482 = arith.constant 0 : i32
      %ne3A_483 = arith.cmpi ne, %rem3A_481, %ne3A_482 : i32
      %and3A_484 = arith.andi %ne3A_480, %ne3A_483 : i1
      %sub3A_485 = arith.constant 1 : i32
      %sub3A_486 = arith.subi %div3A_465, %sub3A_485 : i32
      %select_n3A_487 = arith.select %and3A_484, %sub3A_486, %div3A_465 : i32
      %min3A_488 = arith.minsi %select_n3A_487, %select_n3A_144 : i32
      %mul3A_489 = arith.constant 128 : i32
      %mul3A_490 = arith.muli %while3A_202, %mul3A_489 : i32
      %add3A_491 = arith.addi %mul3A_2, %mul3A_490 : i32
      %dma_wait3A = arith.constant 0 : i32
      %dma_wait3A_492 = arith.constant 0 : i32
      %dma_wait3A_493 = tpu.memref_slice %arg8[%while3A_206, %dma_wait3A, %dma_wait3A_492] : memref<3x64x128xf32, #tpu.memory_space<vmem>> -> memref<1x64x128xf32, #tpu.memory_space<vmem>>
      %dma_wait3A_494 = tpu.memref_squeeze %dma_wait3A_493 : memref<1x64x128xf32, #tpu.memory_space<vmem>> -> memref<64x128xf32, #tpu.memory_space<vmem>>
      %dma_wait3A_495 = arith.constant 0 : i32
      %dma_wait3A_496 = tpu.memref_slice %arg2[%dma_wait3A_495, %add3A_491] : memref<64x500000xf32, #tpu.memory_space<hbm>> -> memref<64x128xf32, #tpu.memory_space<hbm>>
      %dma_wait3A_497 = tpu.memref_slice %arg13[%while3A_206] : memref<3x!tpu.dma_semaphore, #tpu.memory_space<semaphore_mem>> -> memref<1x!tpu.dma_semaphore, #tpu.memory_space<semaphore_mem>>
      %dma_wait3A_498 = tpu.memref_squeeze %dma_wait3A_497 : memref<1x!tpu.dma_semaphore, #tpu.memory_space<semaphore_mem>> -> memref<!tpu.dma_semaphore, #tpu.memory_space<semaphore_mem>>
      %dma_wait3A_499 = arith.constant 0 : i32
      %dma_wait3A_500 = arith.constant 0 : i32
      %dma_wait3A_501 = tpu.memref_slice %arg8[%while3A_206, %dma_wait3A_499, %dma_wait3A_500] : memref<3x64x128xf32, #tpu.memory_space<vmem>> -> memref<1x64x128xf32, #tpu.memory_space<vmem>>
      %dma_wait3A_502 = tpu.memref_squeeze %dma_wait3A_501 : memref<1x64x128xf32, #tpu.memory_space<vmem>> -> memref<64x128xf32, #tpu.memory_space<vmem>>
      %dma_wait3A_503 = arith.constant 0 : i32
      %dma_wait3A_504 = tpu.memref_slice %arg2[%dma_wait3A_503, %add3A_491] : memref<64x500000xf32, #tpu.memory_space<hbm>> -> memref<64x128xf32, #tpu.memory_space<hbm>>
      tpu.wait_dma2 semaphore(%dma_wait3A_498 : memref<!tpu.dma_semaphore, #tpu.memory_space<semaphore_mem>>) src(%dma_wait3A_504 : memref<64x128xf32, #tpu.memory_space<hbm>>) dst(%dma_wait3A_502 : memref<64x128xf32, #tpu.memory_space<vmem>>)
      %sub3A_505 = arith.subi %min3A_488, %while3A_205 : i32
      %max3A_506 = arith.constant 0 : i32
      %max3A_507 = arith.maxsi %sub3A_505, %max3A_506 : i32
      %while3A_508 = arith.constant 0 : i32
      %while3A_509 = arith.constant 0 : i32
      %while3A_510 = arith.subi %max3A_507, %while3A_508 : i32
      %while3A_511 = arith.addi %while3A_508, %while3A_510 : i32
      %while3A_512 = arith.constant 1 : i32
      %while3A_513 = arith.divsi %while3A_510, %while3A_512 : i32
      %while3A_514 = arith.muli %while3A_513, %while3A_512 : i32
      %while3A_515 = arith.addi %while3A_508, %while3A_514 : i32
      %while3A_516 = arith.constant 1 : i32
      %while3A_517 = scf.for %while3A_569 = %while3A_508 to %while3A_515 step %while3A_516 iter_args(%while3A_570 = %while3A_509) -> (i32)  : i32 {
        %add3A_571 = arith.addi %while3A_205, %while3A_569 : i32
        %mul3A_572 = arith.constant 128 : i32
        %mul3A_573 = arith.muli %add3A_571, %mul3A_572 : i32
        %and3A_574 = arith.constant 1 : i32
        %and3A_575 = arith.andi %add3A_571, %and3A_574 : i32
        %mul3A_576 = arith.constant 128 : i32
        %mul3A_577 = arith.muli %and3A_575, %mul3A_576 : i32
        %and3A_578 = arith.constant 1 : i32
        %and3A_579 = arith.andi %add3A_571, %and3A_578 : i32
        %dma_wait3A_580 = arith.constant 0 : i32
        %dma_wait3A_581 = tpu.memref_slice %arg18[%mul3A_577, %dma_wait3A_580] : memref<256x128xf32, #tpu.memory_space<vmem>> -> memref<128x128xf32, #tpu.memory_space<vmem>>
        %dma_wait3A_582 = tpu.memref_slice %arg16[%mul3A_573] : memref<16512xi32, #tpu.memory_space<vmem>> -> memref<128xi32, #tpu.memory_space<vmem>>
        %dma_wait3A_583 = arith.constant 0 : i32
        %dma_wait3A_584 = arith.constant 0 : i32
        %dma_wait3A_585 = tpu.memref_slice %arg4[%dma_wait3A_583, %dma_wait3A_584] : memref<8192x128xf32, #tpu.memory_space<hbm>> -> memref<8192x128xf32, #tpu.memory_space<hbm>>
        %dma_wait3A_586 = tpu.memref_slice %arg11[%and3A_579] : memref<2x!tpu.dma_semaphore, #tpu.memory_space<semaphore_mem>> -> memref<1x!tpu.dma_semaphore, #tpu.memory_space<semaphore_mem>>
        %dma_wait3A_587 = tpu.memref_squeeze %dma_wait3A_586 : memref<1x!tpu.dma_semaphore, #tpu.memory_space<semaphore_mem>> -> memref<!tpu.dma_semaphore, #tpu.memory_space<semaphore_mem>>
        tpu.wait_indirect_dma semaphore(%dma_wait3A_587 : memref<!tpu.dma_semaphore, #tpu.memory_space<semaphore_mem>>) src(%dma_wait3A_585 : memref<8192x128xf32, #tpu.memory_space<hbm>>) dst(%dma_wait3A_581 : memref<128x128xf32, #tpu.memory_space<vmem>>)
        %while3A_588 = arith.constant 0 : i32
        scf.yield %while3A_588 : i32
      }
      %while3A_518 = arith.constant 1 : i32
      %while3A_519 = scf.for %while3A_569 = %while3A_515 to %while3A_511 step %while3A_518 iter_args(%while3A_570 = %while3A_517) -> (i32)  : i32 {
        %add3A_571 = arith.addi %while3A_205, %while3A_569 : i32
        %mul3A_572 = arith.constant 128 : i32
        %mul3A_573 = arith.muli %add3A_571, %mul3A_572 : i32
        %and3A_574 = arith.constant 1 : i32
        %and3A_575 = arith.andi %add3A_571, %and3A_574 : i32
        %mul3A_576 = arith.constant 128 : i32
        %mul3A_577 = arith.muli %and3A_575, %mul3A_576 : i32
        %and3A_578 = arith.constant 1 : i32
        %and3A_579 = arith.andi %add3A_571, %and3A_578 : i32
        %dma_wait3A_580 = arith.constant 0 : i32
        %dma_wait3A_581 = tpu.memref_slice %arg18[%mul3A_577, %dma_wait3A_580] : memref<256x128xf32, #tpu.memory_space<vmem>> -> memref<128x128xf32, #tpu.memory_space<vmem>>
        %dma_wait3A_582 = tpu.memref_slice %arg16[%mul3A_573] : memref<16512xi32, #tpu.memory_space<vmem>> -> memref<128xi32, #tpu.memory_space<vmem>>
        %dma_wait3A_583 = arith.constant 0 : i32
        %dma_wait3A_584 = arith.constant 0 : i32
        %dma_wait3A_585 = tpu.memref_slice %arg4[%dma_wait3A_583, %dma_wait3A_584] : memref<8192x128xf32, #tpu.memory_space<hbm>> -> memref<8192x128xf32, #tpu.memory_space<hbm>>
        %dma_wait3A_586 = tpu.memref_slice %arg11[%and3A_579] : memref<2x!tpu.dma_semaphore, #tpu.memory_space<semaphore_mem>> -> memref<1x!tpu.dma_semaphore, #tpu.memory_space<semaphore_mem>>
        %dma_wait3A_587 = tpu.memref_squeeze %dma_wait3A_586 : memref<1x!tpu.dma_semaphore, #tpu.memory_space<semaphore_mem>> -> memref<!tpu.dma_semaphore, #tpu.memory_space<semaphore_mem>>
        tpu.wait_indirect_dma semaphore(%dma_wait3A_587 : memref<!tpu.dma_semaphore, #tpu.memory_space<semaphore_mem>>) src(%dma_wait3A_585 : memref<8192x128xf32, #tpu.memory_space<hbm>>) dst(%dma_wait3A_581 : memref<128x128xf32, #tpu.memory_space<vmem>>)
        %while3A_588 = arith.constant 0 : i32
        scf.yield %while3A_588 : i32
      }
      %max3A_520 = arith.maxsi %while3A_205, %min3A_488 : i32
      %broadcast_in_dim3A_521 = vector.broadcast %while3A_203 : i32 to vector<16xi32>
      %while3A_522 = arith.constant 0 : i32
      %while3A_523 = arith.constant 0 : i32
      %while3A_524 = arith.subi %add3A_415, %while3A_522 : i32
      %while3A_525 = arith.addi %while3A_522, %while3A_524 : i32
      %while3A_526 = arith.constant 1 : i32
      %while3A_527 = arith.divsi %while3A_524, %while3A_526 : i32
      %while3A_528 = arith.muli %while3A_527, %while3A_526 : i32
      %while3A_529 = arith.addi %while3A_522, %while3A_528 : i32
      %while3A_530 = arith.constant 1 : i32
      %while3A_531 = scf.for %while3A_569 = %while3A_522 to %while3A_529 step %while3A_530 iter_args(%while3A_570 = %while3A_523) -> (i32)  : i32 {
        %broadcast_in_dim3A_571 = vector.broadcast %while3A_569 : i32 to vector<16xi32>
        %gather3A = tpu.vector_load_idx %arg9[%broadcast_in_dim3A_571] : memref<128xi32, #tpu.memory_space<vmem>>[vector<16xi32>], vector<16xi32>,
        %add3A_572 = arith.addi %broadcast_in_dim3A_521, %broadcast_in_dim3A_571 : vector<16xi32>
        %and3A_573 = arith.constant 255 : i32
        %and3A_574 = vector.broadcast %and3A_573 : i32 to vector<16xi32>
        %and3A_575 = arith.andi %add3A_572, %and3A_574 : vector<16xi32>
        %add3A_576 = arith.addi %broadcast_in_dim3A_521, %broadcast_in_dim3A_571 : vector<16xi32>
        %gather3A_577 = tpu.vector_load_idx %arg17[%add3A_576] : memref<16512xi32, #tpu.memory_space<vmem>>[vector<16xi32>], vector<16xi32>,
        %add3A_578 = arith.constant 0 : i32
        %add3A_579 = vector.broadcast %add3A_578 : i32 to vector<16xi32>
        %add3A_580 = arith.addi %gather3A_577, %add3A_579 : vector<16xi32>
        %add3A_581 = arith.addi %add3A_580, %iota3A : vector<16xi32>
        %gather3A_582 = tpu.vector_load_idx %arg18[%and3A_575, %add3A_581] : memref<256x128xf32, #tpu.memory_space<vmem>>[vector<16xi32>, vector<16xi32>], vector<16xf32>,
        %add3A_583 = arith.constant 0 : i32
        %add3A_584 = vector.broadcast %add3A_583 : i32 to vector<16xi32>
        %add3A_585 = arith.addi %add3A_584, %iota3A : vector<16xi32>
        %scatter3A = arith.constant 0 : i32
        %scatter3A_586 = arith.constant 0 : i32
        %scatter3A_587 = tpu.memref_slice %arg8[%while3A_206, %scatter3A, %scatter3A_586] : memref<3x64x128xf32, #tpu.memory_space<vmem>> -> memref<1x64x128xf32, #tpu.memory_space<vmem>>
        %scatter3A_588 = tpu.memref_squeeze %scatter3A_587 : memref<1x64x128xf32, #tpu.memory_space<vmem>> -> memref<64x128xf32, #tpu.memory_space<vmem>>
        tpu.vector_store_idx %scatter3A_588[%add3A_585, %gather3A], %gather3A_582 : memref<64x128xf32, #tpu.memory_space<vmem>>[vector<16xi32>, vector<16xi32>], vector<16xf32>,
        %add3A_589 = arith.constant 16 : i32
        %add3A_590 = vector.broadcast %add3A_589 : i32 to vector<16xi32>
        %add3A_591 = arith.addi %gather3A_577, %add3A_590 : vector<16xi32>
        %add3A_592 = arith.addi %add3A_591, %iota3A : vector<16xi32>
        %gather3A_593 = tpu.vector_load_idx %arg18[%and3A_575, %add3A_592] : memref<256x128xf32, #tpu.memory_space<vmem>>[vector<16xi32>, vector<16xi32>], vector<16xf32>,
        %add3A_594 = arith.constant 16 : i32
        %add3A_595 = vector.broadcast %add3A_594 : i32 to vector<16xi32>
        %add3A_596 = arith.addi %add3A_595, %iota3A : vector<16xi32>
        %scatter3A_597 = arith.constant 0 : i32
        %scatter3A_598 = arith.constant 0 : i32
        %scatter3A_599 = tpu.memref_slice %arg8[%while3A_206, %scatter3A_597, %scatter3A_598] : memref<3x64x128xf32, #tpu.memory_space<vmem>> -> memref<1x64x128xf32, #tpu.memory_space<vmem>>
        %scatter3A_600 = tpu.memref_squeeze %scatter3A_599 : memref<1x64x128xf32, #tpu.memory_space<vmem>> -> memref<64x128xf32, #tpu.memory_space<vmem>>
        tpu.vector_store_idx %scatter3A_600[%add3A_596, %gather3A], %gather3A_593 : memref<64x128xf32, #tpu.memory_space<vmem>>[vector<16xi32>, vector<16xi32>], vector<16xf32>,
        %add3A_601 = arith.constant 32 : i32
        %add3A_602 = vector.broadcast %add3A_601 : i32 to vector<16xi32>
        %add3A_603 = arith.addi %gather3A_577, %add3A_602 : vector<16xi32>
        %add3A_604 = arith.addi %add3A_603, %iota3A : vector<16xi32>
        %gather3A_605 = tpu.vector_load_idx %arg18[%and3A_575, %add3A_604] : memref<256x128xf32, #tpu.memory_space<vmem>>[vector<16xi32>, vector<16xi32>], vector<16xf32>,
        %add3A_606 = arith.constant 32 : i32
        %add3A_607 = vector.broadcast %add3A_606 : i32 to vector<16xi32>
        %add3A_608 = arith.addi %add3A_607, %iota3A : vector<16xi32>
        %scatter3A_609 = arith.constant 0 : i32
        %scatter3A_610 = arith.constant 0 : i32
        %scatter3A_611 = tpu.memref_slice %arg8[%while3A_206, %scatter3A_609, %scatter3A_610] : memref<3x64x128xf32, #tpu.memory_space<vmem>> -> memref<1x64x128xf32, #tpu.memory_space<vmem>>
        %scatter3A_612 = tpu.memref_squeeze %scatter3A_611 : memref<1x64x128xf32, #tpu.memory_space<vmem>> -> memref<64x128xf32, #tpu.memory_space<vmem>>
        tpu.vector_store_idx %scatter3A_612[%add3A_608, %gather3A], %gather3A_605 : memref<64x128xf32, #tpu.memory_space<vmem>>[vector<16xi32>, vector<16xi32>], vector<16xf32>,
        %add3A_613 = arith.constant 48 : i32
        %add3A_614 = vector.broadcast %add3A_613 : i32 to vector<16xi32>
        %add3A_615 = arith.addi %gather3A_577, %add3A_614 : vector<16xi32>
        %add3A_616 = arith.addi %add3A_615, %iota3A : vector<16xi32>
        %gather3A_617 = tpu.vector_load_idx %arg18[%and3A_575, %add3A_616] : memref<256x128xf32, #tpu.memory_space<vmem>>[vector<16xi32>, vector<16xi32>], vector<16xf32>,
        %add3A_618 = arith.constant 48 : i32
        %add3A_619 = vector.broadcast %add3A_618 : i32 to vector<16xi32>
        %add3A_620 = arith.addi %add3A_619, %iota3A : vector<16xi32>
        %scatter3A_621 = arith.constant 0 : i32
        %scatter3A_622 = arith.constant 0 : i32
        %scatter3A_623 = tpu.memref_slice %arg8[%while3A_206, %scatter3A_621, %scatter3A_622] : memref<3x64x128xf32, #tpu.memory_space<vmem>> -> memref<1x64x128xf32, #tpu.memory_space<vmem>>
        %scatter3A_624 = tpu.memref_squeeze %scatter3A_623 : memref<1x64x128xf32, #tpu.memory_space<vmem>> -> memref<64x128xf32, #tpu.memory_space<vmem>>
        tpu.vector_store_idx %scatter3A_624[%add3A_620, %gather3A], %gather3A_617 : memref<64x128xf32, #tpu.memory_space<vmem>>[vector<16xi32>, vector<16xi32>], vector<16xf32>,
        %while3A_625 = arith.constant 0 : i32
        scf.yield %while3A_625 : i32
      }
      %while3A_532 = arith.constant 1 : i32
      %while3A_533 = scf.for %while3A_569 = %while3A_529 to %while3A_525 step %while3A_532 iter_args(%while3A_570 = %while3A_531) -> (i32)  : i32 {
        %broadcast_in_dim3A_571 = vector.broadcast %while3A_569 : i32 to vector<16xi32>
        %gather3A = tpu.vector_load_idx %arg9[%broadcast_in_dim3A_571] : memref<128xi32, #tpu.memory_space<vmem>>[vector<16xi32>], vector<16xi32>,
        %add3A_572 = arith.addi %broadcast_in_dim3A_521, %broadcast_in_dim3A_571 : vector<16xi32>
        %and3A_573 = arith.constant 255 : i32
        %and3A_574 = vector.broadcast %and3A_573 : i32 to vector<16xi32>
        %and3A_575 = arith.andi %add3A_572, %and3A_574 : vector<16xi32>
        %add3A_576 = arith.addi %broadcast_in_dim3A_521, %broadcast_in_dim3A_571 : vector<16xi32>
        %gather3A_577 = tpu.vector_load_idx %arg17[%add3A_576] : memref<16512xi32, #tpu.memory_space<vmem>>[vector<16xi32>], vector<16xi32>,
        %add3A_578 = arith.constant 0 : i32
        %add3A_579 = vector.broadcast %add3A_578 : i32 to vector<16xi32>
        %add3A_580 = arith.addi %gather3A_577, %add3A_579 : vector<16xi32>
        %add3A_581 = arith.addi %add3A_580, %iota3A : vector<16xi32>
        %gather3A_582 = tpu.vector_load_idx %arg18[%and3A_575, %add3A_581] : memref<256x128xf32, #tpu.memory_space<vmem>>[vector<16xi32>, vector<16xi32>], vector<16xf32>,
        %add3A_583 = arith.constant 0 : i32
        %add3A_584 = vector.broadcast %add3A_583 : i32 to vector<16xi32>
        %add3A_585 = arith.addi %add3A_584, %iota3A : vector<16xi32>
        %scatter3A = arith.constant 0 : i32
        %scatter3A_586 = arith.constant 0 : i32
        %scatter3A_587 = tpu.memref_slice %arg8[%while3A_206, %scatter3A, %scatter3A_586] : memref<3x64x128xf32, #tpu.memory_space<vmem>> -> memref<1x64x128xf32, #tpu.memory_space<vmem>>
        %scatter3A_588 = tpu.memref_squeeze %scatter3A_587 : memref<1x64x128xf32, #tpu.memory_space<vmem>> -> memref<64x128xf32, #tpu.memory_space<vmem>>
        tpu.vector_store_idx %scatter3A_588[%add3A_585, %gather3A], %gather3A_582 : memref<64x128xf32, #tpu.memory_space<vmem>>[vector<16xi32>, vector<16xi32>], vector<16xf32>,
        %add3A_589 = arith.constant 16 : i32
        %add3A_590 = vector.broadcast %add3A_589 : i32 to vector<16xi32>
        %add3A_591 = arith.addi %gather3A_577, %add3A_590 : vector<16xi32>
        %add3A_592 = arith.addi %add3A_591, %iota3A : vector<16xi32>
        %gather3A_593 = tpu.vector_load_idx %arg18[%and3A_575, %add3A_592] : memref<256x128xf32, #tpu.memory_space<vmem>>[vector<16xi32>, vector<16xi32>], vector<16xf32>,
        %add3A_594 = arith.constant 16 : i32
        %add3A_595 = vector.broadcast %add3A_594 : i32 to vector<16xi32>
        %add3A_596 = arith.addi %add3A_595, %iota3A : vector<16xi32>
        %scatter3A_597 = arith.constant 0 : i32
        %scatter3A_598 = arith.constant 0 : i32
        %scatter3A_599 = tpu.memref_slice %arg8[%while3A_206, %scatter3A_597, %scatter3A_598] : memref<3x64x128xf32, #tpu.memory_space<vmem>> -> memref<1x64x128xf32, #tpu.memory_space<vmem>>
        %scatter3A_600 = tpu.memref_squeeze %scatter3A_599 : memref<1x64x128xf32, #tpu.memory_space<vmem>> -> memref<64x128xf32, #tpu.memory_space<vmem>>
        tpu.vector_store_idx %scatter3A_600[%add3A_596, %gather3A], %gather3A_593 : memref<64x128xf32, #tpu.memory_space<vmem>>[vector<16xi32>, vector<16xi32>], vector<16xf32>,
        %add3A_601 = arith.constant 32 : i32
        %add3A_602 = vector.broadcast %add3A_601 : i32 to vector<16xi32>
        %add3A_603 = arith.addi %gather3A_577, %add3A_602 : vector<16xi32>
        %add3A_604 = arith.addi %add3A_603, %iota3A : vector<16xi32>
        %gather3A_605 = tpu.vector_load_idx %arg18[%and3A_575, %add3A_604] : memref<256x128xf32, #tpu.memory_space<vmem>>[vector<16xi32>, vector<16xi32>], vector<16xf32>,
        %add3A_606 = arith.constant 32 : i32
        %add3A_607 = vector.broadcast %add3A_606 : i32 to vector<16xi32>
        %add3A_608 = arith.addi %add3A_607, %iota3A : vector<16xi32>
        %scatter3A_609 = arith.constant 0 : i32
        %scatter3A_610 = arith.constant 0 : i32
        %scatter3A_611 = tpu.memref_slice %arg8[%while3A_206, %scatter3A_609, %scatter3A_610] : memref<3x64x128xf32, #tpu.memory_space<vmem>> -> memref<1x64x128xf32, #tpu.memory_space<vmem>>
        %scatter3A_612 = tpu.memref_squeeze %scatter3A_611 : memref<1x64x128xf32, #tpu.memory_space<vmem>> -> memref<64x128xf32, #tpu.memory_space<vmem>>
        tpu.vector_store_idx %scatter3A_612[%add3A_608, %gather3A], %gather3A_605 : memref<64x128xf32, #tpu.memory_space<vmem>>[vector<16xi32>, vector<16xi32>], vector<16xf32>,
        %add3A_613 = arith.constant 48 : i32
        %add3A_614 = vector.broadcast %add3A_613 : i32 to vector<16xi32>
        %add3A_615 = arith.addi %gather3A_577, %add3A_614 : vector<16xi32>
        %add3A_616 = arith.addi %add3A_615, %iota3A : vector<16xi32>
        %gather3A_617 = tpu.vector_load_idx %arg18[%and3A_575, %add3A_616] : memref<256x128xf32, #tpu.memory_space<vmem>>[vector<16xi32>, vector<16xi32>], vector<16xf32>,
        %add3A_618 = arith.constant 48 : i32
        %add3A_619 = vector.broadcast %add3A_618 : i32 to vector<16xi32>
        %add3A_620 = arith.addi %add3A_619, %iota3A : vector<16xi32>
        %scatter3A_621 = arith.constant 0 : i32
        %scatter3A_622 = arith.constant 0 : i32
        %scatter3A_623 = tpu.memref_slice %arg8[%while3A_206, %scatter3A_621, %scatter3A_622] : memref<3x64x128xf32, #tpu.memory_space<vmem>> -> memref<1x64x128xf32, #tpu.memory_space<vmem>>
        %scatter3A_624 = tpu.memref_squeeze %scatter3A_623 : memref<1x64x128xf32, #tpu.memory_space<vmem>> -> memref<64x128xf32, #tpu.memory_space<vmem>>
        tpu.vector_store_idx %scatter3A_624[%add3A_620, %gather3A], %gather3A_617 : memref<64x128xf32, #tpu.memory_space<vmem>>[vector<16xi32>, vector<16xi32>], vector<16xf32>,
        %while3A_625 = arith.constant 0 : i32
        scf.yield %while3A_625 : i32
      }
      %mul3A_534 = arith.constant 128 : i32
      %mul3A_535 = arith.muli %while3A_202, %mul3A_534 : i32
      %add3A_536 = arith.addi %mul3A_2, %mul3A_535 : i32
      %dma_start3A = arith.constant 0 : i32
      %dma_start3A_537 = arith.constant 0 : i32
      %dma_start3A_538 = tpu.memref_slice %arg8[%while3A_206, %dma_start3A, %dma_start3A_537] : memref<3x64x128xf32, #tpu.memory_space<vmem>> -> memref<1x64x128xf32, #tpu.memory_space<vmem>>
      %dma_start3A_539 = tpu.memref_squeeze %dma_start3A_538 : memref<1x64x128xf32, #tpu.memory_space<vmem>> -> memref<64x128xf32, #tpu.memory_space<vmem>>
      %dma_start3A_540 = arith.constant 0 : i32
      %dma_start3A_541 = tpu.memref_slice %arg6[%dma_start3A_540, %add3A_536] : memref<64x500000xf32, #tpu.memory_space<hbm>> -> memref<64x128xf32, #tpu.memory_space<hbm>>
      %dma_start3A_542 = tpu.memref_slice %arg14[%while3A_206] : memref<3x!tpu.dma_semaphore, #tpu.memory_space<semaphore_mem>> -> memref<1x!tpu.dma_semaphore, #tpu.memory_space<semaphore_mem>>
      %dma_start3A_543 = tpu.memref_squeeze %dma_start3A_542 : memref<1x!tpu.dma_semaphore, #tpu.memory_space<semaphore_mem>> -> memref<!tpu.dma_semaphore, #tpu.memory_space<semaphore_mem>>
      %dma_start3A_544 = arith.constant 0 : i32
      %dma_start3A_545 = tpu.memref_slice %arg6[%dma_start3A_544, %add3A_536] : memref<64x500000xf32, #tpu.memory_space<hbm>> -> memref<64x128xf32, #tpu.memory_space<hbm>>
      %dma_start3A_546 = arith.constant 0 : i32
      %dma_start3A_547 = arith.constant 0 : i32
      %dma_start3A_548 = tpu.memref_slice %arg8[%while3A_206, %dma_start3A_546, %dma_start3A_547] : memref<3x64x128xf32, #tpu.memory_space<vmem>> -> memref<1x64x128xf32, #tpu.memory_space<vmem>>
      %dma_start3A_549 = tpu.memref_squeeze %dma_start3A_548 : memref<1x64x128xf32, #tpu.memory_space<vmem>> -> memref<64x128xf32, #tpu.memory_space<vmem>>
      tpu.enqueue_dma source(%dma_start3A_549 : memref<64x128xf32, #tpu.memory_space<vmem>>) target(%dma_start3A_545 : memref<64x128xf32, #tpu.memory_space<hbm>>) target_semaphore(%dma_start3A_543 : memref<!tpu.dma_semaphore, #tpu.memory_space<semaphore_mem>>)
      %ge3A_550 = arith.constant 1 : i32
      %ge3A_551 = arith.cmpi sge, %while3A_206, %ge3A_550 : i32
      %sub3A_552 = arith.constant 1 : i32
      %sub3A_553 = arith.subi %while3A_206, %sub3A_552 : i32
      %add3A_554 = arith.constant 2 : i32
      %add3A_555 = arith.addi %while3A_206, %add3A_554 : i32
      %select_n3A_556 = arith.select %ge3A_551, %sub3A_553, %add3A_555 : i32
      %add3A_557 = arith.constant 2 : i32
      %add3A_558 = arith.addi %while3A_202, %add3A_557 : i32
      %lt3A = arith.cmpi slt, %add3A_558, %min3A_13 : i32
      %convert_element_type3A_559 = arith.extui %lt3A : i1 to i32
      %cond3A_560 = arith.constant 0 : i32
      %cond3A_561 = arith.cmpi ne, %convert_element_type3A_559, %cond3A_560 : i32
      scf.if %cond3A_561 {
        %ge3A_569 = arith.constant 1 : i32
        %ge3A_570 = arith.cmpi sge, %while3A_202, %ge3A_569 : i32
        %convert_element_type3A_571 = arith.extui %ge3A_570 : i1 to i32
        %cond3A_572 = arith.constant 0 : i32
        %cond3A_573 = arith.cmpi ne, %convert_element_type3A_571, %cond3A_572 : i32
        scf.if %cond3A_573 {
          %sub3A_593 = arith.constant 1 : i32
          %sub3A_594 = arith.subi %while3A_202, %sub3A_593 : i32
          %mul3A_595 = arith.constant 128 : i32
          %mul3A_596 = arith.muli %sub3A_594, %mul3A_595 : i32
          %add3A_597 = arith.addi %mul3A_2, %mul3A_596 : i32
          %dma_wait3A_598 = arith.constant 0 : i32
          %dma_wait3A_599 = arith.constant 0 : i32
          %dma_wait3A_600 = tpu.memref_slice %arg8[%select_n3A_556, %dma_wait3A_598, %dma_wait3A_599] : memref<3x64x128xf32, #tpu.memory_space<vmem>> -> memref<1x64x128xf32, #tpu.memory_space<vmem>>
          %dma_wait3A_601 = tpu.memref_squeeze %dma_wait3A_600 : memref<1x64x128xf32, #tpu.memory_space<vmem>> -> memref<64x128xf32, #tpu.memory_space<vmem>>
          %dma_wait3A_602 = arith.constant 0 : i32
          %dma_wait3A_603 = tpu.memref_slice %arg6[%dma_wait3A_602, %add3A_597] : memref<64x500000xf32, #tpu.memory_space<hbm>> -> memref<64x128xf32, #tpu.memory_space<hbm>>
          %dma_wait3A_604 = tpu.memref_slice %arg14[%select_n3A_556] : memref<3x!tpu.dma_semaphore, #tpu.memory_space<semaphore_mem>> -> memref<1x!tpu.dma_semaphore, #tpu.memory_space<semaphore_mem>>
          %dma_wait3A_605 = tpu.memref_squeeze %dma_wait3A_604 : memref<1x!tpu.dma_semaphore, #tpu.memory_space<semaphore_mem>> -> memref<!tpu.dma_semaphore, #tpu.memory_space<semaphore_mem>>
          %dma_wait3A_606 = arith.constant 0 : i32
          %dma_wait3A_607 = tpu.memref_slice %arg6[%dma_wait3A_606, %add3A_597] : memref<64x500000xf32, #tpu.memory_space<hbm>> -> memref<64x128xf32, #tpu.memory_space<hbm>>
          %dma_wait3A_608 = arith.constant 0 : i32
          %dma_wait3A_609 = arith.constant 0 : i32
          %dma_wait3A_610 = tpu.memref_slice %arg8[%select_n3A_556, %dma_wait3A_608, %dma_wait3A_609] : memref<3x64x128xf32, #tpu.memory_space<vmem>> -> memref<1x64x128xf32, #tpu.memory_space<vmem>>
          %dma_wait3A_611 = tpu.memref_squeeze %dma_wait3A_610 : memref<1x64x128xf32, #tpu.memory_space<vmem>> -> memref<64x128xf32, #tpu.memory_space<vmem>>
          tpu.wait_dma2 semaphore(%dma_wait3A_605 : memref<!tpu.dma_semaphore, #tpu.memory_space<semaphore_mem>>) src(%dma_wait3A_611 : memref<64x128xf32, #tpu.memory_space<vmem>>) dst(%dma_wait3A_607 : memref<64x128xf32, #tpu.memory_space<hbm>>)
        } else {
        }
        %add3A_574 = arith.constant 2 : i32
        %add3A_575 = arith.addi %while3A_202, %add3A_574 : i32
        %mul3A_576 = arith.constant 128 : i32
        %mul3A_577 = arith.muli %add3A_575, %mul3A_576 : i32
        %add3A_578 = arith.addi %mul3A_2, %mul3A_577 : i32
        %dma_start3A_579 = arith.constant 0 : i32
        %dma_start3A_580 = arith.constant 0 : i32
        %dma_start3A_581 = tpu.memref_slice %arg8[%select_n3A_556, %dma_start3A_579, %dma_start3A_580] : memref<3x64x128xf32, #tpu.memory_space<vmem>> -> memref<1x64x128xf32, #tpu.memory_space<vmem>>
        %dma_start3A_582 = tpu.memref_squeeze %dma_start3A_581 : memref<1x64x128xf32, #tpu.memory_space<vmem>> -> memref<64x128xf32, #tpu.memory_space<vmem>>
        %dma_start3A_583 = arith.constant 0 : i32
        %dma_start3A_584 = tpu.memref_slice %arg2[%dma_start3A_583, %add3A_578] : memref<64x500000xf32, #tpu.memory_space<hbm>> -> memref<64x128xf32, #tpu.memory_space<hbm>>
        %dma_start3A_585 = tpu.memref_slice %arg13[%select_n3A_556] : memref<3x!tpu.dma_semaphore, #tpu.memory_space<semaphore_mem>> -> memref<1x!tpu.dma_semaphore, #tpu.memory_space<semaphore_mem>>
        %dma_start3A_586 = tpu.memref_squeeze %dma_start3A_585 : memref<1x!tpu.dma_semaphore, #tpu.memory_space<semaphore_mem>> -> memref<!tpu.dma_semaphore, #tpu.memory_space<semaphore_mem>>
        %dma_start3A_587 = arith.constant 0 : i32
        %dma_start3A_588 = arith.constant 0 : i32
        %dma_start3A_589 = tpu.memref_slice %arg8[%select_n3A_556, %dma_start3A_587, %dma_start3A_588] : memref<3x64x128xf32, #tpu.memory_space<vmem>> -> memref<1x64x128xf32, #tpu.memory_space<vmem>>
        %dma_start3A_590 = tpu.memref_squeeze %dma_start3A_589 : memref<1x64x128xf32, #tpu.memory_space<vmem>> -> memref<64x128xf32, #tpu.memory_space<vmem>>
        %dma_start3A_591 = arith.constant 0 : i32
        %dma_start3A_592 = tpu.memref_slice %arg2[%dma_start3A_591, %add3A_578] : memref<64x500000xf32, #tpu.memory_space<hbm>> -> memref<64x128xf32, #tpu.memory_space<hbm>>
        tpu.enqueue_dma source(%dma_start3A_592 : memref<64x128xf32, #tpu.memory_space<hbm>>) target(%dma_start3A_590 : memref<64x128xf32, #tpu.memory_space<vmem>>) target_semaphore(%dma_start3A_586 : memref<!tpu.dma_semaphore, #tpu.memory_space<semaphore_mem>>)
      } else {
      }
      %eq3A_562 = arith.constant 2 : i32
      %eq3A_563 = arith.cmpi eq, %while3A_206, %eq3A_562 : i32
      %add3A_564 = arith.constant 1 : i32
      %add3A_565 = arith.addi %while3A_206, %add3A_564 : i32
      %jit3A_566 = arith.constant 0 : i32
      %select_n3A_567 = arith.select %eq3A_563, %jit3A_566, %add3A_565 : i32
      %add3A_568 = arith.addi %while3A_203, %add3A_415 : i32
      scf.yield %add3A_568, %max3A_458, %max3A_520, %select_n3A_567 : i32, i32, i32, i32
    }
    %ge3A = arith.constant 1 : i32
    %ge3A_179 = arith.cmpi sge, %min3A_13, %ge3A : i32
    %convert_element_type3A_180 = arith.extui %ge3A_179 : i1 to i32
    %cond3A_181 = arith.constant 0 : i32
    %cond3A_182 = arith.cmpi ne, %convert_element_type3A_180, %cond3A_181 : i32
    scf.if %cond3A_182 {
      %sub3A_202 = arith.constant 1 : i32
      %sub3A_203 = arith.subi %min3A_13, %sub3A_202 : i32
      %jit3A_204 = arith.constant 3 : i32
      %eq3A_205 = arith.constant 0 : i32
      %eq3A_206 = arith.cmpi eq, %jit3A_204, %eq3A_205 : i32
      %jit3A_207 = arith.constant 1 : i32
      %select_n3A_208 = arith.select %eq3A_206, %jit3A_207, %jit3A_204 : i32
      %rem3A_209 = arith.remsi %sub3A_203, %select_n3A_208 : i32
      %ne3A_210 = arith.constant 0 : i32
      %ne3A_211 = arith.cmpi ne, %rem3A_209, %ne3A_210 : i32
      %lt3A = arith.constant 0 : i32
      %lt3A_212 = arith.cmpi slt, %rem3A_209, %lt3A : i32
      %lt3A_213 = arith.constant 0 : i32
      %lt3A_214 = arith.cmpi slt, %select_n3A_208, %lt3A_213 : i32
      %ne3A_215 = arith.xori %lt3A_212, %lt3A_214 : i1
      %and3A_216 = arith.andi %ne3A_215, %ne3A_211 : i1
      %add3A_217 = arith.addi %rem3A_209, %select_n3A_208 : i32
      %select_n3A_218 = arith.select %and3A_216, %add3A_217, %rem3A_209 : i32
      %add3A_219 = arith.constant 0 : i32
      %add3A_220 = arith.addi %mul3A_2, %add3A_219 : i32
      %dma_wait3A = arith.constant 0 : i32
      %dma_wait3A_221 = arith.constant 0 : i32
      %dma_wait3A_222 = tpu.memref_slice %arg8[%select_n3A_218, %dma_wait3A, %dma_wait3A_221] : memref<3x64x128xf32, #tpu.memory_space<vmem>> -> memref<1x64x128xf32, #tpu.memory_space<vmem>>
      %dma_wait3A_223 = tpu.memref_squeeze %dma_wait3A_222 : memref<1x64x128xf32, #tpu.memory_space<vmem>> -> memref<64x128xf32, #tpu.memory_space<vmem>>
      %dma_wait3A_224 = arith.constant 0 : i32
      %dma_wait3A_225 = tpu.memref_slice %arg6[%dma_wait3A_224, %add3A_220] : memref<64x500000xf32, #tpu.memory_space<hbm>> -> memref<64x128xf32, #tpu.memory_space<hbm>>
      %dma_wait3A_226 = tpu.memref_slice %arg14[%select_n3A_218] : memref<3x!tpu.dma_semaphore, #tpu.memory_space<semaphore_mem>> -> memref<1x!tpu.dma_semaphore, #tpu.memory_space<semaphore_mem>>
      %dma_wait3A_227 = tpu.memref_squeeze %dma_wait3A_226 : memref<1x!tpu.dma_semaphore, #tpu.memory_space<semaphore_mem>> -> memref<!tpu.dma_semaphore, #tpu.memory_space<semaphore_mem>>
      %dma_wait3A_228 = arith.constant 0 : i32
      %dma_wait3A_229 = tpu.memref_slice %arg6[%dma_wait3A_228, %add3A_220] : memref<64x500000xf32, #tpu.memory_space<hbm>> -> memref<64x128xf32, #tpu.memory_space<hbm>>
      %dma_wait3A_230 = arith.constant 0 : i32
      %dma_wait3A_231 = arith.constant 0 : i32
      %dma_wait3A_232 = tpu.memref_slice %arg8[%select_n3A_218, %dma_wait3A_230, %dma_wait3A_231] : memref<3x64x128xf32, #tpu.memory_space<vmem>> -> memref<1x64x128xf32, #tpu.memory_space<vmem>>
      %dma_wait3A_233 = tpu.memref_squeeze %dma_wait3A_232 : memref<1x64x128xf32, #tpu.memory_space<vmem>> -> memref<64x128xf32, #tpu.memory_space<vmem>>
      tpu.wait_dma2 semaphore(%dma_wait3A_227 : memref<!tpu.dma_semaphore, #tpu.memory_space<semaphore_mem>>) src(%dma_wait3A_233 : memref<64x128xf32, #tpu.memory_space<vmem>>) dst(%dma_wait3A_229 : memref<64x128xf32, #tpu.memory_space<hbm>>)
    } else {
    }
    %ge3A_183 = arith.constant 2 : i32
    %ge3A_184 = arith.cmpi sge, %min3A_13, %ge3A_183 : i32
    %convert_element_type3A_185 = arith.extui %ge3A_184 : i1 to i32
    %cond3A_186 = arith.constant 0 : i32
    %cond3A_187 = arith.cmpi ne, %convert_element_type3A_185, %cond3A_186 : i32
    scf.if %cond3A_187 {
      %sub3A_202 = arith.constant 2 : i32
      %sub3A_203 = arith.subi %min3A_13, %sub3A_202 : i32
      %jit3A_204 = arith.constant 3 : i32
      %eq3A_205 = arith.constant 0 : i32
      %eq3A_206 = arith.cmpi eq, %jit3A_204, %eq3A_205 : i32
      %jit3A_207 = arith.constant 1 : i32
      %select_n3A_208 = arith.select %eq3A_206, %jit3A_207, %jit3A_204 : i32
      %rem3A_209 = arith.remsi %sub3A_203, %select_n3A_208 : i32
      %ne3A_210 = arith.constant 0 : i32
      %ne3A_211 = arith.cmpi ne, %rem3A_209, %ne3A_210 : i32
      %lt3A = arith.constant 0 : i32
      %lt3A_212 = arith.cmpi slt, %rem3A_209, %lt3A : i32
      %lt3A_213 = arith.constant 0 : i32
      %lt3A_214 = arith.cmpi slt, %select_n3A_208, %lt3A_213 : i32
      %ne3A_215 = arith.xori %lt3A_212, %lt3A_214 : i1
      %and3A_216 = arith.andi %ne3A_215, %ne3A_211 : i1
      %add3A_217 = arith.addi %rem3A_209, %select_n3A_208 : i32
      %select_n3A_218 = arith.select %and3A_216, %add3A_217, %rem3A_209 : i32
      %add3A_219 = arith.constant 0 : i32
      %add3A_220 = arith.addi %mul3A_2, %add3A_219 : i32
      %dma_wait3A = arith.constant 0 : i32
      %dma_wait3A_221 = arith.constant 0 : i32
      %dma_wait3A_222 = tpu.memref_slice %arg8[%select_n3A_218, %dma_wait3A, %dma_wait3A_221] : memref<3x64x128xf32, #tpu.memory_space<vmem>> -> memref<1x64x128xf32, #tpu.memory_space<vmem>>
      %dma_wait3A_223 = tpu.memref_squeeze %dma_wait3A_222 : memref<1x64x128xf32, #tpu.memory_space<vmem>> -> memref<64x128xf32, #tpu.memory_space<vmem>>
      %dma_wait3A_224 = arith.constant 0 : i32
      %dma_wait3A_225 = tpu.memref_slice %arg6[%dma_wait3A_224, %add3A_220] : memref<64x500000xf32, #tpu.memory_space<hbm>> -> memref<64x128xf32, #tpu.memory_space<hbm>>
      %dma_wait3A_226 = tpu.memref_slice %arg14[%select_n3A_218] : memref<3x!tpu.dma_semaphore, #tpu.memory_space<semaphore_mem>> -> memref<1x!tpu.dma_semaphore, #tpu.memory_space<semaphore_mem>>
      %dma_wait3A_227 = tpu.memref_squeeze %dma_wait3A_226 : memref<1x!tpu.dma_semaphore, #tpu.memory_space<semaphore_mem>> -> memref<!tpu.dma_semaphore, #tpu.memory_space<semaphore_mem>>
      %dma_wait3A_228 = arith.constant 0 : i32
      %dma_wait3A_229 = tpu.memref_slice %arg6[%dma_wait3A_228, %add3A_220] : memref<64x500000xf32, #tpu.memory_space<hbm>> -> memref<64x128xf32, #tpu.memory_space<hbm>>
      %dma_wait3A_230 = arith.constant 0 : i32
      %dma_wait3A_231 = arith.constant 0 : i32
      %dma_wait3A_232 = tpu.memref_slice %arg8[%select_n3A_218, %dma_wait3A_230, %dma_wait3A_231] : memref<3x64x128xf32, #tpu.memory_space<vmem>> -> memref<1x64x128xf32, #tpu.memory_space<vmem>>
      %dma_wait3A_233 = tpu.memref_squeeze %dma_wait3A_232 : memref<1x64x128xf32, #tpu.memory_space<vmem>> -> memref<64x128xf32, #tpu.memory_space<vmem>>
      tpu.wait_dma2 semaphore(%dma_wait3A_227 : memref<!tpu.dma_semaphore, #tpu.memory_space<semaphore_mem>>) src(%dma_wait3A_233 : memref<64x128xf32, #tpu.memory_space<vmem>>) dst(%dma_wait3A_229 : memref<64x128xf32, #tpu.memory_space<hbm>>)
    } else {
    }
    %ge3A_188 = arith.constant 3 : i32
    %ge3A_189 = arith.cmpi sge, %min3A_13, %ge3A_188 : i32
    %convert_element_type3A_190 = arith.extui %ge3A_189 : i1 to i32
    %cond3A_191 = arith.constant 0 : i32
    %cond3A_192 = arith.cmpi ne, %convert_element_type3A_190, %cond3A_191 : i32
    scf.if %cond3A_192 {
      %sub3A_202 = arith.constant 3 : i32
      %sub3A_203 = arith.subi %min3A_13, %sub3A_202 : i32
      %jit3A_204 = arith.constant 3 : i32
      %eq3A_205 = arith.constant 0 : i32
      %eq3A_206 = arith.cmpi eq, %jit3A_204, %eq3A_205 : i32
      %jit3A_207 = arith.constant 1 : i32
      %select_n3A_208 = arith.select %eq3A_206, %jit3A_207, %jit3A_204 : i32
      %rem3A_209 = arith.remsi %sub3A_203, %select_n3A_208 : i32
      %ne3A_210 = arith.constant 0 : i32
      %ne3A_211 = arith.cmpi ne, %rem3A_209, %ne3A_210 : i32
      %lt3A = arith.constant 0 : i32
      %lt3A_212 = arith.cmpi slt, %rem3A_209, %lt3A : i32
      %lt3A_213 = arith.constant 0 : i32
      %lt3A_214 = arith.cmpi slt, %select_n3A_208, %lt3A_213 : i32
      %ne3A_215 = arith.xori %lt3A_212, %lt3A_214 : i1
      %and3A_216 = arith.andi %ne3A_215, %ne3A_211 : i1
      %add3A_217 = arith.addi %rem3A_209, %select_n3A_208 : i32
      %select_n3A_218 = arith.select %and3A_216, %add3A_217, %rem3A_209 : i32
      %add3A_219 = arith.constant 0 : i32
      %add3A_220 = arith.addi %mul3A_2, %add3A_219 : i32
      %dma_wait3A = arith.constant 0 : i32
      %dma_wait3A_221 = arith.constant 0 : i32
      %dma_wait3A_222 = tpu.memref_slice %arg8[%select_n3A_218, %dma_wait3A, %dma_wait3A_221] : memref<3x64x128xf32, #tpu.memory_space<vmem>> -> memref<1x64x128xf32, #tpu.memory_space<vmem>>
      %dma_wait3A_223 = tpu.memref_squeeze %dma_wait3A_222 : memref<1x64x128xf32, #tpu.memory_space<vmem>> -> memref<64x128xf32, #tpu.memory_space<vmem>>
      %dma_wait3A_224 = arith.constant 0 : i32
      %dma_wait3A_225 = tpu.memref_slice %arg6[%dma_wait3A_224, %add3A_220] : memref<64x500000xf32, #tpu.memory_space<hbm>> -> memref<64x128xf32, #tpu.memory_space<hbm>>
      %dma_wait3A_226 = tpu.memref_slice %arg14[%select_n3A_218] : memref<3x!tpu.dma_semaphore, #tpu.memory_space<semaphore_mem>> -> memref<1x!tpu.dma_semaphore, #tpu.memory_space<semaphore_mem>>
      %dma_wait3A_227 = tpu.memref_squeeze %dma_wait3A_226 : memref<1x!tpu.dma_semaphore, #tpu.memory_space<semaphore_mem>> -> memref<!tpu.dma_semaphore, #tpu.memory_space<semaphore_mem>>
      %dma_wait3A_228 = arith.constant 0 : i32
      %dma_wait3A_229 = tpu.memref_slice %arg6[%dma_wait3A_228, %add3A_220] : memref<64x500000xf32, #tpu.memory_space<hbm>> -> memref<64x128xf32, #tpu.memory_space<hbm>>
      %dma_wait3A_230 = arith.constant 0 : i32
      %dma_wait3A_231 = arith.constant 0 : i32
      %dma_wait3A_232 = tpu.memref_slice %arg8[%select_n3A_218, %dma_wait3A_230, %dma_wait3A_231] : memref<3x64x128xf32, #tpu.memory_space<vmem>> -> memref<1x64x128xf32, #tpu.memory_space<vmem>>
      %dma_wait3A_233 = tpu.memref_squeeze %dma_wait3A_232 : memref<1x64x128xf32, #tpu.memory_space<vmem>> -> memref<64x128xf32, #tpu.memory_space<vmem>>
      tpu.wait_dma2 semaphore(%dma_wait3A_227 : memref<!tpu.dma_semaphore, #tpu.memory_space<semaphore_mem>>) src(%dma_wait3A_233 : memref<64x128xf32, #tpu.memory_space<vmem>>) dst(%dma_wait3A_229 : memref<64x128xf32, #tpu.memory_space<hbm>>)
    } else {
    }
    %eq3A = arith.constant 31 : i32
    %eq3A_193 = arith.cmpi eq, %add3A, %eq3A : i32
    %convert_element_type3A_194 = arith.extui %eq3A_193 : i1 to i32
    %cond3A_195 = arith.constant 0 : i32
    %cond3A_196 = arith.cmpi ne, %convert_element_type3A_194, %cond3A_195 : i32
    scf.if %cond3A_196 {
      %sub3A_202 = arith.constant 499968 : i32
      %sub3A_203 = arith.subi %sub3A_202, %mul3A_2 : i32
      %sub3A_204 = arith.subi %select_n3A_144, %while3A_178#1 : i32
      %max3A_205 = arith.constant 0 : i32
      %max3A_206 = arith.maxsi %sub3A_204, %max3A_205 : i32
      %while3A_207 = arith.constant 0 : i32
      %while3A_208 = arith.constant 0 : i32
      %while3A_209 = arith.subi %max3A_206, %while3A_207 : i32
      %while3A_210 = arith.addi %while3A_207, %while3A_209 : i32
      %while3A_211 = arith.constant 1 : i32
      %while3A_212 = arith.divsi %while3A_209, %while3A_211 : i32
      %while3A_213 = arith.muli %while3A_212, %while3A_211 : i32
      %while3A_214 = arith.addi %while3A_207, %while3A_213 : i32
      %while3A_215 = arith.constant 1 : i32
      %while3A_216 = scf.for %while3A_299 = %while3A_207 to %while3A_214 step %while3A_215 iter_args(%while3A_300 = %while3A_208) -> (i32)  : i32 {
        %add3A_301 = arith.addi %while3A_178#1, %while3A_299 : i32
        %mul3A_302 = arith.constant 128 : i32
        %mul3A_303 = arith.muli %add3A_301, %mul3A_302 : i32
        %and3A_304 = arith.constant 1 : i32
        %and3A_305 = arith.andi %add3A_301, %and3A_304 : i32
        %mul3A_306 = arith.constant 128 : i32
        %mul3A_307 = arith.muli %and3A_305, %mul3A_306 : i32
        %and3A_308 = arith.constant 1 : i32
        %and3A_309 = arith.andi %add3A_301, %and3A_308 : i32
        %dma_start3A = arith.constant 0 : i32
        %dma_start3A_310 = tpu.memref_slice %arg18[%mul3A_307, %dma_start3A] : memref<256x128xf32, #tpu.memory_space<vmem>> -> memref<128x128xf32, #tpu.memory_space<vmem>>
        %dma_start3A_311 = tpu.memref_slice %arg16[%mul3A_303] : memref<16512xi32, #tpu.memory_space<vmem>> -> memref<128xi32, #tpu.memory_space<vmem>>
        %dma_start3A_312 = arith.constant 0 : i32
        %dma_start3A_313 = arith.constant 0 : i32
        %dma_start3A_314 = tpu.memref_slice %arg4[%dma_start3A_312, %dma_start3A_313] : memref<8192x128xf32, #tpu.memory_space<hbm>> -> memref<8192x128xf32, #tpu.memory_space<hbm>>
        %dma_start3A_315 = tpu.memref_slice %arg11[%and3A_309] : memref<2x!tpu.dma_semaphore, #tpu.memory_space<semaphore_mem>> -> memref<1x!tpu.dma_semaphore, #tpu.memory_space<semaphore_mem>>
        %dma_start3A_316 = tpu.memref_squeeze %dma_start3A_315 : memref<1x!tpu.dma_semaphore, #tpu.memory_space<semaphore_mem>> -> memref<!tpu.dma_semaphore, #tpu.memory_space<semaphore_mem>>
        tpu.enqueue_indirect_dma source(%dma_start3A_314 : memref<8192x128xf32, #tpu.memory_space<hbm>>) target(%dma_start3A_310 : memref<128x128xf32, #tpu.memory_space<vmem>>) offsets(%dma_start3A_311 : memref<128xi32, #tpu.memory_space<vmem>>) semaphore(%dma_start3A_316 : memref<!tpu.dma_semaphore, #tpu.memory_space<semaphore_mem>>)
        %while3A_317 = arith.constant 0 : i32
        scf.yield %while3A_317 : i32
      }
      %while3A_217 = arith.constant 1 : i32
      %while3A_218 = scf.for %while3A_299 = %while3A_214 to %while3A_210 step %while3A_217 iter_args(%while3A_300 = %while3A_216) -> (i32)  : i32 {
        %add3A_301 = arith.addi %while3A_178#1, %while3A_299 : i32
        %mul3A_302 = arith.constant 128 : i32
        %mul3A_303 = arith.muli %add3A_301, %mul3A_302 : i32
        %and3A_304 = arith.constant 1 : i32
        %and3A_305 = arith.andi %add3A_301, %and3A_304 : i32
        %mul3A_306 = arith.constant 128 : i32
        %mul3A_307 = arith.muli %and3A_305, %mul3A_306 : i32
        %and3A_308 = arith.constant 1 : i32
        %and3A_309 = arith.andi %add3A_301, %and3A_308 : i32
        %dma_start3A = arith.constant 0 : i32
        %dma_start3A_310 = tpu.memref_slice %arg18[%mul3A_307, %dma_start3A] : memref<256x128xf32, #tpu.memory_space<vmem>> -> memref<128x128xf32, #tpu.memory_space<vmem>>
        %dma_start3A_311 = tpu.memref_slice %arg16[%mul3A_303] : memref<16512xi32, #tpu.memory_space<vmem>> -> memref<128xi32, #tpu.memory_space<vmem>>
        %dma_start3A_312 = arith.constant 0 : i32
        %dma_start3A_313 = arith.constant 0 : i32
        %dma_start3A_314 = tpu.memref_slice %arg4[%dma_start3A_312, %dma_start3A_313] : memref<8192x128xf32, #tpu.memory_space<hbm>> -> memref<8192x128xf32, #tpu.memory_space<hbm>>
        %dma_start3A_315 = tpu.memref_slice %arg11[%and3A_309] : memref<2x!tpu.dma_semaphore, #tpu.memory_space<semaphore_mem>> -> memref<1x!tpu.dma_semaphore, #tpu.memory_space<semaphore_mem>>
        %dma_start3A_316 = tpu.memref_squeeze %dma_start3A_315 : memref<1x!tpu.dma_semaphore, #tpu.memory_space<semaphore_mem>> -> memref<!tpu.dma_semaphore, #tpu.memory_space<semaphore_mem>>
        tpu.enqueue_indirect_dma source(%dma_start3A_314 : memref<8192x128xf32, #tpu.memory_space<hbm>>) target(%dma_start3A_310 : memref<128x128xf32, #tpu.memory_space<vmem>>) offsets(%dma_start3A_311 : memref<128xi32, #tpu.memory_space<vmem>>) semaphore(%dma_start3A_316 : memref<!tpu.dma_semaphore, #tpu.memory_space<semaphore_mem>>)
        %while3A_317 = arith.constant 0 : i32
        scf.yield %while3A_317 : i32
      }
      %max3A_219 = arith.maxsi %while3A_178#1, %select_n3A_144 : i32
      %sub3A_220 = arith.subi %select_n3A_144, %while3A_178#2 : i32
      %max3A_221 = arith.constant 0 : i32
      %max3A_222 = arith.maxsi %sub3A_220, %max3A_221 : i32
      %while3A_223 = arith.constant 0 : i32
      %while3A_224 = arith.constant 0 : i32
      %while3A_225 = arith.subi %max3A_222, %while3A_223 : i32
      %while3A_226 = arith.addi %while3A_223, %while3A_225 : i32
      %while3A_227 = arith.constant 1 : i32
      %while3A_228 = arith.divsi %while3A_225, %while3A_227 : i32
      %while3A_229 = arith.muli %while3A_228, %while3A_227 : i32
      %while3A_230 = arith.addi %while3A_223, %while3A_229 : i32
      %while3A_231 = arith.constant 1 : i32
      %while3A_232 = scf.for %while3A_299 = %while3A_223 to %while3A_230 step %while3A_231 iter_args(%while3A_300 = %while3A_224) -> (i32)  : i32 {
        %add3A_301 = arith.addi %while3A_178#2, %while3A_299 : i32
        %mul3A_302 = arith.constant 128 : i32
        %mul3A_303 = arith.muli %add3A_301, %mul3A_302 : i32
        %and3A_304 = arith.constant 1 : i32
        %and3A_305 = arith.andi %add3A_301, %and3A_304 : i32
        %mul3A_306 = arith.constant 128 : i32
        %mul3A_307 = arith.muli %and3A_305, %mul3A_306 : i32
        %and3A_308 = arith.constant 1 : i32
        %and3A_309 = arith.andi %add3A_301, %and3A_308 : i32
        %dma_wait3A = arith.constant 0 : i32
        %dma_wait3A_310 = tpu.memref_slice %arg18[%mul3A_307, %dma_wait3A] : memref<256x128xf32, #tpu.memory_space<vmem>> -> memref<128x128xf32, #tpu.memory_space<vmem>>
        %dma_wait3A_311 = tpu.memref_slice %arg16[%mul3A_303] : memref<16512xi32, #tpu.memory_space<vmem>> -> memref<128xi32, #tpu.memory_space<vmem>>
        %dma_wait3A_312 = arith.constant 0 : i32
        %dma_wait3A_313 = arith.constant 0 : i32
        %dma_wait3A_314 = tpu.memref_slice %arg4[%dma_wait3A_312, %dma_wait3A_313] : memref<8192x128xf32, #tpu.memory_space<hbm>> -> memref<8192x128xf32, #tpu.memory_space<hbm>>
        %dma_wait3A_315 = tpu.memref_slice %arg11[%and3A_309] : memref<2x!tpu.dma_semaphore, #tpu.memory_space<semaphore_mem>> -> memref<1x!tpu.dma_semaphore, #tpu.memory_space<semaphore_mem>>
        %dma_wait3A_316 = tpu.memref_squeeze %dma_wait3A_315 : memref<1x!tpu.dma_semaphore, #tpu.memory_space<semaphore_mem>> -> memref<!tpu.dma_semaphore, #tpu.memory_space<semaphore_mem>>
        tpu.wait_indirect_dma semaphore(%dma_wait3A_316 : memref<!tpu.dma_semaphore, #tpu.memory_space<semaphore_mem>>) src(%dma_wait3A_314 : memref<8192x128xf32, #tpu.memory_space<hbm>>) dst(%dma_wait3A_310 : memref<128x128xf32, #tpu.memory_space<vmem>>)
        %while3A_317 = arith.constant 0 : i32
        scf.yield %while3A_317 : i32
      }
      %while3A_233 = arith.constant 1 : i32
      %while3A_234 = scf.for %while3A_299 = %while3A_230 to %while3A_226 step %while3A_233 iter_args(%while3A_300 = %while3A_232) -> (i32)  : i32 {
        %add3A_301 = arith.addi %while3A_178#2, %while3A_299 : i32
        %mul3A_302 = arith.constant 128 : i32
        %mul3A_303 = arith.muli %add3A_301, %mul3A_302 : i32
        %and3A_304 = arith.constant 1 : i32
        %and3A_305 = arith.andi %add3A_301, %and3A_304 : i32
        %mul3A_306 = arith.constant 128 : i32
        %mul3A_307 = arith.muli %and3A_305, %mul3A_306 : i32
        %and3A_308 = arith.constant 1 : i32
        %and3A_309 = arith.andi %add3A_301, %and3A_308 : i32
        %dma_wait3A = arith.constant 0 : i32
        %dma_wait3A_310 = tpu.memref_slice %arg18[%mul3A_307, %dma_wait3A] : memref<256x128xf32, #tpu.memory_space<vmem>> -> memref<128x128xf32, #tpu.memory_space<vmem>>
        %dma_wait3A_311 = tpu.memref_slice %arg16[%mul3A_303] : memref<16512xi32, #tpu.memory_space<vmem>> -> memref<128xi32, #tpu.memory_space<vmem>>
        %dma_wait3A_312 = arith.constant 0 : i32
        %dma_wait3A_313 = arith.constant 0 : i32
        %dma_wait3A_314 = tpu.memref_slice %arg4[%dma_wait3A_312, %dma_wait3A_313] : memref<8192x128xf32, #tpu.memory_space<hbm>> -> memref<8192x128xf32, #tpu.memory_space<hbm>>
        %dma_wait3A_315 = tpu.memref_slice %arg11[%and3A_309] : memref<2x!tpu.dma_semaphore, #tpu.memory_space<semaphore_mem>> -> memref<1x!tpu.dma_semaphore, #tpu.memory_space<semaphore_mem>>
        %dma_wait3A_316 = tpu.memref_squeeze %dma_wait3A_315 : memref<1x!tpu.dma_semaphore, #tpu.memory_space<semaphore_mem>> -> memref<!tpu.dma_semaphore, #tpu.memory_space<semaphore_mem>>
        tpu.wait_indirect_dma semaphore(%dma_wait3A_316 : memref<!tpu.dma_semaphore, #tpu.memory_space<semaphore_mem>>) src(%dma_wait3A_314 : memref<8192x128xf32, #tpu.memory_space<hbm>>) dst(%dma_wait3A_310 : memref<128x128xf32, #tpu.memory_space<vmem>>)
        %while3A_317 = arith.constant 0 : i32
        scf.yield %while3A_317 : i32
      }
      %max3A_235 = arith.maxsi %while3A_178#2, %select_n3A_144 : i32
      %add3A_236 = arith.constant 0 : i32
      %add3A_237 = arith.addi %sub3A_203, %add3A_236 : i32
      %get3A = arith.index_cast %add3A_237 : i32 to index
      %get3A_238 = tpu.vector_load %arg10[%get3A] {strides = array<i32>} : memref<15744xi32, #tpu.memory_space<vmem>>, vector<16xi32>,
      %gt3A_239 = arith.cmpi sgt, %get3A_238, %broadcast_in_dim3A_3 : vector<16xi32>
      %convert_element_type3A_240 = arith.extui %gt3A_239 : vector<16xi1> to vector<16xi32>
      %broadcast_in_dim3A_241 = arith.constant true
      %broadcast_in_dim3A_242 = vector.broadcast %broadcast_in_dim3A_241 : i1 to vector<16xi1>
      %masked_cumsum3A = tpu.scan <sum>, %convert_element_type3A_240 masked %broadcast_in_dim3A_242 : vector<16xi32>, vector<16xi1> -> vector<16xi32>
      %broadcast_in_dim3A_243 = arith.constant 0 : i32
      %broadcast_in_dim3A_244 = vector.broadcast %broadcast_in_dim3A_243 : i32 to vector<16xi32>
      %add3A_245 = arith.addi %broadcast_in_dim3A_244, %masked_cumsum3A : vector<16xi32>
      %sub3A_246 = arith.constant 1 : i32
      %sub3A_247 = vector.broadcast %sub3A_246 : i32 to vector<16xi32>
      %sub3A_248 = arith.subi %add3A_245, %sub3A_247 : vector<16xi32>
      %add3A_249 = arith.constant 0 : i32
      %add3A_250 = vector.broadcast %add3A_249 : i32 to vector<16xi32>
      %add3A_251 = arith.addi %add3A_250, %iota3A : vector<16xi32>
      tpu.vector_store_idx %arg9[%sub3A_248], %add3A_251 masked %gt3A_239 : memref<128xi32, #tpu.memory_space<vmem>>[vector<16xi32>], vector<16xi32>, vector<16xi1>
      %reduce_max3A = arith.constant true
      %reduce_max3A_252 = vector.broadcast %reduce_max3A : i1 to vector<16xi1>
      %reduce_max3A_253 = arith.constant -2147483648 : i32
      %reduce_max3A_254 = vector.broadcast %reduce_max3A_253 : i32 to vector<16xi32>
      %reduce_max3A_255 = arith.xori %masked_cumsum3A, %reduce_max3A_254 : vector<16xi32>
      %reduce_max3A_256 = tpu.scan <max>, %reduce_max3A_255 masked %reduce_max3A_252 : vector<16xi32>, vector<16xi1> -> vector<16xi32>
      %reduce_max3A_257 = arith.xori %reduce_max3A_256, %reduce_max3A_254 : vector<16xi32>
      %reduce_max3A_258 = vector.extract %reduce_max3A_257[15] : i32 from vector<16xi32>
      %add3A_259 = arith.constant 0 : i32
      %add3A_260 = arith.addi %add3A_259, %reduce_max3A_258 : i32
      %add3A_261 = arith.constant 16 : i32
      %add3A_262 = arith.addi %sub3A_203, %add3A_261 : i32
      %get3A_263 = arith.index_cast %add3A_262 : i32 to index
      %get3A_264 = tpu.vector_load %arg10[%get3A_263] {strides = array<i32>} : memref<15744xi32, #tpu.memory_space<vmem>>, vector<16xi32>,
      %gt3A_265 = arith.cmpi sgt, %get3A_264, %broadcast_in_dim3A_3 : vector<16xi32>
      %convert_element_type3A_266 = arith.extui %gt3A_265 : vector<16xi1> to vector<16xi32>
      %broadcast_in_dim3A_267 = arith.constant true
      %broadcast_in_dim3A_268 = vector.broadcast %broadcast_in_dim3A_267 : i1 to vector<16xi1>
      %masked_cumsum3A_269 = tpu.scan <sum>, %convert_element_type3A_266 masked %broadcast_in_dim3A_268 : vector<16xi32>, vector<16xi1> -> vector<16xi32>
      %broadcast_in_dim3A_270 = vector.broadcast %add3A_260 : i32 to vector<16xi32>
      %add3A_271 = arith.addi %broadcast_in_dim3A_270, %masked_cumsum3A_269 : vector<16xi32>
      %sub3A_272 = arith.constant 1 : i32
      %sub3A_273 = vector.broadcast %sub3A_272 : i32 to vector<16xi32>
      %sub3A_274 = arith.subi %add3A_271, %sub3A_273 : vector<16xi32>
      %add3A_275 = arith.constant 16 : i32
      %add3A_276 = vector.broadcast %add3A_275 : i32 to vector<16xi32>
      %add3A_277 = arith.addi %add3A_276, %iota3A : vector<16xi32>
      tpu.vector_store_idx %arg9[%sub3A_274], %add3A_277 masked %gt3A_265 : memref<128xi32, #tpu.memory_space<vmem>>[vector<16xi32>], vector<16xi32>, vector<16xi1>
      %reduce_max3A_278 = arith.constant true
      %reduce_max3A_279 = vector.broadcast %reduce_max3A_278 : i1 to vector<16xi1>
      %reduce_max3A_280 = arith.constant -2147483648 : i32
      %reduce_max3A_281 = vector.broadcast %reduce_max3A_280 : i32 to vector<16xi32>
      %reduce_max3A_282 = arith.xori %masked_cumsum3A_269, %reduce_max3A_281 : vector<16xi32>
      %reduce_max3A_283 = tpu.scan <max>, %reduce_max3A_282 masked %reduce_max3A_279 : vector<16xi32>, vector<16xi1> -> vector<16xi32>
      %reduce_max3A_284 = arith.xori %reduce_max3A_283, %reduce_max3A_281 : vector<16xi32>
      %reduce_max3A_285 = vector.extract %reduce_max3A_284[15] : i32 from vector<16xi32>
      %add3A_286 = arith.addi %add3A_260, %reduce_max3A_285 : i32
      "tpu.region"() ({
        %run_scoped3A = tpu.sem_alloc : memref<!tpu.dma_semaphore, #tpu.memory_space<semaphore_mem>>
        tpu.enqueue_dma source(%arg5 : memref<32x128xf32, #tpu.memory_space<hbm>>) target(%arg15 : memref<32x128xf32, #tpu.memory_space<vmem>>) target_semaphore(%run_scoped3A : memref<!tpu.dma_semaphore, #tpu.memory_space<semaphore_mem>>)
        tpu.wait_dma2 semaphore(%run_scoped3A : memref<!tpu.dma_semaphore, #tpu.memory_space<semaphore_mem>>) src(%arg5 : memref<32x128xf32, #tpu.memory_space<hbm>>) dst(%arg15 : memref<32x128xf32, #tpu.memory_space<vmem>>)
        tpu.yield
      }) : () -> ()
      %while3A_287 = arith.constant 0 : i32
      %while3A_288 = arith.constant 0 : i32
      %while3A_289 = arith.subi %add3A_286, %while3A_287 : i32
      %while3A_290 = arith.addi %while3A_287, %while3A_289 : i32
      %while3A_291 = arith.constant 1 : i32
      %while3A_292 = arith.divsi %while3A_289, %while3A_291 : i32
      %while3A_293 = arith.muli %while3A_292, %while3A_291 : i32
      %while3A_294 = arith.addi %while3A_287, %while3A_293 : i32
      %while3A_295 = arith.constant 1 : i32
      %while3A_296 = scf.for %while3A_299 = %while3A_287 to %while3A_294 step %while3A_295 iter_args(%while3A_300 = %while3A_288) -> (i32)  : i32 {
        %broadcast_in_dim3A_301 = vector.broadcast %while3A_299 : i32 to vector<16xi32>
        %gather3A = tpu.vector_load_idx %arg9[%broadcast_in_dim3A_301] : memref<128xi32, #tpu.memory_space<vmem>>[vector<16xi32>], vector<16xi32>,
        %broadcast_in_dim3A_302 = vector.broadcast %while3A_178#0 : i32 to vector<16xi32>
        %add3A_303 = arith.addi %broadcast_in_dim3A_302, %broadcast_in_dim3A_301 : vector<16xi32>
        %and3A_304 = arith.constant 255 : i32
        %and3A_305 = vector.broadcast %and3A_304 : i32 to vector<16xi32>
        %and3A_306 = arith.andi %add3A_303, %and3A_305 : vector<16xi32>
        %broadcast_in_dim3A_307 = vector.broadcast %while3A_178#0 : i32 to vector<16xi32>
        %add3A_308 = arith.addi %broadcast_in_dim3A_307, %broadcast_in_dim3A_301 : vector<16xi32>
        %gather3A_309 = tpu.vector_load_idx %arg17[%add3A_308] : memref<16512xi32, #tpu.memory_space<vmem>>[vector<16xi32>], vector<16xi32>,
        %add3A_310 = arith.constant 0 : i32
        %add3A_311 = vector.broadcast %add3A_310 : i32 to vector<16xi32>
        %add3A_312 = arith.addi %gather3A_309, %add3A_311 : vector<16xi32>
        %add3A_313 = arith.addi %add3A_312, %iota3A : vector<16xi32>
        %gather3A_314 = tpu.vector_load_idx %arg18[%and3A_306, %add3A_313] : memref<256x128xf32, #tpu.memory_space<vmem>>[vector<16xi32>, vector<16xi32>], vector<16xf32>,
        %add3A_315 = arith.constant 0 : i32
        %add3A_316 = vector.broadcast %add3A_315 : i32 to vector<16xi32>
        %add3A_317 = arith.addi %add3A_316, %iota3A : vector<16xi32>
        tpu.vector_store_idx %arg15[%gather3A, %add3A_317], %gather3A_314 : memref<32x128xf32, #tpu.memory_space<vmem>>[vector<16xi32>, vector<16xi32>], vector<16xf32>,
        %add3A_318 = arith.constant 16 : i32
        %add3A_319 = vector.broadcast %add3A_318 : i32 to vector<16xi32>
        %add3A_320 = arith.addi %gather3A_309, %add3A_319 : vector<16xi32>
        %add3A_321 = arith.addi %add3A_320, %iota3A : vector<16xi32>
        %gather3A_322 = tpu.vector_load_idx %arg18[%and3A_306, %add3A_321] : memref<256x128xf32, #tpu.memory_space<vmem>>[vector<16xi32>, vector<16xi32>], vector<16xf32>,
        %add3A_323 = arith.constant 16 : i32
        %add3A_324 = vector.broadcast %add3A_323 : i32 to vector<16xi32>
        %add3A_325 = arith.addi %add3A_324, %iota3A : vector<16xi32>
        tpu.vector_store_idx %arg15[%gather3A, %add3A_325], %gather3A_322 : memref<32x128xf32, #tpu.memory_space<vmem>>[vector<16xi32>, vector<16xi32>], vector<16xf32>,
        %add3A_326 = arith.constant 32 : i32
        %add3A_327 = vector.broadcast %add3A_326 : i32 to vector<16xi32>
        %add3A_328 = arith.addi %gather3A_309, %add3A_327 : vector<16xi32>
        %add3A_329 = arith.addi %add3A_328, %iota3A : vector<16xi32>
        %gather3A_330 = tpu.vector_load_idx %arg18[%and3A_306, %add3A_329] : memref<256x128xf32, #tpu.memory_space<vmem>>[vector<16xi32>, vector<16xi32>], vector<16xf32>,
        %add3A_331 = arith.constant 32 : i32
        %add3A_332 = vector.broadcast %add3A_331 : i32 to vector<16xi32>
        %add3A_333 = arith.addi %add3A_332, %iota3A : vector<16xi32>
        tpu.vector_store_idx %arg15[%gather3A, %add3A_333], %gather3A_330 : memref<32x128xf32, #tpu.memory_space<vmem>>[vector<16xi32>, vector<16xi32>], vector<16xf32>,
        %add3A_334 = arith.constant 48 : i32
        %add3A_335 = vector.broadcast %add3A_334 : i32 to vector<16xi32>
        %add3A_336 = arith.addi %gather3A_309, %add3A_335 : vector<16xi32>
        %add3A_337 = arith.addi %add3A_336, %iota3A : vector<16xi32>
        %gather3A_338 = tpu.vector_load_idx %arg18[%and3A_306, %add3A_337] : memref<256x128xf32, #tpu.memory_space<vmem>>[vector<16xi32>, vector<16xi32>], vector<16xf32>,
        %add3A_339 = arith.constant 48 : i32
        %add3A_340 = vector.broadcast %add3A_339 : i32 to vector<16xi32>
        %add3A_341 = arith.addi %add3A_340, %iota3A : vector<16xi32>
        tpu.vector_store_idx %arg15[%gather3A, %add3A_341], %gather3A_338 : memref<32x128xf32, #tpu.memory_space<vmem>>[vector<16xi32>, vector<16xi32>], vector<16xf32>,
        %while3A_342 = arith.constant 0 : i32
        scf.yield %while3A_342 : i32
      }
      %while3A_297 = arith.constant 1 : i32
      %while3A_298 = scf.for %while3A_299 = %while3A_294 to %while3A_290 step %while3A_297 iter_args(%while3A_300 = %while3A_296) -> (i32)  : i32 {
        %broadcast_in_dim3A_301 = vector.broadcast %while3A_299 : i32 to vector<16xi32>
        %gather3A = tpu.vector_load_idx %arg9[%broadcast_in_dim3A_301] : memref<128xi32, #tpu.memory_space<vmem>>[vector<16xi32>], vector<16xi32>,
        %broadcast_in_dim3A_302 = vector.broadcast %while3A_178#0 : i32 to vector<16xi32>
        %add3A_303 = arith.addi %broadcast_in_dim3A_302, %broadcast_in_dim3A_301 : vector<16xi32>
        %and3A_304 = arith.constant 255 : i32
        %and3A_305 = vector.broadcast %and3A_304 : i32 to vector<16xi32>
        %and3A_306 = arith.andi %add3A_303, %and3A_305 : vector<16xi32>
        %broadcast_in_dim3A_307 = vector.broadcast %while3A_178#0 : i32 to vector<16xi32>
        %add3A_308 = arith.addi %broadcast_in_dim3A_307, %broadcast_in_dim3A_301 : vector<16xi32>
        %gather3A_309 = tpu.vector_load_idx %arg17[%add3A_308] : memref<16512xi32, #tpu.memory_space<vmem>>[vector<16xi32>], vector<16xi32>,
        %add3A_310 = arith.constant 0 : i32
        %add3A_311 = vector.broadcast %add3A_310 : i32 to vector<16xi32>
        %add3A_312 = arith.addi %gather3A_309, %add3A_311 : vector<16xi32>
        %add3A_313 = arith.addi %add3A_312, %iota3A : vector<16xi32>
        %gather3A_314 = tpu.vector_load_idx %arg18[%and3A_306, %add3A_313] : memref<256x128xf32, #tpu.memory_space<vmem>>[vector<16xi32>, vector<16xi32>], vector<16xf32>,
        %add3A_315 = arith.constant 0 : i32
        %add3A_316 = vector.broadcast %add3A_315 : i32 to vector<16xi32>
        %add3A_317 = arith.addi %add3A_316, %iota3A : vector<16xi32>
        tpu.vector_store_idx %arg15[%gather3A, %add3A_317], %gather3A_314 : memref<32x128xf32, #tpu.memory_space<vmem>>[vector<16xi32>, vector<16xi32>], vector<16xf32>,
        %add3A_318 = arith.constant 16 : i32
        %add3A_319 = vector.broadcast %add3A_318 : i32 to vector<16xi32>
        %add3A_320 = arith.addi %gather3A_309, %add3A_319 : vector<16xi32>
        %add3A_321 = arith.addi %add3A_320, %iota3A : vector<16xi32>
        %gather3A_322 = tpu.vector_load_idx %arg18[%and3A_306, %add3A_321] : memref<256x128xf32, #tpu.memory_space<vmem>>[vector<16xi32>, vector<16xi32>], vector<16xf32>,
        %add3A_323 = arith.constant 16 : i32
        %add3A_324 = vector.broadcast %add3A_323 : i32 to vector<16xi32>
        %add3A_325 = arith.addi %add3A_324, %iota3A : vector<16xi32>
        tpu.vector_store_idx %arg15[%gather3A, %add3A_325], %gather3A_322 : memref<32x128xf32, #tpu.memory_space<vmem>>[vector<16xi32>, vector<16xi32>], vector<16xf32>,
        %add3A_326 = arith.constant 32 : i32
        %add3A_327 = vector.broadcast %add3A_326 : i32 to vector<16xi32>
        %add3A_328 = arith.addi %gather3A_309, %add3A_327 : vector<16xi32>
        %add3A_329 = arith.addi %add3A_328, %iota3A : vector<16xi32>
        %gather3A_330 = tpu.vector_load_idx %arg18[%and3A_306, %add3A_329] : memref<256x128xf32, #tpu.memory_space<vmem>>[vector<16xi32>, vector<16xi32>], vector<16xf32>,
        %add3A_331 = arith.constant 32 : i32
        %add3A_332 = vector.broadcast %add3A_331 : i32 to vector<16xi32>
        %add3A_333 = arith.addi %add3A_332, %iota3A : vector<16xi32>
        tpu.vector_store_idx %arg15[%gather3A, %add3A_333], %gather3A_330 : memref<32x128xf32, #tpu.memory_space<vmem>>[vector<16xi32>, vector<16xi32>], vector<16xf32>,
        %add3A_334 = arith.constant 48 : i32
        %add3A_335 = vector.broadcast %add3A_334 : i32 to vector<16xi32>
        %add3A_336 = arith.addi %gather3A_309, %add3A_335 : vector<16xi32>
        %add3A_337 = arith.addi %add3A_336, %iota3A : vector<16xi32>
        %gather3A_338 = tpu.vector_load_idx %arg18[%and3A_306, %add3A_337] : memref<256x128xf32, #tpu.memory_space<vmem>>[vector<16xi32>, vector<16xi32>], vector<16xf32>,
        %add3A_339 = arith.constant 48 : i32
        %add3A_340 = vector.broadcast %add3A_339 : i32 to vector<16xi32>
        %add3A_341 = arith.addi %add3A_340, %iota3A : vector<16xi32>
        tpu.vector_store_idx %arg15[%gather3A, %add3A_341], %gather3A_338 : memref<32x128xf32, #tpu.memory_space<vmem>>[vector<16xi32>, vector<16xi32>], vector<16xf32>,
        %while3A_342 = arith.constant 0 : i32
        scf.yield %while3A_342 : i32
      }
      "tpu.region"() ({
        %run_scoped3A = tpu.sem_alloc : memref<!tpu.dma_semaphore, #tpu.memory_space<semaphore_mem>>
        tpu.enqueue_dma source(%arg15 : memref<32x128xf32, #tpu.memory_space<vmem>>) target(%arg7 : memref<32x128xf32, #tpu.memory_space<hbm>>) target_semaphore(%run_scoped3A : memref<!tpu.dma_semaphore, #tpu.memory_space<semaphore_mem>>)
        tpu.wait_dma2 semaphore(%run_scoped3A : memref<!tpu.dma_semaphore, #tpu.memory_space<semaphore_mem>>) src(%arg15 : memref<32x128xf32, #tpu.memory_space<vmem>>) dst(%arg7 : memref<32x128xf32, #tpu.memory_space<hbm>>)
        tpu.yield
      }) : () -> ()
    } else {
    }
    %ne3A_197 = arith.constant 31 : i32
    %ne3A_198 = arith.cmpi ne, %add3A, %ne3A_197 : i32
    %convert_element_type3A_199 = arith.extui %ne3A_198 : i1 to i32
    %cond3A_200 = arith.constant 0 : i32
    %cond3A_201 = arith.cmpi ne, %convert_element_type3A_199, %cond3A_200 : i32
    scf.if %cond3A_201 {
      %sub3A_202 = arith.subi %while3A_178#1, %while3A_178#2 : i32
      %max3A_203 = arith.constant 0 : i32
      %max3A_204 = arith.maxsi %sub3A_202, %max3A_203 : i32
      %while3A_205 = arith.constant 0 : i32
      %while3A_206 = arith.constant 0 : i32
      %while3A_207 = arith.subi %max3A_204, %while3A_205 : i32
      %while3A_208 = arith.addi %while3A_205, %while3A_207 : i32
      %while3A_209 = arith.constant 1 : i32
      %while3A_210 = arith.divsi %while3A_207, %while3A_209 : i32
      %while3A_211 = arith.muli %while3A_210, %while3A_209 : i32
      %while3A_212 = arith.addi %while3A_205, %while3A_211 : i32
      %while3A_213 = arith.constant 1 : i32
      %while3A_214 = scf.for %while3A_218 = %while3A_205 to %while3A_212 step %while3A_213 iter_args(%while3A_219 = %while3A_206) -> (i32)  : i32 {
        %add3A_220 = arith.addi %while3A_178#2, %while3A_218 : i32
        %mul3A_221 = arith.constant 128 : i32
        %mul3A_222 = arith.muli %add3A_220, %mul3A_221 : i32
        %and3A_223 = arith.constant 1 : i32
        %and3A_224 = arith.andi %add3A_220, %and3A_223 : i32
        %mul3A_225 = arith.constant 128 : i32
        %mul3A_226 = arith.muli %and3A_224, %mul3A_225 : i32
        %and3A_227 = arith.constant 1 : i32
        %and3A_228 = arith.andi %add3A_220, %and3A_227 : i32
        %dma_wait3A = arith.constant 0 : i32
        %dma_wait3A_229 = tpu.memref_slice %arg18[%mul3A_226, %dma_wait3A] : memref<256x128xf32, #tpu.memory_space<vmem>> -> memref<128x128xf32, #tpu.memory_space<vmem>>
        %dma_wait3A_230 = tpu.memref_slice %arg16[%mul3A_222] : memref<16512xi32, #tpu.memory_space<vmem>> -> memref<128xi32, #tpu.memory_space<vmem>>
        %dma_wait3A_231 = arith.constant 0 : i32
        %dma_wait3A_232 = arith.constant 0 : i32
        %dma_wait3A_233 = tpu.memref_slice %arg4[%dma_wait3A_231, %dma_wait3A_232] : memref<8192x128xf32, #tpu.memory_space<hbm>> -> memref<8192x128xf32, #tpu.memory_space<hbm>>
        %dma_wait3A_234 = tpu.memref_slice %arg11[%and3A_228] : memref<2x!tpu.dma_semaphore, #tpu.memory_space<semaphore_mem>> -> memref<1x!tpu.dma_semaphore, #tpu.memory_space<semaphore_mem>>
        %dma_wait3A_235 = tpu.memref_squeeze %dma_wait3A_234 : memref<1x!tpu.dma_semaphore, #tpu.memory_space<semaphore_mem>> -> memref<!tpu.dma_semaphore, #tpu.memory_space<semaphore_mem>>
        tpu.wait_indirect_dma semaphore(%dma_wait3A_235 : memref<!tpu.dma_semaphore, #tpu.memory_space<semaphore_mem>>) src(%dma_wait3A_233 : memref<8192x128xf32, #tpu.memory_space<hbm>>) dst(%dma_wait3A_229 : memref<128x128xf32, #tpu.memory_space<vmem>>)
        %while3A_236 = arith.constant 0 : i32
        scf.yield %while3A_236 : i32
      }
      %while3A_215 = arith.constant 1 : i32
      %while3A_216 = scf.for %while3A_218 = %while3A_212 to %while3A_208 step %while3A_215 iter_args(%while3A_219 = %while3A_214) -> (i32)  : i32 {
        %add3A_220 = arith.addi %while3A_178#2, %while3A_218 : i32
        %mul3A_221 = arith.constant 128 : i32
        %mul3A_222 = arith.muli %add3A_220, %mul3A_221 : i32
        %and3A_223 = arith.constant 1 : i32
        %and3A_224 = arith.andi %add3A_220, %and3A_223 : i32
        %mul3A_225 = arith.constant 128 : i32
        %mul3A_226 = arith.muli %and3A_224, %mul3A_225 : i32
        %and3A_227 = arith.constant 1 : i32
        %and3A_228 = arith.andi %add3A_220, %and3A_227 : i32
        %dma_wait3A = arith.constant 0 : i32
        %dma_wait3A_229 = tpu.memref_slice %arg18[%mul3A_226, %dma_wait3A] : memref<256x128xf32, #tpu.memory_space<vmem>> -> memref<128x128xf32, #tpu.memory_space<vmem>>
        %dma_wait3A_230 = tpu.memref_slice %arg16[%mul3A_222] : memref<16512xi32, #tpu.memory_space<vmem>> -> memref<128xi32, #tpu.memory_space<vmem>>
        %dma_wait3A_231 = arith.constant 0 : i32
        %dma_wait3A_232 = arith.constant 0 : i32
        %dma_wait3A_233 = tpu.memref_slice %arg4[%dma_wait3A_231, %dma_wait3A_232] : memref<8192x128xf32, #tpu.memory_space<hbm>> -> memref<8192x128xf32, #tpu.memory_space<hbm>>
        %dma_wait3A_234 = tpu.memref_slice %arg11[%and3A_228] : memref<2x!tpu.dma_semaphore, #tpu.memory_space<semaphore_mem>> -> memref<1x!tpu.dma_semaphore, #tpu.memory_space<semaphore_mem>>
        %dma_wait3A_235 = tpu.memref_squeeze %dma_wait3A_234 : memref<1x!tpu.dma_semaphore, #tpu.memory_space<semaphore_mem>> -> memref<!tpu.dma_semaphore, #tpu.memory_space<semaphore_mem>>
        tpu.wait_indirect_dma semaphore(%dma_wait3A_235 : memref<!tpu.dma_semaphore, #tpu.memory_space<semaphore_mem>>) src(%dma_wait3A_233 : memref<8192x128xf32, #tpu.memory_space<hbm>>) dst(%dma_wait3A_229 : memref<128x128xf32, #tpu.memory_space<vmem>>)
        %while3A_236 = arith.constant 0 : i32
        scf.yield %while3A_236 : i32
      }
      %max3A_217 = arith.maxsi %while3A_178#2, %while3A_178#1 : i32
    } else {
    }
    return
  }
}

</mosaic_0001>

<sc_bundles>
// kernel: kernel.3.cloned.1.call-start
scs
__scs_entry_jumppad:
0x0: {  	(pc) =	sbr.rel $0x88, $3  }
0x1: {  	(tag) =	ssettag $0x0;
	lr =	simm.s32 $0x1  }
0x2: {  	[smem:$0x3F9E] =	sst lr;
	_ =	strace $0xD0000000  }
0x3: {  	_ = 	snop  }
0x4: {  	_ = 	snop  }
0x5: {  	_ = 	snop  }
0x6: {  	_ = 	snop  }
0x7: {  	_ = 	snop  }
__scs_overlays_trampoline_lowered:
0x8: {  	[smem:$0x3FAD] =	sst s0  }
0x9: {  	[smem:$0x3FAE] =	sst s1  }
0xa: {  	[smem:$0x3FAF] =	sst s2  }
0xb: {  	[smem:$0x3FB0] =	sst s3  }
0xc: {  	[smem:$0x3FB1] =	sst s4  }
0xd: {  	[smem:$0x3FB2] =	sst s5  }
0xe: {  	[smem:$0x3FB3] =	sst s6  }
0xf: {  	[smem:$0x3FB4] =	sst s7  }
0x10: {  	[smem:$0x3FB5] =	sst s8  }
0x11: {  	[smem:$0x3FB6] =	sst s9;
	s0 =	simm.s32 @!p0 $0x0  }
0x12: {  	s1 =	sld [smem:$0x3F9C];
	s0 =	simm.s32 @p0 $0x1  }
0x13: {  	[smem:$0x3FB7] =	sst s0;
	s0 =	simm.s32 @!p1 $0x0  }
0x14: {  	s2 =	sld [smem:$0x3F9B];
	s0 =	simm.s32 @p1 $0x1  }
0x15: {  	[smem:$0x3FB8] =	sst s0;
	s0 =	simm.s32 @!p2 $0x0  }
0x16: {  	s3 =	sld [smem:$0x3FDB];
	s0 =	simm.s32 @p2 $0x1  }
0x17: {  	s4 =	simm.s32 $0x1BF5;
	[smem:$0x3FBA] =	sst s0  }
0x18: {  	s0 =	sld [smem:$0x3F9D];
	_ =	swait.ge [sflag:s4], $0x0  }
0x19: {  	s7 =	sld [smem:$0x3F9E]  }
0x1a: {  	s8 =	sadd.s32 $0xFFFFE003, lr  }
0x1b: {  	s9 =	sadd.s32 $0xFFFFFEF7, lr;
	s5 =	simm.s32 $0xFFFFFFFF;
	p2 =	slt.u32 s8, $0xFFFFF086  }
0x1c: {  	p1 =	slt.u32 s9, $0xF7A;
	s5 =	simm.s32 @!p2 $0x0  }
0x1d: {  	s5 =	simm.s32 @p1 $0x1;
	p0 =	seq.s32 s7, s2  }
0x1e: {  	s7 =	smul.u32 @!p0 $0xF7A, s2;
	p2 =	seq.s32 @!p0 s5, $0x0  }
0x1f: {  	s9 =	smul.u32 $0xF7A, s1;
	s8 =	simm.s32 @!p0 $0x1BF5;
	p2 =	por !p2, p0  }
0x20: {  	[sflag:s8] =	ssyncset.s32 @!p0 $0xFFFFF086;
	s6 =	sadd.s32 @!p0 s3, s7;
	s7 =	simm.s32 @!p0 $0x108  }
0x21: {  	s3 =	sadd.s32 s3, s9;
	s6 =	sadd.s32 @!p0 $0x88, s6;
	s7 =	simm.s32 @p2 $0x1082  }
0x22: {  	[simem:s7], [sflag:s8] =	dma.local @!p0 [hbm:s6], $0xF7A  }
0x23: {  	s9 =	sor.u32 $0xD0000000, s2;
	s6 =	simm.s32 $0x108;
	_ =	swait.ge @!p0 [sflag:s8], $0x0  }
0x24: {  	s3 =	sadd.s32 $0x88, s3;
	s6 =	simm.s32 @!p1 $0x1082;
	[sflag:s4] =	ssyncset.s32 $0xFFFFF086  }
0x25: {  	[simem:s6], [sflag:s4] =	dma.local [hbm:s3], $0xF7A  }
0x26: {  	[smem:$0x3F9E] =	sst s1;
	(tag) =	ssettag s2;
	_ =	strace s9  }
0x27: {  	s1 =	sld [smem:$0x3FAE]  }
0x28: {  	s2 =	sld [smem:$0x3FAF]  }
0x29: {  	s4 =	sld [smem:$0x3FB1]  }
0x2a: {  	p0 =	seq.s32 s5, $0x0;
	s5 =	sld [smem:$0x3FB2]  }
0x2b: {  	s6 =	sld [smem:$0x3FB3]  }
0x2c: {  	s7 =	sld [smem:$0x3FB4]  }
0x2d: {  	s3 =	simm.s32 $0x108;
	s8 =	sld [smem:$0x3FB5]  }
0x2e: {  	s3 =	simm.s32 @!p0 $0x1082;
	s9 =	sld [smem:$0x3FB6]  }
0x2f: {  	lr =	sadd.s32 s0, s3;
	s0 =	sld [smem:$0x3FAD]  }
0x30: {  	s3 =	sld [smem:$0x3FB0]  }
0x31: {  	[smem:$0x3FB9] =	sst s10  }
0x32: {  	s10 =	sld [smem:$0x3FB7];
	_ =	sdelay $0x3  }
0x33: {  	p0 =	seq.s32 s10, $0x1;
	s10 =	sld [smem:$0x3FB9];
	_ =	sdelay $0x3  }
0x34: {  	[smem:$0x3FB9] =	sst s10  }
0x35: {  	s10 =	sld [smem:$0x3FB8];
	_ =	sdelay $0x3  }
0x36: {  	p1 =	seq.s32 s10, $0x1;
	s10 =	sld [smem:$0x3FB9];
	_ =	sdelay $0x3  }
0x37: {  	[smem:$0x3FB9] =	sst s10  }
0x38: {  	s10 =	sld [smem:$0x3FBA]  }
0x39: {  	_ = 	snop;
	(pc) =	sbr.ind lr, $3  }
0x3a: {  	_ = 	snop  }
0x3b: {  	_ = 	snop  }
0x3c: {  	p2 =	seq.s32 s10, $0x1;
	s10 =	sld [smem:$0x3FB9]  }
0x3d: {  	_ =	shalt  }
0x3e: {  	_ =	shalt  }
0x3f: {  	_ =	shalt  }
0x40: {  	_ =	shalt  }
0x41: {  	_ =	shalt  }
0x42: {  	_ =	shalt  }
0x43: {  	_ =	shalt  }
0x44: {  	_ =	shalt  }
0x45: {  	_ =	shalt  }
0x46: {  	_ =	shalt  }
0x47: {  	_ =	shalt  }
0x48: {  	_ =	shalt  }
0x49: {  	_ =	shalt  }
0x4a: {  	_ =	shalt  }
0x4b: {  	_ =	shalt  }
0x4c: {  	_ =	shalt  }
0x4d: {  	_ =	shalt  }
0x4e: {  	_ =	shalt  }
0x4f: {  	_ =	shalt  }
0x50: {  	_ =	shalt  }
0x51: {  	_ =	shalt  }
0x52: {  	_ =	shalt  }
0x53: {  	_ =	shalt  }
0x54: {  	_ =	shalt  }
0x55: {  	_ =	shalt  }
0x56: {  	_ =	shalt  }
0x57: {  	_ =	shalt  }
0x58: {  	_ =	shalt  }
0x59: {  	_ =	shalt  }
0x5a: {  	_ =	shalt  }
0x5b: {  	_ =	shalt  }
0x5c: {  	_ =	shalt  }
0x5d: {  	_ =	shalt  }
0x5e: {  	_ =	shalt  }
0x5f: {  	_ =	shalt  }
0x60: {  	_ =	shalt  }
0x61: {  	_ =	shalt  }
0x62: {  	_ =	shalt  }
0x63: {  	_ =	shalt  }
0x64: {  	_ =	shalt  }
0x65: {  	_ =	shalt  }
0x66: {  	_ =	shalt  }
0x67: {  	_ =	shalt  }
0x68: {  	_ =	shalt  }
0x69: {  	_ =	shalt  }
0x6a: {  	_ =	shalt  }
0x6b: {  	_ =	shalt  }
0x6c: {  	_ =	shalt  }
0x6d: {  	_ =	shalt  }
0x6e: {  	_ =	shalt  }
0x6f: {  	_ =	shalt  }
0x70: {  	_ =	shalt  }
0x71: {  	_ =	shalt  }
0x72: {  	_ =	shalt  }
0x73: {  	_ =	shalt  }
0x74: {  	_ =	shalt  }
0x75: {  	_ =	shalt  }
0x76: {  	_ =	shalt  }
0x77: {  	_ =	shalt  }
0x78: {  	_ =	shalt  }
0x79: {  	_ =	shalt  }
0x7a: {  	_ =	shalt  }
0x7b: {  	_ =	shalt  }
0x7c: {  	_ =	shalt  }
0x7d: {  	_ =	shalt  }
0x7e: {  	_ =	shalt  }
0x7f: {  	_ =	shalt  }
0x80: {  	_ =	shalt  }
0x81: {  	_ =	shalt  }
0x82: {  	_ =	shalt  }
0x83: {  	_ =	shalt  }
0x84: {  	_ =	shalt  }
0x85: {  	_ =	shalt  }
0x86: {  	_ =	shalt  }
0x87: {  	_ =	shalt  }
.Lfunc_end0:
.L_simem_size_0:
called_computation_lowered:
.L_overlay_start_0:
0x88: {  	s2 =	sld [smem:$0x3FD9]  }
0x89: {  	s3 =	sld [smem:$0x3FFE];
	_ =	sdelay $0x1  }
0x8a: {  	s1 =	srdreg.scid  }
0x8b: {  	s0 =	sand.u32 $0x1, s1  }
0x8c: {  	s17 =	sshll.u32 s0, $0xA;
	s2 =	sadd.s32 s3, s2  }
0x8d: {  	s2 =	sadd.s32 s2, s17  }
0x8e: {  	[smem:$0x3FC5] =	sst s2  }
0x8f: {  	_ = 	snop  }
0x90: {  	s2 =	sld [smem:$0x3FC9]  }
0x91: {  	s18 =	sld [smem:$0x3FC8]  }
0x92: {  	s4 =	sld [smem:$0x3FD0];
	(tm) =	ssettm $0x1  }
0x93: {  	s5 =	sld [smem:$0x3FFB];
	_ =	sdelay $0x3  }
0x94: {  	_ =	strace s5  }
0x95: {  	s5 =	sld [smem:$0x3FFC];
	_ =	sdelay $0x3  }
0x96: {  	_ =	strace s5  }
0x97: {  	s5 =	sld [smem:$0x3FFD];
	_ =	sdelay $0x3  }
0x98: {  	_ =	strace s5  }
0x99: {  	_ =	strace $0x8FFFFFFF  }
0x9a: {  	s19 =	sld [smem:$0x3FDB];
	_ =	sdelay $0x1  }
0x9b: {  	s6 =	simm.s32 $_scs_section_size  }
0x9c: {  	s7 =	simm.s32 $_size__tile_overlayer_lowered;
	s8 =	simm.s32 $_tile_overlayer_lowered  }
0x9d: {  	s22 =	simm.s32 $0x1BFF;
	s21 =	sshll.u32 s8, $0x1;
	s5 =	sadd.s32 s6, s19  }
0x9e: {  	s9 =	simm.s32 $0x0;
	s20 =	sshll.u32 s7, $0x1;
	s7 =	sadd.s32 s21, s5  }
0x9f: {  	[timem:s9], [sflag:s22] =	dma.local [hbm:s7], s20  }
0xa0: {  	_ =	swait.ge [sflag:s22], s20  }
0xa1: {  	s6 =	ssub.s32 $0x0, s20;
	[sflag:s22] =	ssyncset.done $0x0  }
0xa2: {  	[sflag:s22] =	ssyncadd.s32 s6;
	_ =	sdelay $0x1  }
0xa3: {  	s23 =	simm.s32 $0x1B8B  }
0xa4: {  	_ =	swait.ge [sflag:s23], $0x1  }
0xa5: {  	[sflag:s23] =	ssyncset.done $0x0  }
0xa6: {  	s25 =	simm.s32 $0x1B8E;
	s24 =	sld [smem:$0x3FFE];
	[sflag:s23] =	ssyncadd.s32 $0xFFFFFFFF  }
0xa7: {  	s26 =	simm.s32 $execute0_lowered;
	[smem:$0x3FD2] =	sst s25  }
0xa8: {  	s7 =	sshll.u32 s26, $0x1;
	_ =	strace $0x80000046;
	[dreg:$0x1] =	wrdreg $0xFFFFFFFF  }
0xa9: {  	s28 =	simm.s32 $_size_execute0_lowered;
	s5 =	sadd.s32 s5, s7;
	[dreg:$0x0] =	wrdreg $0x0  }
0xaa: {  	s7 =	sshll.u32 s28, $0x1;
	[dreg:$0x2] =	wrdreg s5  }
0xab: {  	[dreg:$0x3] =	wrdreg s7  }
0xac: {  	[dreg:$0x4] =	wrdreg $0xC0  }
0xad: {  	_ =	task [dreg:s9], $0x5FFFF  }
0xae: {  	[dreg:$0x1] =	wrdreg $0xFFFFFFFF  }
0xaf: {  	[dreg:$0x0] =	wrdreg $0x60  }
0xb0: {  	[dreg:$0x2] =	wrdreg s2  }
0xb1: {  	[dreg:$0x3] =	wrdreg s18  }
0xb2: {  	[dreg:$0x4] =	wrdreg s24  }
0xb3: {  	[dreg:$0x5] =	wrdreg s4  }
0xb4: {  	[dreg:$0x6] =	wrdreg $0x9  }
0xb5: {  	_ =	task.clear_ibuf [dreg:s9], $0x7FFFF;
	_ =	strace $0x90000046  }
0xb6: {  	s29 =	simm.s32 $0x9;
	_ =	strace $0x80000048  }
0xb7: {  	_ =	swait.ge [sflag:s29], $0x1  }
0xb8: {  	[sflag:s29] =	ssyncadd.s32 $0xFFFFFFFF  }
0xb9: {  	_ =	strace $0x90000048  }
0xba: {  	_ =	sfence  }
0xbb: {  	s30 =	sld [smem:$0x0];
	_ =	sdelay $0x2  }
0xbc: {  	s31 =	sshll.u32 s1, $0xD;
	s1 =	sshrl.u32 s1, $0x2  }
0xbd: {  	s3 =	sand.u32 $0x4000, s31;
	s1 =	sadd.s32 s1, s30  }
0xbe: {  	s0 =	sor.u32 s3, s0;
	s1 =	sshll.u32 s1, $0x11  }
0xbf: {  	s0 =	sor.u32 s1, s0  }
0xc0: {  	s0 =	sadd.s32 $0x8F2B, s0  }
0xc1: {  	[sflag:s0] =	ssyncadd.remote.s32 $0x1  }
0xc2: {  	_ =	sfence.sel $0xFFFF  }
0xc3: {  	[dreg:$0x0] =	wrdreg $0xFFFFFFFF;
	(pc) =	sbr.abs _section_cstart, $3  }
0xc4: {  	[dreg:$0x1] =	wrdreg $0xFFFFFFFF  }
0xc5: {  	_ =	task.clear_ibuf [dreg:s9], $0x2FFFF;
	_ =	strace $0x9FFFFFFF  }
0xc6: {  	(tm) =	ssettm $0x7FFFFFFF  }
0xc7: {  	_ =	shalt  }
tec
execute0_lowered:
.L_overlay_start_1:
0x0: {  	(tag) =	ssettag $0x1  }
0x1: {  	s3 =	rddreg [dreg:$0x0]  }
0x2: {  	s1 =	rddreg [dreg:$0x1]  }
0x3: {  	s5 =	rddreg [dreg:$0x2];
	s0 =	srdreg.scid  }
0x4: {  	s4 =	stileid.u32;
	s2 =	rddreg [dreg:$0x3]  }
0x5: {  	s23 =	simm.s32 $0x0;
	s28 =	simm.s32 $0xA600;
	s6 =	sand.u32 $0x1, s0  }
0x6: {  	s18 =	sshll.u32 s4, $0x1;
	[smem:$0x7FF] =	sst s23;
	s4 =	sadd.s32 $0x800, s5  }
0x7: {  	s8 =	sadd.s32 $0x20800, s5;
	s5 =	sadd.s32 $0x20A00, s5;
	s0 =	sor.u32 s6, s18  }
0x8: {  	_ =	strace $0x80000047;
	[dreg:$0x5] =	wrdreg s8;
	s7 =	smul.u32 $0xFFFFFF85, s0  }
0x9: {  	s6 =	ssub.s32 $0x2, s6;
	[dreg:$0x6] =	wrdreg s5;
	s20 =	smul.u32 $0x3D80, s0  }
0xa: {  	s18 =	simm.s32 $0x9E00;
	s19 =	sshrl.u32 s6, $0x1;
	s21 =	smul.u32 $0x1EC00, s0  }
0xb: {  	s5 =	ssub.s32 s6, s19;
	s19 =	simm.s32 $0x9;
	p0 =	slt.s32 s7, $0xFFFFF139  }
0xc: {  	s14 =	smin.u32 s20, $0x763A0;
	s16 =	sshrl.u32 s21, $0x3;
	s8 =	sadd.s32 s3, s20  }
0xd: {  	s31 =	smax.u32 s5, $0x1;
	s21 =	simm.s32 $0xF680;
	s7 =	simm.s32 @!p0 $0xFFFFF139  }
0xe: {  	s14 =	sadd.s32 $0x3D80, s14;
	s3 =	sadd.s32 s3, s16;
	s9 =	sadd.s32 $0x41, s7  }
0xf: {  	[dreg:$0xb] =	wrdreg s31;
	s11 =	sadd.s32 $0x40, s7;
	s10 =	sand.u32 $0xFF, s9  }
0x10: {  	s13 =	sadd.s32 $0x3F, s7;
	s12 =	sand.u32 $0xFF, s11;
	s10 =	smul.u32 $0xAB, s10  }
0x11: {  	s16 =	simm.s32 $0x3D0C00;
	s15 =	sand.u32 $0xFF, s13;
	s12 =	smul.u32 $0xAB, s12  }
0x12: {  	v2 =	vlaneseq.u32;
	p0 =	sne.s32 s0, $0x1F;
	s15 =	smul.u32 $0xAB, s15;
	s10 =	sshrl.u32 s10, $0x9  }
0x13: {  	v3 =	vimm.s32 $0x0;
	v4 =	vadd.s32 $0x1, v2;
	s7 =	sadd.s32 $0xF42, s7;
	s12 =	sshrl.u32 s12, $0x9;
	s10 =	smul.u32 $0x3, s10  }
0x14: {  	v5 =	vadd.s32 $0x2, v2;
	v6 =	vadd.s32 $0x3, v2;
	v7 =	vadd.s32 $0x4, v2;
	s3 =	sadd.s32 $0x80, s3;
	s15 =	sshrl.u32 s15, $0x9;
	s12 =	smul.u32 $0x3, s12  }
0x15: {  	v8 =	vadd.s32 $0x5, v2;
	v9 =	vadd.s32 $0x6, v2;
	v1 =	vmov s14;
	s14 =	simm.s32 $0x400;
	[dreg:$0x7] =	wrdreg s3;
	s22 =	smul.u32 $0x3, s15  }
0x16: {  	v10 =	vadd.s32 $0x7, v2;
	v11 =	vadd.s32 $0x8, v2;
	v0 =	vmov s20;
	s15 =	sadd.s32 s2, s20;
	s20 =	simm.s32 $0xB600;
	s2 =	simm.s32 $0x0  }
0x17: {  	v12 =	vadd.s32 $0x9, v2;
	v13 =	vadd.s32 $0xA, v2;
	v14 =	vadd.s32 $0xB, v2;
	s24 =	ssub.s32 s9, s10;
	s25 =	ssub.s32 s11, s12;
	s26 =	ssub.s32 s13, s22  }
.Ltmp0:
0x18: {  	v15 =	vadd.s32 $0xC, v2;
	v16 =	vadd.s32 $0xD, v2;
	v17 =	vadd.s32 $0xE, v2;
	s22 =	simm.s32 $0x1B700;
	s3 =	sand.u32 $0xFF, s24;
	(pc) =	sbr.rel .LBB2_1-.Ltmp0, $4  }
0x19: {  	v18 =	vadd.s32 $0xF, v2;
	v19 =	vor.u32 $0x10, v2;
	v20 =	vor.u32 $0x20, v2;
	s10 =	simm.s32 $0x6080;
	s9 =	sand.u32 $0xFF, s25;
	s3 =	sadd.s32 $0x6, s3  }
0x1a: {  	v21 =	vor.u32 $0x30, v2;
	v22 =	vor.u32 $0x40, v2;
	v23 =	vmul.u32 $0x80, v2;
	s30 =	sand.u32 $0xFF, s26;
	s29 =	sadd.s32 $0x6, s9;
	[dreg:$0x8] =	wrdreg s3  }
0x1b: {  	v24 =	vor.u32 $0x50, v2;
	v25 =	vor.u32 $0x60, v2;
	v26 =	vor.u32 $0x70, v2;
	s24 =	simm.s32 $0x6000;
	[dreg:$0x9] =	wrdreg s29;
	s3 =	sadd.s32 $0x6, s30  }
0x1c: {  	v27 =	vor.u32 $0x800, v23;
	v28 =	vor.u32 $0x1000, v23;
	v29 =	vor.u32 $0x1800, v23;
	s25 =	simm.s32 $0x80;
	s26 =	simm.s32 $0x13700;
	[dreg:$0xa] =	wrdreg s3  }
.LBB2_48:
0x1d: {  	_ = 	snop  }
.LBB2_53:
0x1e: {  	_ =	sdelay $0x3  }
0x1f: {  	[tilespmem:v33+s28+$0x0] =	vst.idx.msk @p1 $0xffff, v32  }
0x20: {  	v31 =	vld.idx.msk [tilespmem:v31+s21+$0x0], $0xffff;
	_ =	sdelay $0x1  }
0x21: {  	v56 =	vmov s3;
	_ =	sdelay $0x2  }
0x22: {  	v57 =	vadd.s32 v2, v31  }
0x23: {  	v30 =	vand.u32 $0x7F80, v30;
	v34 =	vand.u32 $0xFFFFFF80, v57  }
0x24: {  	v32 =	vld.idx.msk [tilespmem:v56+s24+$0x0], $0xffff;
	v33 =	vand.u32 $0x7F, v57;
	v34 =	vadd.s32 v30, v34  }
0x25: {  	v33 =	vor.u32 v33, v34;
	_ =	sdelay $0x2  }
0x26: {  	v58 =	vadd.s32 v19, v31  }
0x27: {  	v35 =	vand.u32 $0xFFFFFF80, v58;
	v32 =	vshll.u32 v32, $0x7  }
0x28: {  	v35 =	vadd.s32 v30, v35;
	v34 =	vand.u32 $0x7F, v58;
	v36 =	vor.u32 v2, v32;
	v33 =	vld.idx.msk [tilespmem:v33+s26+$0x0], $0xffff  }
0x29: {  	v34 =	vor.u32 v34, v35;
	_ =	sdelay $0x2  }
0x2a: {  	v59 =	vadd.s32 v20, v31  }
0x2b: {  	v37 =	vand.u32 $0xFFFFFF80, v59;
	[tilespmem:v36+s28+$0x0] =	vst.idx.msk $0xffff, v33  }
0x2c: {  	v60 =	vadd.s32 v30, v37;
	v35 =	vand.u32 $0x7F, v59;
	v61 =	vor.u32 v19, v32;
	v34 =	vld.idx.msk [tilespmem:v34+s26+$0x0], $0xffff  }
0x2d: {  	v33 =	vor.u32 v35, v60;
	_ =	sdelay $0x2  }
0x2e: {  	v31 =	vadd.s32 v21, v31  }
0x2f: {  	v62 =	vand.u32 $0xFFFFFF80, v31;
	[tilespmem:v61+s28+$0x0] =	vst.idx.msk $0xffff, v34  }
0x30: {  	v31 =	vand.u32 $0x7F, v31;
	v30 =	vadd.s32 v30, v62;
	v63 =	vor.u32 v20, v32;
	v33 =	vld.idx.msk [tilespmem:v33+s26+$0x0], $0xffff  }
0x31: {  	v30 =	vor.u32 v31, v30;
	_ =	sdelay $0x3  }
0x32: {  	[tilespmem:v63+s28+$0x0] =	vst.idx.msk $0xffff, v33  }
0x33: {  	v31 =	vor.u32 v21, v32;
	v30 =	vld.idx.msk [tilespmem:v30+s26+$0x0], $0xffff;
	_ =	sdelay $0x4  }
0x34: {  	[tilespmem:v31+s28+$0x0] =	vst.idx.msk $0xffff, v30  }
.LBB2_54:
0x35: {  	s0 =	rddreg [dreg:$0x6]  }
0x36: {  	[hbm4b:s0+s23] =	stream.linear.scatter [tilespmem:s28], [sflag:$0x9], $0x1000, $0x38;
	[tilespmem:$0x1F480] =	vst v63  }
0x37: {  	_ =	swait.ge [sflag:s19], $0x1000  }
0x38: {  	[sflag:s19] =	ssyncset.done $0x0  }
0x39: {  	s2 =	rddreg [dreg:$0xc];
	[sflag:s19] =	ssyncadd.s32 $0xFFFFF000  }
.LBB2_59:
0x3a: {  	s2 =	sadd.s32 $0x1, s2;
	s0 =	rddreg [dreg:$0xb]  }
0x3b: {  	p1 =	sne.s32 s2, s0  }
.Ltmp1:
0x3c: {  	_ = 	snop;
	(pc) =	sbr.rel @!p1 .LBB2_60-.Ltmp1, $2  }
0x3d: {  	_ =	sdelay $0x2  }
0x3e: {  	s10 =	simm.s32 $0x6080  }
.LBB2_1:
0x3f: {  	[dreg:$0xc] =	wrdreg s2  }
0x40: {  	[tilespmem:s23], [sflag:$0x3] =	stream.strided.gather [hbm4b:s8+s14], $0x2000, s16, s14, $0x38;
	[tilespmem:$0x1F480] =	vst v63  }
0x41: {  	s0 =	rddreg [dreg:$0x7];
	s31 =	simm.s32 $0x2000  }
0x42: {  	[tilespmem:s31], [sflag:$0x4] =	stream.strided.gather [hbm4b:s0+s14], $0x2000, s16, s14, $0x38;
	[tilespmem:$0x1F480] =	vst v63  }
0x43: {  	s3 =	simm.s32 $0x0;
	s2 =	simm.s32 $0x0;
	s0 =	simm.s32 $0x0  }
.LBB2_2:
0x44: {  	s5 =	sshll.u32 s2, $0x8  }
0x45: {  	s6 =	simm.s32 $0x0;
	s5 =	sadd.s32 s1, s5  }
0x46: {  	[tilespmem:s18], [sflag:$0x9] =	stream.linear.gather [hbm4b:s5+s6], $0x800, $0x38;
	[tilespmem:$0x1F480] =	vst v63  }
0x47: {  	_ =	swait.ge [sflag:s19], $0x800  }
0x48: {  	[sflag:s19] =	ssyncset.done $0x0  }
0x49: {  	s31 =	simm.s32 $0x0;
	[sflag:s19] =	ssyncadd.s32 $0xFFFFF800  }
0x4a: {  	v30 =	vld [tilespmem:s31+$0x9E00];
	_ =	sdelay $0x4  }
0x4b: {  	vm0 =	vge.s32 v30, v0;
	vm1 =	vlt.s32 v30, v1  }
0x4c: {  	vm0 =	vmand vm0, vm1  }
0x4d: {  	v31 =	vsel vm0, $0x1, v3  }
0x4e: {  	(xrf0) =	vadd.scan.msk.s32 $0xffff, v31;
	_ =	sdelay $0x5  }
0x4f: {  	v32, _, _ =	vpop (xrf0)  }
0x50: {  	v31 =	vmov s3;
	v33 =	vxor.u32 $0x80000000, v32  }
0x51: {  	v31 =	vadd.s32 $0xFFFFFFFF, v31;
	(xrf0) =	vmax.scan.msk.u32 $0xffff, v33  }
0x52: {  	v31 =	vbroadcast v31, $0x0;
	_ =	sdelay $0x1  }
0x53: {  	v31 =	vadd.s32 v32, v31;
	_ =	sdelay $0x2  }
0x54: {  	v63, _, _ =	vpop (xrf0)  }
0x55: {  	(v2sf) =	vpush v63, $0xF  }
0x56: {  	[tilespmem:v31+s20+$0x0] =	vst.idx.msk vm0, v30;
	v30 =	vor.u32 s0, v2  }
0x57: {  	s9 =	simm.s32 $0x10;
	s6 =	simm.s32 $0x80;
	s5 =	smov.u32 s0;
	[tilespmem:v31+s21+$0x0] =	vst.idx.msk vm0, v30  }
.LBB2_3:
0x58: {  	p1 =	sne.s32 s6, $0x1FC0;
	v30 =	vld [tilespmem:s9+$0x9E00];
	_ =	sdelay $0x4  }
0x59: {  	vm0 =	vge.s32 v30, v0;
	vm1 =	vlt.s32 v30, v1  }
0x5a: {  	vm0 =	vmand vm0, vm1  }
0x5b: {  	v31 =	vsel vm0, $0x1, v3  }
0x5c: {  	(xrf0) =	vadd.scan.msk.s32 $0xffff, v31;
	_ =	sdelay $0x3  }
0x5d: {  	s9 =	spop (v2sf)  }
0x5e: {  	s3 =	sadd.s32 s9, s3  }
0x5f: {  	v31, _, _ =	vpop (xrf0);
	s3 =	sadd.s32 $0x80000000, s3  }
0x60: {  	v32 =	vmov s3;
	v33 =	vxor.u32 $0x80000000, v31  }
0x61: {  	v32 =	vadd.s32 $0xFFFFFFFF, v32;
	(xrf0) =	vmax.scan.msk.u32 $0xffff, v33  }
0x62: {  	v32 =	vbroadcast v32, $0x0;
	_ =	sdelay $0x1  }
0x63: {  	v31 =	vadd.s32 v31, v32;
	_ =	sdelay $0x1  }
.Ltmp2:
0x64: {  	(pc) =	sbr.rel @p1 .LBB2_3-.Ltmp2, $4  }
0x65: {  	v32, _, _ =	vpop (xrf0)  }
0x66: {  	s5 =	sadd.s32 $0x10, s5;
	(v2sf) =	vpush v32, $0xF  }
0x67: {  	[tilespmem:v31+s20+$0x0] =	vst.idx.msk vm0, v30;
	v30 =	vor.u32 s5, v2  }
0x68: {  	s9 =	sshra.s32 s6, $0x2;
	s6 =	sadd.s32 $0x40, s6;
	[tilespmem:v31+s21+$0x0] =	vst.idx.msk vm0, v30  }
0x69: {  	v30 =	vld [tilespmem:s9+$0x9E00];
	_ =	sdelay $0x4  }
0x6a: {  	vm0 =	vge.s32 v30, v0;
	vm1 =	vlt.s32 v30, v1  }
0x6b: {  	vm0 =	vmand vm0, vm1  }
0x6c: {  	v31 =	vsel vm0, $0x1, v3  }
0x6d: {  	(xrf0) =	vadd.scan.msk.s32 $0xffff, v31;
	_ =	sdelay $0x5  }
0x6e: {  	v31, _, _ =	vpop (xrf0)  }
0x6f: {  	v32 =	vxor.u32 $0x80000000, v31  }
0x70: {  	(xrf0) =	vmax.scan.msk.u32 $0xffff, v32;
	_ =	sdelay $0x5  }
0x71: {  	v32, _, _ =	vpop (xrf0)  }
0x72: {  	(v2sf) =	vpush v32, $0xF;
	_ =	sdelay $0x3  }
0x73: {  	s6 =	spop (v2sf)  }
0x74: {  	s3 =	sadd.s32 s6, s3  }
0x75: {  	s3 =	sadd.s32 $0x80000000, s3  }
0x76: {  	v63 =	vmov s3  }
0x77: {  	v32 =	vadd.s32 $0xFFFFFFFF, v63  }
0x78: {  	v32 =	vbroadcast v32, $0x0;
	_ =	sdelay $0x1  }
0x79: {  	s2 =	sadd.s32 $0x1, s2;
	v31 =	vadd.s32 v31, v32  }
0x7a: {  	p1 =	sne.s32 s2, $0x8  }
.Ltmp3:
0x7b: {  	_ = 	snop;
	(pc) =	sbr.rel @p1 .LBB2_2-.Ltmp3, $4  }
0x7c: {  	_ = 	snop  }
0x7d: {  	s5 =	sadd.s32 $0x10, s5;
	s31 =	spop (v2sf)  }
0x7e: {  	[tilespmem:v31+s20+$0x0] =	vst.idx.msk vm0, v30;
	v30 =	vor.u32 s5, v2;
	s3 =	sadd.s32 s31, s3  }
0x7f: {  	s0 =	sadd.s32 $0x800, s0;
	[tilespmem:v31+s21+$0x0] =	vst.idx.msk vm0, v30;
	s3 =	sadd.s32 $0x80000000, s3  }
0x80: {  	s0 =	sadd.s32 $0xF, s3  }
0x81: {  	s2 =	sand.u32 $0xF, s0  }
0x82: {  	s5 =	sshra.s32 s0, $0x1F;
	p1 =	slt.s32 s0, $0x1;
	p2 =	sne.s32 s2, $0x0  }
0x83: {  	s31 =	sshrl.u32 s5, $0x1C;
	p1 =	por !p1, !p2  }
0x84: {  	s2 =	simm.s32 $0x1;
	s0 =	sadd.s32 s31, s0;
	p1 =	por !p1, !p1  }
0x85: {  	s0 =	sshra.s32 s0, $0x4;
	s2 =	simm.s32 @!p1 $0x0  }
0x86: {  	s0 =	ssub.s32 s0, s2  }
0x87: {  	p1 =	sgt.s32 s0, $0x0  }
.Ltmp4:
0x88: {  	_ = 	snop;
	(pc) =	sbr.rel @!p1 .LBB2_9-.Ltmp4, $2  }
0x89: {  	_ =	sdelay $0x2  }
0x8a: {  	v30 =	vmov s3  }
0x8b: {  	s3 =	simm.s32 $0x0  }
0x8c: {  	p2 =	seq.s32 s0, $0x1;
	v33 =	vadd.s32 s3, v17;
	v48 =	vadd.s32 s3, v18  }
.Ltmp5:
0x8d: {  	v34 =	vadd.s32 s3, v14;
	v36 =	vadd.s32 s3, v15;
	v35 =	vadd.s32 s3, v16;
	(pc) =	sbr.rel @p2 .LBB2_8-.Ltmp5, $4  }
0x8e: {  	v38 =	vadd.s32 s3, v11;
	v39 =	vadd.s32 s3, v12;
	v37 =	vadd.s32 s3, v13  }
0x8f: {  	s2 =	simm.s32 $0xB608;
	v41 =	vadd.s32 s3, v8;
	v42 =	vadd.s32 s3, v9;
	v40 =	vadd.s32 s3, v10  }
0x90: {  	v31 =	vor.u32 s3, v2;
	v46 =	vld [tilespmem:s2+$0xFFFFFFF9];
	v44 =	vadd.s32 s3, v6;
	v43 =	vadd.s32 s3, v7  }
0x91: {  	s5 =	sadd.s32 $0xFFFFFFFF, s0;
	v32 =	vld [tilespmem:s2+$0xFFFFFFF8];
	v47 =	vadd.s32 s3, v4;
	v45 =	vadd.s32 s3, v5;
	vm1 =	vge.s32 v48, v30  }
.LBB2_7:
0x92: {  	vm3 =	vge.s32 v36, v30;
	vm2 =	vge.s32 v35, v30  }
0x93: {  	v48 =	vld [tilespmem:s2+$0xFFFFFFFA];
	vm0 =	vge.s32 v33, v30;
	v61 =	vimm.s32 $0x0;
	vm6 =	vge.s32 v39, v30  }
0x94: {  	v62 =	vld [tilespmem:s2+$0xFFFFFFFB];
	vm5 =	vge.s32 v37, v30;
	vm4 =	vge.s32 v34, v30;
	vm9 =	vge.s32 v42, v30  }
0x95: {  	v63 =	vld [tilespmem:s2+$0xFFFFFFFC];
	vm8 =	vge.s32 v40, v30;
	vm7 =	vge.s32 v38, v30;
	vm10 =	vge.s32 v44, v30  }
0x96: {  	vm11 =	vge.s32 v43, v30;
	v49 =	vld [tilespmem:s2+$0xFFFFFFFD];
	vm12 =	vge.s32 v41, v30;
	vm13 =	vlt.s32 v31, v30  }
0x97: {  	vm15 =	vge.s32 v47, v30;
	v50 =	vld [tilespmem:s2+$0xFFFFFFFE];
	v33 =	vsel vm0, $0xFFFFFFFF, v61;
	vm14 =	vne.s32 v46, v32  }
0x98: {  	v51 =	vld [tilespmem:s2+$0xFFFFFFFF];
	vm0 =	vge.s32 v45, v30;
	vm14 =	vmor vm15, vm14;
	vm15 =	vne.s32 v48, v32  }
0x99: {  	v52 =	vld [tilespmem:s2+$0x0];
	vm13 =	vmand vm13, vm14;
	vm0 =	vmor vm0, vm15;
	vm14 =	vne.s32 v62, v32  }
0x9a: {  	v53 =	vld [tilespmem:s2+$0x1];
	vm0 =	vmand vm13, vm0;
	vm10 =	vmor vm10, vm14;
	vm13 =	vne.s32 v63, v32  }
0x9b: {  	v54 =	vld [tilespmem:s2+$0x2];
	vm14 =	vne.s32 v49, v32;
	vm0 =	vmand vm0, vm10;
	vm13 =	vmor vm11, vm13  }
0x9c: {  	v55 =	vld [tilespmem:s2+$0x3];
	vm15 =	vmor vm12, vm14;
	vm12 =	vne.s32 v50, v32;
	vm0 =	vmand vm0, vm13  }
0x9d: {  	v56 =	vld [tilespmem:s2+$0x4];
	vm9 =	vmor vm9, vm12;
	vm13 =	vne.s32 v51, v32;
	vm0 =	vmand vm0, vm15  }
0x9e: {  	v57 =	vld [tilespmem:s2+$0x5];
	vm14 =	vne.s32 v52, v32;
	vm8 =	vmor vm8, vm13;
	vm0 =	vmand vm0, vm9  }
0x9f: {  	v58 =	vld [tilespmem:s2+$0x6];
	[tilespmem:$0x1FFF0] =	vst v33;
	vm7 =	vmor vm7, vm14;
	vm15 =	vne.s32 v53, v32;
	vm0 =	vmand vm0, vm8  }
0xa0: {  	v60 =	vld [tilespmem:$0x1FFF0];
	vm12 =	vne.s32 v54, v32;
	vm6 =	vmor vm6, vm15;
	vm0 =	vmand vm0, vm7  }
0xa1: {  	v59 =	vld [tilespmem:s2+$0x7];
	vm5 =	vmor vm5, vm12;
	vm13 =	vne.s32 v55, v32;
	vm0 =	vmand vm0, vm6  }
0xa2: {  	vm14 =	vne.s32 v56, v32;
	vm4 =	vmor vm4, vm13;
	vm0 =	vmand vm0, vm5  }
0xa3: {  	vm3 =	vmor vm3, vm14;
	vm15 =	vne.s32 v57, v32;
	vm0 =	vmand vm0, vm4  }
0xa4: {  	vm2 =	vmor vm2, vm15;
	vm0 =	vmand vm0, vm3  }
0xa5: {  	vm3 =	vne.s32 v58, v32;
	vm0 =	vmand vm0, vm2;
	vm2 =	vnez.u8 v60  }
0xa6: {  	vm2 =	vmor vm2, vm3;
	vm3 =	vne.s32 v59, v32  }
0xa7: {  	v61 =	vsub.s32 v32, v0;
	vm0 =	vmand vm0, vm2;
	vm1 =	vmor vm1, vm3  }
0xa8: {  	v33 =	vand.u32 $0xFFFFFF80, v61;
	v62 =	vand.u32 $0x7F, v32;
	vm0 =	vmand vm0, vm1  }
0xa9: {  	v32 =	vor.u32 v62, v33  }
0xaa: {  	s3 =	sadd.s32 $0x10, s3  }
0xab: {  	p2 =	seq.s32 s5, $0x1;
	v34 =	vadd.s32 s3, v14;
	v36 =	vadd.s32 s3, v15  }
.Ltmp6:
0xac: {  	v35 =	vadd.s32 s3, v16;
	v38 =	vadd.s32 s3, v11;
	v39 =	vadd.s32 s3, v12;
	(pc) =	sbr.rel @!p2 .LBB2_7-.Ltmp6, $4  }
0xad: {  	v37 =	vadd.s32 s3, v13;
	v41 =	vadd.s32 s3, v8;
	v42 =	vadd.s32 s3, v9  }
0xae: {  	s2 =	sadd.s32 $0x10, s2;
	v40 =	vadd.s32 s3, v10;
	v44 =	vadd.s32 s3, v6;
	v43 =	vadd.s32 s3, v7;
	[tilespmem:v32+s22+$0x0] =	vst.idx.msk vm0, v31  }
0xaf: {  	v47 =	vadd.s32 s3, v4;
	v45 =	vadd.s32 s3, v5;
	v63 =	vadd.s32 s3, v18;
	v46 =	vld [tilespmem:s2+$0xFFFFFFF9]  }
0xb0: {  	s5 =	sadd.s32 $0xFFFFFFFF, s5;
	v33 =	vadd.s32 s3, v17;
	vm1 =	vge.s32 v63, v30;
	v31 =	vor.u32 s3, v2;
	v32 =	vld [tilespmem:s2+$0xFFFFFFF8]  }
.LBB2_8:
0xb1: {  	v48 =	vld [tilespmem:s2+$0xFFFFFFFA]  }
0xb2: {  	v49 =	vld [tilespmem:s2+$0xFFFFFFFB]  }
0xb3: {  	v50 =	vld [tilespmem:s2+$0xFFFFFFFC]  }
0xb4: {  	v51 =	vld [tilespmem:s2+$0xFFFFFFFD]  }
0xb5: {  	vm2 =	vge.s32 v47, v30;
	vm4 =	vlt.s32 v31, v30;
	vm14 =	vge.s32 v45, v30;
	v52 =	vld [tilespmem:s2+$0xFFFFFFFE]  }
0xb6: {  	vm15 =	vge.s32 v44, v30;
	vm9 =	vge.s32 v43, v30;
	v53 =	vld [tilespmem:s2+$0xFFFFFFFF];
	vm11 =	vge.s32 v41, v30  }
0xb7: {  	v54 =	vld [tilespmem:s2+$0x0];
	vm13 =	vge.s32 v42, v30;
	vm0 =	vne.s32 v46, v32;
	vm3 =	vne.s32 v48, v32  }
0xb8: {  	v55 =	vld [tilespmem:s2+$0x1];
	vm0 =	vmor vm2, vm0;
	vm8 =	vne.s32 v49, v32;
	vm10 =	vne.s32 v50, v32  }
0xb9: {  	vm12 =	vne.s32 v51, v32;
	vm0 =	vmand vm4, vm0;
	vm2 =	vmor vm14, vm3  }
0xba: {  	v56 =	vld [tilespmem:s2+$0x2];
	vm3 =	vmor vm15, vm8;
	vm14 =	vne.s32 v52, v32;
	vm15 =	vge.s32 v40, v30  }
0xbb: {  	v57 =	vld [tilespmem:s2+$0x3];
	vm8 =	vne.s32 v53, v32;
	vm0 =	vmand vm0, vm2;
	vm2 =	vmor vm9, vm10  }
0xbc: {  	vm9 =	vge.s32 v38, v30;
	vm10 =	vne.s32 v54, v32;
	vm0 =	vmand vm0, vm3  }
0xbd: {  	v58 =	vld [tilespmem:s2+$0x4];
	vm3 =	vmor vm11, vm12;
	vm11 =	vge.s32 v39, v30;
	vm12 =	vne.s32 v55, v32  }
0xbe: {  	vm0 =	vmand vm0, vm2;
	vm2 =	vmor vm13, vm14;
	vm13 =	vge.s32 v37, v30  }
0xbf: {  	v59 =	vld [tilespmem:s2+$0x5];
	vm14 =	vne.s32 v56, v32;
	vm0 =	vmand vm0, vm3;
	vm3 =	vmor vm15, vm8  }
0xc0: {  	vm15 =	vge.s32 v34, v30;
	vm8 =	vne.s32 v57, v32;
	vm0 =	vmand vm0, vm2  }
0xc1: {  	v60 =	vld [tilespmem:s2+$0x6];
	vm2 =	vmor vm9, vm10;
	vm9 =	vge.s32 v36, v30;
	vm0 =	vmand vm0, vm3  }
0xc2: {  	v61 =	vld [tilespmem:s2+$0x7];
	vm10 =	vne.s32 v58, v32;
	vm3 =	vmor vm11, vm12;
	vm0 =	vmand vm0, vm2  }
0xc3: {  	vm11 =	vge.s32 v35, v30;
	vm2 =	vmor vm13, vm14;
	vm0 =	vmand vm0, vm3  }
0xc4: {  	vm12 =	vne.s32 v59, v32;
	vm3 =	vmor vm15, vm8;
	vm0 =	vmand vm0, vm2  }
0xc5: {  	vm13 =	vge.s32 v33, v30;
	vm2 =	vmor vm9, vm10;
	vm0 =	vmand vm0, vm3  }
0xc6: {  	vm14 =	vne.s32 v60, v32;
	vm3 =	vmor vm11, vm12;
	vm0 =	vmand vm0, vm2  }
0xc7: {  	vm15 =	vne.s32 v61, v32;
	vm2 =	vmor vm13, vm14;
	vm0 =	vmand vm0, vm3  }
0xc8: {  	v62 =	vsub.s32 v32, v0;
	vm1 =	vmor vm1, vm15;
	vm0 =	vmand vm0, vm2  }
0xc9: {  	v63 =	vand.u32 $0x7F, v32;
	v33 =	vand.u32 $0xFFFFFF80, v62;
	vm0 =	vmand vm0, vm1  }
0xca: {  	v32 =	vor.u32 v63, v33;
	_ =	sdelay $0x4  }
0xcb: {  	[tilespmem:v32+s22+$0x0] =	vst.idx.msk vm0, v31  }
.LBB2_9:
0xcc: {  	s2 =	simm.s32 $0x40;
	s3 =	simm.s32 $0x0  }
.LBB2_10:
0xcd: {  	p2 =	seq.s32 s2, $0xF5C0;
	[tilespmem:s3+$0x6080] =	vst v3;
	s3 =	smov.u32 s2;
	s2 =	sadd.s32 $0x40, s2  }
.Ltmp7:
0xce: {  	(pc) =	sbr.rel @!p2 .LBB2_10-.Ltmp7, $2  }
0xcf: {  	_ =	sdelay $0x2  }
0xd0: {  	s3 =	sshra.s32 s3, $0x2  }
.Ltmp8:
0xd1: {  	(pc) =	sbr.rel @!p1 .LBB2_14-.Ltmp8, $2  }
0xd2: {  	_ =	sdelay $0x2  }
0xd3: {  	[tilespmem:s3+$0x6080] =	vst v3  }
0xd4: {  	s2 =	simm.s32 $0xB600;
	s3 =	simm.s32 $0xF680;
	s5 =	simm.s32 $0x0  }
.LBB2_13:
0xd5: {  	v31 =	vld [tilespmem:s2+$0x0];
	_ =	sdelay $0x4  }
0xd6: {  	v32 =	vor.u32 s5, v2;
	v33 =	vsub.s32 v31, v0  }
0xd7: {  	vm0 =	vlt.s32 v32, v30;
	v31 =	vand.u32 $0x7F, v31;
	v33 =	vand.u32 $0xFFFFFF80, v33  }
0xd8: {  	v31 =	vor.u32 v31, v33;
	_ =	sdelay $0x4  }
0xd9: {  	v33 =	vld.idx.msk [tilespmem:v31+s22+$0x0], vm0;
	_ =	sdelay $0x4  }
0xda: {  	vm1 =	veq.s32 v33, v32  }
0xdb: {  	v63 =	vld [tilespmem:s3+$0x0];
	vm0 =	vmand vm0, vm1  }
0xdc: {  	p1 =	sne.s32 s0, $0x1  }
.Ltmp9:
0xdd: {  	_ = 	snop;
	(pc) =	sbr.rel @p1 .LBB2_13-.Ltmp9, $3  }
0xde: {  	_ =	sdelay $0x1  }
0xdf: {  	s2 =	sadd.s32 $0x10, s2;
	v32 =	vadd.s32 $0x1, v63  }
0xe0: {  	s3 =	sadd.s32 $0x10, s3;
	s5 =	sadd.s32 $0x10, s5;
	s0 =	sadd.s32 $0xFFFFFFFF, s0;
	[tilespmem:v31+s10+$0x0] =	vst.idx.msk vm0, v32  }
.LBB2_14:
0xe1: {  	s0 =	simm.s32 $0x0  }
0xe2: {  	v30 =	vld [tilespmem:s0+$0x6080];
	_ =	sdelay $0x4  }
0xe3: {  	vm0 =	vgt.s32 v30, $0x0  }
0xe4: {  	v31 =	vsel vm0, $0x1, v3  }
0xe5: {  	(xrf0) =	vadd.scan.msk.s32 $0xffff, v31;
	_ =	sdelay $0x5  }
0xe6: {  	v32, _, _ =	vpop (xrf0)  }
0xe7: {  	s0 =	simm.s32 $0x0;
	v33 =	vxor.u32 $0x80000000, v32  }
0xe8: {  	v31 =	vmov s0;
	(xrf0) =	vmax.scan.msk.u32 $0xffff, v33  }
0xe9: {  	v31 =	vadd.s32 $0xFFFFFFFF, v31  }
0xea: {  	v31 =	vbroadcast v31, $0x0;
	_ =	sdelay $0x1  }
0xeb: {  	v31 =	vadd.s32 v32, v31;
	_ =	sdelay $0x1  }
0xec: {  	v33, _, _ =	vpop (xrf0)  }
0xed: {  	v30 =	vadd.s32 $0xFFFFFFFF, v30;
	(v2sf) =	vpush v33, $0xF  }
0xee: {  	v63 =	vshll.u32 v30, $0x6;
	v30 =	vshra.s32 v30, $0x1  }
0xef: {  	[tilespmem:v31+s20+$0x0] =	vst.idx.msk vm0, v30;
	v30 =	vand.u32 $0x40, v63  }
0xf0: {  	s3 =	simm.s32 $0x10;
	s2 =	simm.s32 $0x80;
	[tilespmem:v31+s21+$0x0] =	vst.idx.msk vm0, v30  }
.LBB2_15:
0xf1: {  	p1 =	sne.s32 s2, $0xF5C0;
	v30 =	vld [tilespmem:s3+$0x6080];
	_ =	sdelay $0x4  }
0xf2: {  	vm0 =	vgt.s32 v30, $0x0;
	v30 =	vadd.s32 $0xFFFFFFFF, v30  }
0xf3: {  	v31 =	vsel vm0, $0x1, v3;
	v32 =	vshll.u32 v30, $0x6  }
0xf4: {  	(xrf0) =	vadd.scan.msk.s32 $0xffff, v31;
	_ =	sdelay $0x3  }
0xf5: {  	s3 =	spop (v2sf)  }
0xf6: {  	s0 =	sadd.s32 s3, s0  }
0xf7: {  	v31, _, _ =	vpop (xrf0);
	s0 =	sadd.s32 $0x80000000, s0  }
0xf8: {  	v33 =	vmov s0;
	v34 =	vxor.u32 $0x80000000, v31  }
0xf9: {  	v33 =	vadd.s32 $0xFFFFFFFF, v33;
	(xrf0) =	vmax.scan.msk.u32 $0xffff, v34  }
0xfa: {  	v33 =	vbroadcast v33, $0x0;
	_ =	sdelay $0x1  }
0xfb: {  	v31 =	vadd.s32 v31, v33;
	_ =	sdelay $0x2  }
.Ltmp10:
0xfc: {  	v33, _, _ =	vpop (xrf0);
	(pc) =	sbr.rel @p1 .LBB2_15-.Ltmp10, $4  }
0xfd: {  	v30 =	vshra.s32 v30, $0x1;
	(v2sf) =	vpush v33, $0xF  }
0xfe: {  	[tilespmem:v31+s20+$0x0] =	vst.idx.msk vm0, v30;
	v30 =	vand.u32 $0x40, v32  }
0xff: {  	[tilespmem:v31+s21+$0x0] =	vst.idx.msk vm0, v30  }
0x100: {  	s3 =	sshra.s32 s2, $0x2;
	s2 =	sadd.s32 $0x40, s2  }
0x101: {  	v30 =	vld [tilespmem:s3+$0x6080];
	_ =	sdelay $0x4  }
0x102: {  	vm0 =	vgt.s32 v30, $0x0  }
0x103: {  	v31 =	vsel vm0, $0x1, v3  }
0x104: {  	(xrf0) =	vadd.scan.msk.s32 $0xffff, v31;
	_ =	sdelay $0x5  }
0x105: {  	v31, _, _ =	vpop (xrf0)  }
0x106: {  	v32 =	vxor.u32 $0x80000000, v31  }
0x107: {  	(xrf0) =	vmax.scan.msk.u32 $0xffff, v32;
	_ =	sdelay $0x5  }
0x108: {  	v32, _, _ =	vpop (xrf0)  }
0x109: {  	(v2sf) =	vpush v32, $0xF;
	_ =	sdelay $0x9  }
0x10a: {  	s2 =	spop (v2sf)  }
0x10b: {  	s0 =	sadd.s32 s2, s0  }
0x10c: {  	s0 =	sadd.s32 $0x80000000, s0  }
0x10d: {  	v62 =	vmov s0  }
0x10e: {  	v32 =	vadd.s32 $0xFFFFFFFF, v62  }
0x10f: {  	v32 =	vbroadcast v32, $0x0;
	s23 =	spop (v2sf)  }
0x110: {  	s0 =	sadd.s32 s23, s0  }
0x111: {  	v31 =	vadd.s32 v31, v32;
	s0 =	sadd.s32 $0x80000000, s0  }
0x112: {  	s29 =	sadd.s32 $0x7F, s0  }
0x113: {  	s30 =	sand.u32 $0x7F, s29  }
0x114: {  	v30 =	vadd.s32 $0xFFFFFFFF, v30;
	s31 =	sshra.s32 s29, $0x1F;
	p2 =	slt.s32 s29, $0x1;
	p1 =	sne.s32 s30, $0x0  }
0x115: {  	v63 =	vshll.u32 v30, $0x6;
	v30 =	vshra.s32 v30, $0x1;
	s3 =	sshrl.u32 s31, $0x19;
	p1 =	por !p2, !p1  }
0x116: {  	[tilespmem:v31+s20+$0x0] =	vst.idx.msk vm0, v30;
	v30 =	vand.u32 $0x40, v63;
	s2 =	sadd.s32 s3, s29;
	s3 =	simm.s32 $0x1;
	p1 =	por !p1, !p1  }
0x117: {  	[tilespmem:v31+s21+$0x0] =	vst.idx.msk vm0, v30;
	s2 =	sshra.s32 s2, $0x7;
	s3 =	simm.s32 @!p1 $0x0  }
0x118: {  	[tilespmem:s0+$0xB600] =	vst v3;
	s3 =	ssub.s32 s2, s3  }
0x119: {  	[tilespmem:s0+$0xB610] =	vst v3;
	p1 =	sgt.s32 s3, $0x0;
	s2 =	smov.u32 s3  }
0x11a: {  	[tilespmem:s0+$0xB620] =	vst v3;
	s2 =	simm.s32 @!p1 $0x0;
	p1 =	slt.s32 s3, $0x1  }
.Ltmp11:
0x11b: {  	[tilespmem:s0+$0xB630] =	vst v3;
	(pc) =	sbr.rel @p1 .LBB2_19-.Ltmp11, $4  }
0x11c: {  	[tilespmem:s0+$0xB640] =	vst v3  }
0x11d: {  	[tilespmem:s0+$0xB650] =	vst v3  }
0x11e: {  	[tilespmem:s0+$0xB660] =	vst v3  }
0x11f: {  	[tilespmem:s0+$0xB670] =	vst v3;
	s9 =	smin.u32 s2, $0x2  }
0x120: {  	p1 =	sne.s32 s9, $0x1  }
.Ltmp12:
0x121: {  	_ = 	snop;
	(pc) =	sbr.rel @!p1 .LBB2_19-.Ltmp12, $4  }
0x122: {  	_ = 	snop  }
0x123: {  	s0 =	simm.s32 $0x1  }
0x124: {  	s2 =	simm.s32 $0x13700;
	s5 =	simm.s32 $0xB600;
	s6 =	sadd.s32 $0xFFFFFFFF, s9  }
0x125: {  	[tilespmem:s2], [sflag:s0] =	stream.indirect.gather [hbm4b:s4+s25], $0x80, s5, s25, $0xb8;
	[tilespmem:$0x1F480] =	vst v63  }
.LBB2_18:
0x126: {  	p1 =	sne.s32 s6, $0x1  }
.Ltmp13:
0x127: {  	_ = 	snop;
	(pc) =	sbr.rel @p1 .LBB2_18-.Ltmp13, $4  }
0x128: {  	_ = 	snop  }
0x129: {  	s0 =	sadd.s32 $0x1, s0;
	s2 =	sadd.s32 $0x4000, s2;
	s5 =	sadd.s32 $0x80, s5  }
0x12a: {  	s6 =	sadd.s32 $0xFFFFFFFF, s6  }
0x12b: {  	[tilespmem:s2], [sflag:s0] =	stream.indirect.gather [hbm4b:s4+s25], $0x80, s5, s25, $0xb8;
	[tilespmem:$0x1F480] =	vst v63  }
.LBB2_19:
.Ltmp14:
0x12c: {  	(pc) =	sbr.rel .LBB2_20-.Ltmp14, $3  }
0x12d: {  	_ =	sdelay $0x1  }
0x12e: {  	s30 =	simm.s32 $0x0  }
0x12f: {  	s2 =	simm.s32 $0x0;
	s31 =	simm.s32 $0x0;
	s5 =	simm.s32 $0x0  }
.LBB2_30:
0x130: {  	_ = 	snop  }
.LBB2_35:
0x131: {  	_ =	sdelay $0x3  }
0x132: {  	[tilespmem:v33+s11+$0x0] =	vst.idx.msk @p3 $0xffff, v32  }
0x133: {  	v31 =	vld.idx.msk [tilespmem:v31+s21+$0x0], $0xffff;
	_ =	sdelay $0x2  }
0x134: {  	v56 =	vmov s29;
	_ =	sdelay $0x1  }
0x135: {  	v57 =	vadd.s32 v2, v31  }
0x136: {  	v30 =	vand.u32 $0x7F80, v30;
	v34 =	vand.u32 $0xFFFFFF80, v57  }
0x137: {  	v33 =	vand.u32 $0x7F, v57;
	v34 =	vadd.s32 v30, v34  }
0x138: {  	v32 =	vld.idx.msk [tilespmem:v56+s24+$0x0], $0xffff;
	v33 =	vor.u32 v33, v34;
	_ =	sdelay $0x2  }
0x139: {  	v58 =	vadd.s32 v19, v31  }
0x13a: {  	v35 =	vand.u32 $0xFFFFFF80, v58  }
0x13b: {  	v35 =	vadd.s32 v30, v35;
	v34 =	vand.u32 $0x7F, v58;
	v36 =	vadd.s32 v23, v32;
	v33 =	vld.idx.msk [tilespmem:v33+s26+$0x0], $0xffff  }
0x13c: {  	v34 =	vor.u32 v34, v35;
	_ =	sdelay $0x2  }
0x13d: {  	v59 =	vadd.s32 v20, v31  }
0x13e: {  	v37 =	vand.u32 $0xFFFFFF80, v59;
	[tilespmem:v36+s11+$0x0] =	vst.idx.msk $0xffff, v33  }
0x13f: {  	v60 =	vadd.s32 v30, v37;
	v61 =	vadd.s32 v27, v32;
	v35 =	vand.u32 $0x7F, v59;
	v34 =	vld.idx.msk [tilespmem:v34+s26+$0x0], $0xffff  }
0x140: {  	v33 =	vor.u32 v35, v60;
	_ =	sdelay $0x2  }
0x141: {  	v31 =	vadd.s32 v21, v31  }
0x142: {  	v62 =	vand.u32 $0xFFFFFF80, v31;
	[tilespmem:v61+s11+$0x0] =	vst.idx.msk $0xffff, v34  }
0x143: {  	v31 =	vand.u32 $0x7F, v31;
	v30 =	vadd.s32 v30, v62;
	v63 =	vadd.s32 v28, v32;
	v33 =	vld.idx.msk [tilespmem:v33+s26+$0x0], $0xffff  }
0x144: {  	v30 =	vor.u32 v31, v30;
	_ =	sdelay $0x3  }
0x145: {  	[tilespmem:v63+s11+$0x0] =	vst.idx.msk $0xffff, v33  }
0x146: {  	v31 =	vadd.s32 v29, v32;
	v30 =	vld.idx.msk [tilespmem:v30+s26+$0x0], $0xffff;
	_ =	sdelay $0x4  }
0x147: {  	[tilespmem:v31+s11+$0x0] =	vst.idx.msk $0xffff, v30  }
.LBB2_36:
0x148: {  	s9 =	sshll.u32 s5, $0x7  }
0x149: {  	s12 =	sadd.s32 $0x6, s2;
	s9 =	sadd.s32 s15, s9  }
0x14a: {  	[hbm4b:s9+s14] =	stream.strided.scatter [tilespmem:s11], [sflag:s12], $0x2000, s16, s14, $0x38;
	[tilespmem:$0x1F480] =	vst v63  }
0x14b: {  	s9 =	sadd.s32 $0x2, s5  }
0x14c: {  	p3 =	sgt.s32 s2, $0x0;
	s11 =	simm.s32 $0xFFFFFFFF;
	p4 =	sge.u32 s9, s7  }
0x14d: {  	s11 =	simm.s32 @!p3 $0x2;
	p3 =	seq.s32 @!p4 s5, $0x0  }
0x14e: {  	s11 =	sadd.s32 s2, s11;
	p5 =	por p3, p4  }
0x14f: {  	s12 =	sadd.s32 @!p5 $0x6, s11  }
0x150: {  	_ =	swait.ge @!p5 [sflag:s12], $0x2000  }
0x151: {  	s9 =	sshll.u32 @!p4 s9, $0x7;
	s23 =	simm.s32 @!p4 $0x400;
	[sflag:s12] =	ssyncset.done @!p5 $0x0  }
0x152: {  	s29 =	simm.s32 @!p4 $0x3D0C00;
	[sflag:s12] =	ssyncadd.s32 @!p5 $0xFFFFE000;
	s12 =	sshll.u32 @!p4 s11, $0xF  }
0x153: {  	s9 =	sadd.s32 @!p4 s8, s9;
	s11 =	sadd.s32 @!p4 $0x3, s11;
	s12 =	sshra.s32 @!p4 s12, $0x2  }
0x154: {  	[tilespmem:s12], [sflag:s11] =	stream.strided.gather @!p4 [hbm4b:s9+s23], $0x2000, s29, s23, $0x38;
	[tilespmem:$0x1F480] =	vst v63  }
0x155: {  	s5 =	sadd.s32 $0x1, s5;
	p4 =	sgt.s32 s6, s30  }
0x156: {  	s30 =	smov.u32 @p4 s6;
	p4 =	slt.u32 s5, s7  }
.Ltmp15:
0x157: {  	_ = 	snop;
	(pc) =	sbr.rel @!p4 .LBB2_37-.Ltmp15, $4  }
0x158: {  	_ = 	snop  }
0x159: {  	p3 =	sgt.s32 s10, s0  }
0x15a: {  	p5 =	seq.s32 s2, $0x2;
	s2 =	sadd.s32 $0x1, s2;
	s9 =	smov.u32 s0  }
0x15b: {  	s31 =	smov.u32 s17;
	s2 =	simm.s32 @p5 $0x0;
	s9 =	smov.u32 @p3 s10  }
.LBB2_20:
0x15c: {  	s0 =	sshll.u32 s5, $0x9  }
0x15d: {  	s0 =	sshra.s32 s0, $0x2  }
0x15e: {  	v30 =	vld [tilespmem:s0+$0x6080];
	_ =	sdelay $0x4  }
0x15f: {  	vm0 =	vgt.s32 v30, $0x0  }
0x160: {  	v30 =	vsel vm0, $0x1, v3  }
0x161: {  	(xrf0) =	vadd.scan.msk.s32 $0xffff, v30;
	_ =	sdelay $0x5  }
0x162: {  	v30, _, _ =	vpop (xrf0)  }
0x163: {  	v31 =	vadd.s32 $0xFFFFFFFF, v30  }
0x164: {  	v30 =	vxor.u32 $0x80000000, v30  }
0x165: {  	(xrf0) =	vmax.scan.msk.u32 $0xffff, v30;
	_ =	sdelay $0x2  }
0x166: {  	[tilespmem:v31+s24+$0x0] =	vst.idx.msk vm0, v2  }
0x167: {  	v30 =	vld [tilespmem:s0+$0x6090];
	_ =	sdelay $0x1  }
0x168: {  	v31, _, _ =	vpop (xrf0)  }
0x169: {  	(v2sf) =	vpush v31, $0xF;
	_ =	sdelay $0x1  }
0x16a: {  	vm9 =	vgt.s32 v30, $0x0  }
0x16b: {  	v30 =	vsel vm9, $0x1, v3  }
0x16c: {  	(xrf0) =	vadd.scan.msk.s32 $0xffff, v30;
	_ =	sdelay $0x5  }
0x16d: {  	v30, _, _ =	vpop (xrf0)  }
0x16e: {  	v31 =	vxor.u32 $0x80000000, v30  }
0x16f: {  	(xrf0) =	vmax.scan.msk.u32 $0xffff, v31;
	_ =	sdelay $0x2  }
0x170: {  	s6 =	spop (v2sf)  }
0x171: {  	s6 =	sxor.u32 $0x80000000, s6  }
0x172: {  	v31 =	vmov s6  }
0x173: {  	v31 =	vadd.s32 $0xFFFFFFFF, v31;
	v32, _, _ =	vpop (xrf0)  }
0x174: {  	v31 =	vbroadcast v31, $0x0;
	(v2sf) =	vpush v32, $0xF;
	_ =	sdelay $0x1  }
0x175: {  	v30 =	vadd.s32 v30, v31;
	_ =	sdelay $0x4  }
0x176: {  	[tilespmem:v30+s24+$0x0] =	vst.idx.msk vm9, v19  }
0x177: {  	v30 =	vld [tilespmem:s0+$0x60A0];
	_ =	sdelay $0x4  }
0x178: {  	vm10 =	vgt.s32 v30, $0x0  }
0x179: {  	v30 =	vsel vm10, $0x1, v3  }
0x17a: {  	(xrf0) =	vadd.scan.msk.s32 $0xffff, v30;
	s10 =	spop (v2sf)  }
0x17b: {  	s6 =	sadd.s32 s10, s6  }
0x17c: {  	s6 =	sadd.s32 $0x80000000, s6  }
0x17d: {  	v30 =	vmov s6  }
0x17e: {  	v30 =	vadd.s32 $0xFFFFFFFF, v30  }
0x17f: {  	v30 =	vbroadcast v30, $0x0  }
0x180: {  	v31, _, _ =	vpop (xrf0)  }
0x181: {  	v30 =	vadd.s32 v31, v30;
	v31 =	vxor.u32 $0x80000000, v31  }
0x182: {  	(xrf0) =	vmax.scan.msk.u32 $0xffff, v31;
	_ =	sdelay $0x3  }
0x183: {  	[tilespmem:v30+s24+$0x0] =	vst.idx.msk vm10, v20  }
0x184: {  	v30 =	vld [tilespmem:s0+$0x60B0]  }
0x185: {  	v31, _, _ =	vpop (xrf0)  }
0x186: {  	(v2sf) =	vpush v31, $0xF;
	_ =	sdelay $0x2  }
0x187: {  	vm11 =	vgt.s32 v30, $0x0  }
0x188: {  	v30 =	vsel vm11, $0x1, v3  }
0x189: {  	(xrf0) =	vadd.scan.msk.s32 $0xffff, v30;
	_ =	sdelay $0x5  }
0x18a: {  	v30, _, _ =	vpop (xrf0)  }
0x18b: {  	v31 =	vxor.u32 $0x80000000, v30  }
0x18c: {  	(xrf0) =	vmax.scan.msk.u32 $0xffff, v31;
	_ =	sdelay $0x1  }
0x18d: {  	s23 =	spop (v2sf)  }
0x18e: {  	s6 =	sadd.s32 s23, s6  }
0x18f: {  	s6 =	sadd.s32 $0x80000000, s6  }
0x190: {  	v31 =	vmov s6  }
0x191: {  	v31 =	vadd.s32 $0xFFFFFFFF, v31;
	v62, _, _ =	vpop (xrf0)  }
0x192: {  	v31 =	vbroadcast v31, $0x0;
	(v2sf) =	vpush v62, $0xF;
	_ =	sdelay $0x1  }
0x193: {  	v30 =	vadd.s32 v30, v31;
	_ =	sdelay $0x4  }
0x194: {  	[tilespmem:v30+s24+$0x0] =	vst.idx.msk vm11, v21  }
0x195: {  	v30 =	vld [tilespmem:s0+$0x60C0];
	_ =	sdelay $0x4  }
0x196: {  	vm12 =	vgt.s32 v30, $0x0  }
0x197: {  	v30 =	vsel vm12, $0x1, v3  }
0x198: {  	s29 =	spop (v2sf);
	(xrf0) =	vadd.scan.msk.s32 $0xffff, v30  }
0x199: {  	s6 =	sadd.s32 s29, s6  }
0x19a: {  	s6 =	sadd.s32 $0x80000000, s6  }
0x19b: {  	v30 =	vmov s6  }
0x19c: {  	v30 =	vadd.s32 $0xFFFFFFFF, v30  }
0x19d: {  	v30 =	vbroadcast v30, $0x0  }
0x19e: {  	v31, _, _ =	vpop (xrf0)  }
0x19f: {  	v30 =	vadd.s32 v31, v30;
	v31 =	vxor.u32 $0x80000000, v31  }
0x1a0: {  	(xrf0) =	vmax.scan.msk.u32 $0xffff, v31;
	_ =	sdelay $0x3  }
0x1a1: {  	[tilespmem:v30+s24+$0x0] =	vst.idx.msk vm12, v22  }
0x1a2: {  	v30 =	vld [tilespmem:s0+$0x60D0]  }
0x1a3: {  	v31, _, _ =	vpop (xrf0)  }
0x1a4: {  	(v2sf) =	vpush v31, $0xF;
	_ =	sdelay $0x2  }
0x1a5: {  	vm13 =	vgt.s32 v30, $0x0  }
0x1a6: {  	v30 =	vsel vm13, $0x1, v3  }
0x1a7: {  	(xrf0) =	vadd.scan.msk.s32 $0xffff, v30;
	_ =	sdelay $0x5  }
0x1a8: {  	v30, _, _ =	vpop (xrf0)  }
0x1a9: {  	v31 =	vxor.u32 $0x80000000, v30  }
0x1aa: {  	(xrf0) =	vmax.scan.msk.u32 $0xffff, v31;
	_ =	sdelay $0x1  }
0x1ab: {  	s11 =	spop (v2sf)  }
0x1ac: {  	s6 =	sadd.s32 s11, s6  }
0x1ad: {  	s6 =	sadd.s32 $0x80000000, s6  }
0x1ae: {  	v31 =	vmov s6  }
0x1af: {  	v31 =	vadd.s32 $0xFFFFFFFF, v31;
	v63, _, _ =	vpop (xrf0)  }
0x1b0: {  	(v2sf) =	vpush v63, $0xF;
	v31 =	vbroadcast v31, $0x0;
	_ =	sdelay $0x1  }
0x1b1: {  	v30 =	vadd.s32 v30, v31;
	_ =	sdelay $0x4  }
0x1b2: {  	[tilespmem:v30+s24+$0x0] =	vst.idx.msk vm13, v24  }
0x1b3: {  	v30 =	vld [tilespmem:s0+$0x60E0];
	_ =	sdelay $0x4  }
0x1b4: {  	vm14 =	vgt.s32 v30, $0x0  }
0x1b5: {  	v30 =	vsel vm14, $0x1, v3  }
0x1b6: {  	s12 =	spop (v2sf);
	(xrf0) =	vadd.scan.msk.s32 $0xffff, v30  }
0x1b7: {  	s6 =	sadd.s32 s12, s6  }
0x1b8: {  	s6 =	sadd.s32 $0x80000000, s6  }
0x1b9: {  	v30 =	vmov s6  }
0x1ba: {  	v30 =	vadd.s32 $0xFFFFFFFF, v30  }
0x1bb: {  	v30 =	vbroadcast v30, $0x0  }
0x1bc: {  	v31, _, _ =	vpop (xrf0)  }
0x1bd: {  	v30 =	vadd.s32 v31, v30;
	_ =	sdelay $0x4  }
0x1be: {  	[tilespmem:v30+s24+$0x0] =	vst.idx.msk vm14, v25  }
0x1bf: {  	v30 =	vld [tilespmem:s0+$0x60F0];
	_ =	sdelay $0x1  }
0x1c0: {  	v31 =	vxor.u32 $0x80000000, v31  }
0x1c1: {  	(xrf0) =	vmax.scan.msk.u32 $0xffff, v31;
	_ =	sdelay $0x1  }
0x1c2: {  	vm15 =	vgt.s32 v30, $0x0  }
0x1c3: {  	v30 =	vsel vm15, $0x1, v3;
	_ =	sdelay $0x2  }
0x1c4: {  	(xrf0) =	vadd.scan.msk.s32 $0xffff, v30;
	v30, _, _ =	vpop (xrf0)  }
0x1c5: {  	(v2sf) =	vpush v30, $0xF;
	_ =	sdelay $0x4  }
0x1c6: {  	v30, _, _ =	vpop (xrf0)  }
0x1c7: {  	v31 =	vxor.u32 $0x80000000, v30  }
0x1c8: {  	(xrf0) =	vmax.scan.msk.u32 $0xffff, v31;
	_ =	sdelay $0x5  }
0x1c9: {  	s17 =	sand.u32 $0x7F, s31;
	v31, _, _ =	vpop (xrf0)  }
0x1ca: {  	p1 =	slt.s32 s31, $0x1;
	p2 =	sne.s32 s17, $0x0;
	(v2sf) =	vpush v31, $0xF  }
0x1cb: {  	p1 =	por !p1, !p2;
	s23 =	sshra.s32 s31, $0x1F;
	s13 =	spop (v2sf)  }
0x1cc: {  	p1 =	por !p1, !p1;
	s29 =	sshrl.u32 s23, $0x19;
	s0 =	sadd.s32 s13, s6  }
0x1cd: {  	s6 =	simm.s32 $0x1;
	s11 =	sadd.s32 $0x80000000, s0;
	s0 =	sadd.s32 s29, s31  }
0x1ce: {  	s6 =	simm.s32 @!p1 $0x0;
	s0 =	sshra.s32 s0, $0x7  }
0x1cf: {  	s0 =	ssub.s32 s0, s6  }
0x1d0: {  	v31 =	vmov s11;
	s6 =	sadd.s32 $0x2, s0  }
0x1d1: {  	v31 =	vadd.s32 $0xFFFFFFFF, v31;
	s0 =	smov.u32 s3;
	p1 =	slt.s32 s6, s3  }
0x1d2: {  	v31 =	vbroadcast v31, $0x0;
	s0 =	smov.u32 @p1 s6  }
0x1d3: {  	s6 =	ssub.s32 s0, s9  }
0x1d4: {  	v30 =	vadd.s32 v30, v31;
	p1 =	slt.s32 s6, $0x1  }
.Ltmp16:
0x1d5: {  	_ = 	snop;
	(pc) =	sbr.rel @p1 .LBB2_24-.Ltmp16, $2  }
0x1d6: {  	_ =	sdelay $0x2  }
0x1d7: {  	s10 =	smov.u32 s9;
	s6 =	smov.u32 s30;
	[tilespmem:v30+s24+$0x0] =	vst.idx.msk vm15, v26;
	s9 =	spop (v2sf)  }
0x1d8: {  	s12 =	sshll.u32 s10, $0x9  }
0x1d9: {  	s13 =	sshra.s32 s12, $0x2;
	s12 =	sadd.s32 $0x1, s10  }
0x1da: {  	p1 =	sne.s32 s0, s12  }
.Ltmp17:
0x1db: {  	_ = 	snop;
	(pc) =	sbr.rel @!p1 .LBB2_23-.Ltmp17, $4  }
0x1dc: {  	_ = 	snop  }
0x1dd: {  	s17 =	sand.u32 $0x1, s10  }
0x1de: {  	s29 =	sshll.u32 s17, $0xE;
	s13 =	sadd.s32 $0xB600, s13  }
0x1df: {  	s30 =	sadd.s32 $0x1, s17;
	s29 =	sor.u32 $0x13700, s29;
	s17 =	sadd.s32 $0x80, s13  }
.LBB2_22:
0x1e0: {  	[tilespmem:s29], [sflag:s30] =	stream.indirect.gather [hbm4b:s4+s25], $0x80, s13, s25, $0xb8;
	[tilespmem:$0x1F480] =	vst v63  }
0x1e1: {  	s29 =	smov.u32 s12;
	s12 =	sadd.s32 $0x1, s12  }
0x1e2: {  	p1 =	sne.s32 s0, s12  }
.Ltmp18:
0x1e3: {  	(pc) =	sbr.rel @p1 .LBB2_22-.Ltmp18, $4  }
0x1e4: {  	s13 =	smov.u32 s17  }
0x1e5: {  	s30 =	sand.u32 $0x1, s29  }
0x1e6: {  	s29 =	sshll.u32 s30, $0xE  }
0x1e7: {  	s17 =	sadd.s32 $0x80, s17;
	s30 =	sadd.s32 $0x1, s30;
	s29 =	sor.u32 $0x13700, s29  }
.LBB2_23:
0x1e8: {  	[tilespmem:s29], [sflag:s30] =	stream.indirect.gather [hbm4b:s4+s25], $0x80, s13, s25, $0xb8;
	[tilespmem:$0x1F480] =	vst v63  }
.LBB2_24:
0x1e9: {  	s9 =	sadd.s32 s9, s11  }
0x1ea: {  	s9 =	sadd.s32 $0x80000000, s9  }
0x1eb: {  	s17 =	sadd.s32 s31, s9  }
0x1ec: {  	s29 =	sadd.s32 $0x7F, s17  }
0x1ed: {  	s12 =	sand.u32 $0x7F, s29  }
0x1ee: {  	s13 =	sshra.s32 s29, $0x1F;
	p1 =	slt.s32 s29, $0x1;
	p2 =	sne.s32 s12, $0x0  }
0x1ef: {  	s13 =	sshrl.u32 s13, $0x19;
	p3 =	por !p1, !p2  }
0x1f0: {  	s12 =	simm.s32 $0x1;
	s11 =	sadd.s32 s13, s29;
	p3 =	por !p3, !p3  }
0x1f1: {  	s13 =	sshra.s32 s11, $0x7;
	s12 =	simm.s32 @!p3 $0x0  }
0x1f2: {  	s11 =	ssub.s32 s13, s12  }
0x1f3: {  	s30 =	smov.u32 s3;
	p3 =	slt.s32 s11, s3  }
0x1f4: {  	s30 =	smov.u32 @p3 s11  }
0x1f5: {  	s29 =	ssub.s32 s30, s6  }
0x1f6: {  	p3 =	slt.s32 s29, $0x1  }
.Ltmp19:
0x1f7: {  	_ = 	snop;
	(pc) =	sbr.rel @p3 .LBB2_28-.Ltmp19, $4  }
0x1f8: {  	s23 =	sadd.s32 $0x3, s2  }
0x1f9: {  	_ =	swait.ge [sflag:s23], $0x2000  }
0x1fa: {  	[sflag:s23] =	ssyncset.done $0x0  }
0x1fb: {  	[sflag:s23] =	ssyncadd.s32 $0xFFFFE000  }
0x1fc: {  	s11 =	sadd.s32 $0x1, s6  }
0x1fd: {  	p3 =	sne.s32 s30, s11  }
.Ltmp20:
0x1fe: {  	_ = 	snop;
	(pc) =	sbr.rel @!p3 .LBB2_27-.Ltmp20, $4  }
0x1ff: {  	s12 =	sand.u32 $0x1, s6  }
0x200: {  	s12 =	sadd.s32 $0x1, s12  }
0x201: {  	_ =	swait.ge [sflag:s12], $0x4000  }
0x202: {  	[sflag:s12] =	ssyncset.done $0x0  }
.LBB2_26:
0x203: {  	[sflag:s12] =	ssyncadd.s32 $0xFFFFC000;
	s12 =	smov.u32 s11;
	s11 =	sadd.s32 $0x1, s11  }
0x204: {  	p3 =	sne.s32 s30, s11  }
.Ltmp21:
0x205: {  	(pc) =	sbr.rel @p3 .LBB2_26-.Ltmp21, $4  }
0x206: {  	s12 =	sand.u32 $0x1, s12  }
0x207: {  	s12 =	sadd.s32 $0x1, s12  }
0x208: {  	_ =	swait.ge [sflag:s12], $0x4000  }
0x209: {  	[sflag:s12] =	ssyncset.done $0x0  }
.LBB2_27:
0x20a: {  	[sflag:s12] =	ssyncadd.s32 $0xFFFFC000  }
.LBB2_28:
0x20b: {  	p3 =	slt.s32 s9, $0x1  }
.Ltmp22:
0x20c: {  	_ = 	snop;
	(pc) =	sbr.rel @p3 .LBB2_36-.Ltmp22, $3  }
0x20d: {  	_ =	sdelay $0x1  }
0x20e: {  	s11 =	sshll.u32 s2, $0xF  }
0x20f: {  	s29 =	simm.s32 $0x0;
	s11 =	sshra.s32 s11, $0x2  }
0x210: {  	p4 =	sgt.s32 s9, $0x1  }
.Ltmp23:
0x211: {  	_ = 	snop;
	(pc) =	sbr.rel @!p4 .LBB2_30-.Ltmp23, $4  }
0x212: {  	_ = 	snop  }
0x213: {  	s12 =	sadd.s32 $0x0, s31  }
0x214: {  	v31 =	vmov s12  }
0x215: {  	p3 =	por $0x0, $0x0;
	s12 =	simm.s32 $0x1;
	v30 =	vshll.u32 v31, $0x7  }
0x216: {  	_ =	sdelay $0x3  }
0x217: {  	v31 =	vld.idx.msk [tilespmem:v31+s21+$0x0], $0xffff;
	_ =	sdelay $0x2  }
0x218: {  	v32 =	vmov s29;
	_ =	sdelay $0x1  }
0x219: {  	v33 =	vadd.s32 v2, v31  }
0x21a: {  	v30 =	vand.u32 $0x7F80, v30;
	v34 =	vand.u32 $0xFFFFFF80, v33  }
0x21b: {  	v33 =	vand.u32 $0x7F, v33;
	v34 =	vadd.s32 v30, v34  }
0x21c: {  	v35 =	vld.idx.msk [tilespmem:v32+s24+$0x0], $0xffff;
	v56 =	vor.u32 v33, v34;
	_ =	sdelay $0x2  }
0x21d: {  	v57 =	vadd.s32 v19, v31  }
0x21e: {  	v58 =	vand.u32 $0xFFFFFF80, v57  }
0x21f: {  	v34 =	vadd.s32 v30, v58;
	v33 =	vand.u32 $0x7F, v57;
	v36 =	vadd.s32 v23, v35;
	v32 =	vld.idx.msk [tilespmem:v56+s26+$0x0], $0xffff  }
0x220: {  	v33 =	vor.u32 v33, v34;
	_ =	sdelay $0x2  }
0x221: {  	v59 =	vadd.s32 v20, v31  }
0x222: {  	v37 =	vand.u32 $0xFFFFFF80, v59;
	[tilespmem:v36+s11+$0x0] =	vst.idx.msk $0xffff, v32  }
0x223: {  	v60 =	vadd.s32 v30, v37;
	v34 =	vand.u32 $0x7F, v59;
	v61 =	vadd.s32 v27, v35;
	v33 =	vld.idx.msk [tilespmem:v33+s26+$0x0], $0xffff  }
0x224: {  	v32 =	vor.u32 v34, v60;
	_ =	sdelay $0x2  }
0x225: {  	v31 =	vadd.s32 v21, v31  }
0x226: {  	v62 =	vand.u32 $0xFFFFFF80, v31;
	[tilespmem:v61+s11+$0x0] =	vst.idx.msk $0xffff, v33  }
0x227: {  	v31 =	vand.u32 $0x7F, v31;
	v30 =	vadd.s32 v30, v62;
	v63 =	vadd.s32 v28, v35;
	v32 =	vld.idx.msk [tilespmem:v32+s26+$0x0], $0xffff  }
0x228: {  	v30 =	vor.u32 v31, v30;
	_ =	sdelay $0x1  }
0x229: {  	p4 =	sgt.s32 s9, $0x2  }
.Ltmp24:
0x22a: {  	_ = 	snop;
	(pc) =	sbr.rel @!p4 .LBB2_32-.Ltmp24, $4  }
0x22b: {  	[tilespmem:v63+s11+$0x0] =	vst.idx.msk $0xffff, v32  }
0x22c: {  	s29 =	sadd.s32 $0x1, s31;
	v33 =	vadd.s32 v29, v35;
	v32 =	vld.idx.msk [tilespmem:v30+s26+$0x0], $0xffff  }
0x22d: {  	v31 =	vmov s29  }
0x22e: {  	p3 =	por $0x1, $0x1;
	s29 =	simm.s32 $0x2;
	v30 =	vshll.u32 v31, $0x7  }
.LBB2_33:
0x22f: {  	_ =	sdelay $0x1  }
0x230: {  	s23 =	smov.u32 s29;
	s29 =	sadd.s32 $0x1, s29;
	[tilespmem:v33+s11+$0x0] =	vst.idx.msk $0xffff, v32  }
0x231: {  	p4 =	slt.s32 s29, s9;
	v31 =	vld.idx.msk [tilespmem:v31+s21+$0x0], $0xffff;
	_ =	sdelay $0x3  }
0x232: {  	v32 =	vmov s12;
	s12 =	smov.u32 s23;
	_ =	sdelay $0x1  }
0x233: {  	v33 =	vadd.s32 v2, v31;
	v34 =	vadd.s32 v19, v31;
	v35 =	vadd.s32 v20, v31  }
0x234: {  	v30 =	vand.u32 $0x7F80, v30;
	v36 =	vand.u32 $0xFFFFFF80, v33;
	v37 =	vand.u32 $0xFFFFFF80, v34  }
0x235: {  	v33 =	vand.u32 $0x7F, v33;
	v36 =	vadd.s32 v30, v36;
	v37 =	vadd.s32 v30, v37  }
0x236: {  	v31 =	vadd.s32 v21, v31;
	v38 =	vld.idx.msk [tilespmem:v32+s24+$0x0], $0xffff;
	v32 =	vor.u32 v33, v36;
	v33 =	vand.u32 $0xFFFFFF80, v35  }
0x237: {  	v36 =	vand.u32 $0xFFFFFF80, v31;
	v33 =	vadd.s32 v30, v33  }
0x238: {  	v30 =	vadd.s32 v30, v36;
	_ =	sdelay $0x2  }
0x239: {  	v32 =	vld.idx.msk [tilespmem:v32+s26+$0x0], $0xffff  }
0x23a: {  	v34 =	vand.u32 $0x7F, v34;
	v36 =	vadd.s32 v23, v38  }
0x23b: {  	v34 =	vor.u32 v34, v37;
	_ =	sdelay $0x3  }
0x23c: {  	[tilespmem:v36+s11+$0x0] =	vst.idx.msk $0xffff, v32  }
0x23d: {  	v32 =	vld.idx.msk [tilespmem:v34+s26+$0x0], $0xffff  }
0x23e: {  	v35 =	vand.u32 $0x7F, v35;
	v34 =	vadd.s32 v27, v38  }
0x23f: {  	v33 =	vor.u32 v35, v33;
	_ =	sdelay $0x3  }
0x240: {  	[tilespmem:v34+s11+$0x0] =	vst.idx.msk $0xffff, v32  }
0x241: {  	v32 =	vld.idx.msk [tilespmem:v33+s26+$0x0], $0xffff  }
0x242: {  	v31 =	vand.u32 $0x7F, v31;
	v33 =	vadd.s32 v28, v38  }
0x243: {  	v30 =	vor.u32 v31, v30;
	_ =	sdelay $0x3  }
.Ltmp25:
0x244: {  	[tilespmem:v33+s11+$0x0] =	vst.idx.msk $0xffff, v32;
	(pc) =	sbr.rel @p4 .LBB2_33-.Ltmp25, $4  }
0x245: {  	v32 =	vld.idx.msk [tilespmem:v30+s26+$0x0], $0xffff  }
0x246: {  	s23 =	sadd.s32 s31, s12;
	v33 =	vadd.s32 v29, v38  }
0x247: {  	v31 =	vmov s23  }
0x248: {  	v30 =	vshll.u32 v31, $0x7  }
.Ltmp26:
0x249: {  	(pc) =	sbr.rel .LBB2_35-.Ltmp26, $2  }
0x24a: {  	_ =	sdelay $0x2  }
0x24b: {  	s29 =	smov.u32 s12  }
.LBB2_32:
.Ltmp27:
0x24c: {  	(pc) =	sbr.rel .LBB2_35-.Ltmp27, $2  }
0x24d: {  	_ =	sdelay $0x2  }
0x24e: {  	s29 =	simm.s32 $0x1  }
.LBB2_37:
0x24f: {  	s2 =	rddreg [dreg:$0x8]  }
0x250: {  	_ =	swait.ge [sflag:s2], $0x2000  }
0x251: {  	[sflag:s2] =	ssyncset.done $0x0  }
0x252: {  	s29 =	rddreg [dreg:$0x9];
	[sflag:s2] =	ssyncadd.s32 $0xFFFFE000  }
0x253: {  	_ =	swait.ge [sflag:s29], $0x2000  }
.Ltmp28:
0x254: {  	[sflag:s29] =	ssyncset.done $0x0;
	(pc) =	sbr.rel @p0 .LBB2_55-.Ltmp28, $4  }
0x255: {  	s31 =	rddreg [dreg:$0xa];
	[sflag:s29] =	ssyncadd.s32 $0xFFFFE000  }
0x256: {  	_ =	swait.ge [sflag:s31], $0x2000  }
0x257: {  	[sflag:s31] =	ssyncset.done $0x0  }
0x258: {  	[sflag:s31] =	ssyncadd.s32 $0xFFFFE000  }
0x259: {  	s2 =	ssub.s32 s3, s9  }
0x25a: {  	p4 =	slt.s32 s2, $0x1  }
.Ltmp29:
0x25b: {  	_ = 	snop;
	(pc) =	sbr.rel @p4 .LBB2_42-.Ltmp29, $1  }
0x25c: {  	_ =	sdelay $0x3  }
0x25d: {  	s0 =	smov.u32 @p3 s10  }
0x25e: {  	s2 =	sshll.u32 s0, $0x9  }
0x25f: {  	s5 =	sshra.s32 s2, $0x2;
	s2 =	sadd.s32 $0x1, s0  }
0x260: {  	p3 =	sne.s32 s3, s2  }
.Ltmp30:
0x261: {  	_ = 	snop;
	(pc) =	sbr.rel @!p3 .LBB2_41-.Ltmp30, $4  }
0x262: {  	_ = 	snop  }
0x263: {  	s10 =	sand.u32 $0x1, s0  }
0x264: {  	s31 =	sshll.u32 s10, $0xE;
	s0 =	sadd.s32 $0xB600, s5  }
0x265: {  	s10 =	sadd.s32 $0x1, s10;
	s9 =	sor.u32 $0x13700, s31;
	s5 =	sadd.s32 $0x80, s0  }
.LBB2_40:
0x266: {  	[tilespmem:s9], [sflag:s10] =	stream.indirect.gather [hbm4b:s4+s25], $0x80, s0, s25, $0xb8;
	[tilespmem:$0x1F480] =	vst v63  }
0x267: {  	s9 =	smov.u32 s2;
	s2 =	sadd.s32 $0x1, s2  }
0x268: {  	p3 =	sne.s32 s3, s2  }
.Ltmp31:
0x269: {  	(pc) =	sbr.rel @p3 .LBB2_40-.Ltmp31, $4  }
0x26a: {  	s0 =	smov.u32 s5  }
0x26b: {  	s10 =	sand.u32 $0x1, s9  }
0x26c: {  	s9 =	sshll.u32 s10, $0xE  }
0x26d: {  	s5 =	sadd.s32 $0x80, s5;
	s10 =	sadd.s32 $0x1, s10;
	s9 =	sor.u32 $0x13700, s9  }
.LBB2_41:
0x26e: {  	[tilespmem:s9], [sflag:s10] =	stream.indirect.gather [hbm4b:s4+s25], $0x80, s0, s25, $0xb8;
	[tilespmem:$0x1F480] =	vst v63  }
.LBB2_42:
0x26f: {  	s0 =	ssub.s32 s3, s30  }
0x270: {  	p3 =	slt.s32 s0, $0x1  }
.Ltmp32:
0x271: {  	_ = 	snop;
	(pc) =	sbr.rel @p3 .LBB2_46-.Ltmp32, $2  }
0x272: {  	_ =	sdelay $0x2  }
0x273: {  	s23 =	simm.s32 $0x0  }
0x274: {  	p1 =	por !p2, !p1  }
0x275: {  	s0 =	simm.s32 $0x1;
	p1 =	por !p1, !p1  }
0x276: {  	s0 =	simm.s32 @!p1 $0x0  }
0x277: {  	s0 =	ssub.s32 s13, s0  }
0x278: {  	s2 =	smov.u32 s3;
	p1 =	slt.s32 s0, s3  }
0x279: {  	s2 =	smov.u32 @p1 s0  }
0x27a: {  	p1 =	sgt.s32 s6, s2  }
0x27b: {  	s2 =	smov.u32 @p1 s6  }
0x27c: {  	s0 =	sadd.s32 $0x1, s2  }
0x27d: {  	p1 =	sne.s32 s3, s0  }
.Ltmp33:
0x27e: {  	_ = 	snop;
	(pc) =	sbr.rel @!p1 .LBB2_45-.Ltmp33, $4  }
0x27f: {  	s5 =	sand.u32 $0x1, s2  }
0x280: {  	s2 =	sadd.s32 $0x1, s5  }
0x281: {  	_ =	swait.ge [sflag:s2], $0x4000  }
0x282: {  	[sflag:s2] =	ssyncset.done $0x0  }
.LBB2_44:
0x283: {  	[sflag:s2] =	ssyncadd.s32 $0xFFFFC000;
	s2 =	smov.u32 s0;
	s0 =	sadd.s32 $0x1, s0  }
0x284: {  	p1 =	sne.s32 s3, s0  }
.Ltmp34:
0x285: {  	(pc) =	sbr.rel @p1 .LBB2_44-.Ltmp34, $4  }
0x286: {  	s2 =	sand.u32 $0x1, s2  }
0x287: {  	s2 =	sadd.s32 $0x1, s2  }
0x288: {  	_ =	swait.ge [sflag:s2], $0x4000  }
0x289: {  	[sflag:s2] =	ssyncset.done $0x0  }
.LBB2_45:
0x28a: {  	[sflag:s2] =	ssyncadd.s32 $0xFFFFC000  }
.LBB2_46:
0x28b: {  	v30 =	vld [tilespmem:$0x8F00];
	_ =	sdelay $0x4  }
0x28c: {  	vm0 =	vgt.s32 v30, $0x0  }
0x28d: {  	v30 =	vsel vm0, $0x1, v3  }
0x28e: {  	(xrf0) =	vadd.scan.msk.s32 $0xffff, v30;
	_ =	sdelay $0x5  }
0x28f: {  	v30, _, _ =	vpop (xrf0)  }
0x290: {  	v31 =	vadd.s32 $0xFFFFFFFF, v30;
	_ =	sdelay $0x4  }
0x291: {  	[tilespmem:v31+s24+$0x0] =	vst.idx.msk vm0, v2  }
0x292: {  	v31 =	vld [tilespmem:$0x8F10];
	_ =	sdelay $0x4  }
0x293: {  	v30 =	vxor.u32 $0x80000000, v30;
	vm15 =	vgt.s32 v31, $0x0  }
0x294: {  	(xrf0) =	vmax.scan.msk.u32 $0xffff, v30;
	v30 =	vsel vm15, $0x1, v3  }
0x295: {  	(xrf0) =	vadd.scan.msk.s32 $0xffff, v30;
	_ =	sdelay $0x4  }
0x296: {  	v30, _, _ =	vpop (xrf0)  }
0x297: {  	(v2sf) =	vpush v30, $0xF;
	v30, _, _ =	vpop (xrf0)  }
0x298: {  	v31 =	vxor.u32 $0x80000000, v30  }
0x299: {  	(xrf0) =	vmax.scan.msk.u32 $0xffff, v31;
	_ =	sdelay $0x5  }
0x29a: {  	v31, _, _ =	vpop (xrf0)  }
0x29b: {  	(v2sf) =	vpush v31, $0xF;
	_ =	sdelay $0x7  }
0x29c: {  	s0 =	spop (v2sf)  }
0x29d: {  	s0 =	sxor.u32 $0x80000000, s0  }
0x29e: {  	v31 =	vmov s0  }
0x29f: {  	v31 =	vadd.s32 $0xFFFFFFFF, v31  }
0x2a0: {  	v31 =	vbroadcast v31, $0x0;
	_ =	sdelay $0x1  }
0x2a1: {  	v30 =	vadd.s32 v30, v31  }
0x2a2: {  	s2 =	spop (v2sf)  }
0x2a3: {  	s0 =	sadd.s32 s2, s0  }
0x2a4: {  	s0 =	sadd.s32 $0x80000000, s0  }
0x2a5: {  	p1 =	slt.s32 s0, $0x1  }
.Ltmp35:
0x2a6: {  	s31 =	rddreg [dreg:$0x5];
	[tilespmem:v30+s24+$0x0] =	vst.idx.msk vm15, v19;
	(pc) =	sbr.rel @p1 .LBB2_54-.Ltmp35, $4  }
0x2a7: {  	[tilespmem:s28], [sflag:$0x9] =	stream.linear.gather [hbm4b:s31+s23], $0x1000, $0x38;
	[tilespmem:$0x1F480] =	vst v63  }
0x2a8: {  	_ =	swait.ge [sflag:s19], $0x1000  }
0x2a9: {  	[sflag:s19] =	ssyncset.done $0x0  }
0x2aa: {  	[sflag:s19] =	ssyncadd.s32 $0xFFFFF000  }
0x2ab: {  	p2 =	sne.s32 s0, $0x1  }
.Ltmp36:
0x2ac: {  	_ = 	snop;
	(pc) =	sbr.rel @!p2 .LBB2_48-.Ltmp36, $4  }
0x2ad: {  	_ = 	snop  }
0x2ae: {  	s2 =	sadd.s32 $0x0, s17  }
0x2af: {  	v31 =	vmov s2  }
0x2b0: {  	s3 =	simm.s32 $0x0;
	p1 =	por $0x0, $0x0;
	s2 =	simm.s32 $0x1;
	v30 =	vshll.u32 v31, $0x7  }
0x2b1: {  	_ =	sdelay $0x3  }
0x2b2: {  	v31 =	vld.idx.msk [tilespmem:v31+s21+$0x0], $0xffff;
	_ =	sdelay $0x1  }
0x2b3: {  	v32 =	vmov s3;
	_ =	sdelay $0x2  }
0x2b4: {  	v33 =	vadd.s32 v2, v31  }
0x2b5: {  	v30 =	vand.u32 $0x7F80, v30;
	v34 =	vand.u32 $0xFFFFFF80, v33  }
0x2b6: {  	v32 =	vld.idx.msk [tilespmem:v32+s24+$0x0], $0xffff;
	v33 =	vand.u32 $0x7F, v33;
	v34 =	vadd.s32 v30, v34  }
0x2b7: {  	v33 =	vor.u32 v33, v34;
	_ =	sdelay $0x2  }
0x2b8: {  	v56 =	vadd.s32 v19, v31  }
0x2b9: {  	v35 =	vand.u32 $0xFFFFFF80, v56;
	v36 =	vshll.u32 v32, $0x7  }
0x2ba: {  	v57 =	vadd.s32 v30, v35;
	v34 =	vand.u32 $0x7F, v56;
	v58 =	vor.u32 v2, v36;
	v33 =	vld.idx.msk [tilespmem:v33+s26+$0x0], $0xffff  }
0x2bb: {  	v32 =	vor.u32 v34, v57;
	_ =	sdelay $0x2  }
0x2bc: {  	v59 =	vadd.s32 v20, v31  }
0x2bd: {  	v37 =	vand.u32 $0xFFFFFF80, v59;
	[tilespmem:v58+s28+$0x0] =	vst.idx.msk $0xffff, v33  }
0x2be: {  	v60 =	vadd.s32 v30, v37;
	v34 =	vand.u32 $0x7F, v59;
	v61 =	vor.u32 v19, v36;
	v32 =	vld.idx.msk [tilespmem:v32+s26+$0x0], $0xffff  }
0x2bf: {  	v33 =	vor.u32 v34, v60;
	_ =	sdelay $0x2  }
0x2c0: {  	v31 =	vadd.s32 v21, v31  }
0x2c1: {  	v62 =	vand.u32 $0xFFFFFF80, v31;
	[tilespmem:v61+s28+$0x0] =	vst.idx.msk $0xffff, v32  }
0x2c2: {  	v31 =	vand.u32 $0x7F, v31;
	v30 =	vadd.s32 v30, v62;
	v63 =	vor.u32 v20, v36;
	v32 =	vld.idx.msk [tilespmem:v33+s26+$0x0], $0xffff  }
0x2c3: {  	v30 =	vor.u32 v31, v30;
	_ =	sdelay $0x1  }
0x2c4: {  	p2 =	sne.s32 s0, $0x2  }
.Ltmp37:
0x2c5: {  	_ = 	snop;
	(pc) =	sbr.rel @!p2 .LBB2_50-.Ltmp37, $4  }
0x2c6: {  	[tilespmem:v63+s28+$0x0] =	vst.idx.msk $0xffff, v32  }
0x2c7: {  	s31 =	sadd.s32 $0x1, s17;
	v33 =	vor.u32 v21, v36;
	v32 =	vld.idx.msk [tilespmem:v30+s26+$0x0], $0xffff  }
0x2c8: {  	v31 =	vmov s31  }
0x2c9: {  	s3 =	simm.s32 $0x2;
	p1 =	por $0x1, $0x1;
	v30 =	vshll.u32 v31, $0x7  }
.LBB2_51:
0x2ca: {  	_ =	sdelay $0x1  }
0x2cb: {  	s5 =	smov.u32 s3;
	s3 =	sadd.s32 $0x1, s3;
	[tilespmem:v33+s28+$0x0] =	vst.idx.msk $0xffff, v32  }
0x2cc: {  	p2 =	sne.s32 s0, s3;
	v31 =	vld.idx.msk [tilespmem:v31+s21+$0x0], $0xffff;
	_ =	sdelay $0x2  }
0x2cd: {  	v32 =	vmov s2;
	s2 =	smov.u32 s5;
	_ =	sdelay $0x2  }
0x2ce: {  	v33 =	vadd.s32 v2, v31;
	v34 =	vadd.s32 v19, v31;
	v35 =	vadd.s32 v20, v31  }
0x2cf: {  	v30 =	vand.u32 $0x7F80, v30;
	v36 =	vand.u32 $0xFFFFFF80, v33;
	v37 =	vand.u32 $0xFFFFFF80, v34  }
0x2d0: {  	v33 =	vand.u32 $0x7F, v33;
	v36 =	vadd.s32 v30, v36;
	v37 =	vadd.s32 v30, v37;
	v32 =	vld.idx.msk [tilespmem:v32+s24+$0x0], $0xffff  }
0x2d1: {  	v31 =	vadd.s32 v21, v31;
	v33 =	vor.u32 v33, v36;
	v36 =	vand.u32 $0xFFFFFF80, v35  }
0x2d2: {  	v38 =	vand.u32 $0xFFFFFF80, v31;
	v36 =	vadd.s32 v30, v36  }
0x2d3: {  	v30 =	vadd.s32 v30, v38;
	_ =	sdelay $0x2  }
0x2d4: {  	v38 =	vshll.u32 v32, $0x7;
	v33 =	vld.idx.msk [tilespmem:v33+s26+$0x0], $0xffff  }
0x2d5: {  	v34 =	vand.u32 $0x7F, v34;
	v32 =	vor.u32 v2, v38  }
0x2d6: {  	v34 =	vor.u32 v34, v37;
	_ =	sdelay $0x3  }
0x2d7: {  	[tilespmem:v32+s28+$0x0] =	vst.idx.msk $0xffff, v33  }
0x2d8: {  	v32 =	vld.idx.msk [tilespmem:v34+s26+$0x0], $0xffff  }
0x2d9: {  	v33 =	vor.u32 v19, v38;
	v34 =	vand.u32 $0x7F, v35  }
0x2da: {  	v34 =	vor.u32 v34, v36;
	_ =	sdelay $0x3  }
0x2db: {  	[tilespmem:v33+s28+$0x0] =	vst.idx.msk $0xffff, v32  }
0x2dc: {  	v32 =	vld.idx.msk [tilespmem:v34+s26+$0x0], $0xffff  }
0x2dd: {  	v31 =	vand.u32 $0x7F, v31;
	v33 =	vor.u32 v20, v38  }
0x2de: {  	v30 =	vor.u32 v31, v30;
	_ =	sdelay $0x3  }
.Ltmp38:
0x2df: {  	[tilespmem:v33+s28+$0x0] =	vst.idx.msk $0xffff, v32;
	(pc) =	sbr.rel @p2 .LBB2_51-.Ltmp38, $4  }
0x2e0: {  	v32 =	vld.idx.msk [tilespmem:v30+s26+$0x0], $0xffff  }
0x2e1: {  	s5 =	sadd.s32 s17, s2;
	v33 =	vor.u32 v21, v38  }
0x2e2: {  	v31 =	vmov s5  }
0x2e3: {  	v30 =	vshll.u32 v31, $0x7  }
.Ltmp39:
0x2e4: {  	(pc) =	sbr.rel .LBB2_53-.Ltmp39, $2  }
0x2e5: {  	_ =	sdelay $0x2  }
0x2e6: {  	s3 =	smov.u32 s2  }
.LBB2_55:
0x2e7: {  	s2 =	ssub.s32 s9, s30  }
0x2e8: {  	p4 =	slt.s32 s2, $0x1  }
.Ltmp40:
0x2e9: {  	_ = 	snop;
	(pc) =	sbr.rel @p4 .LBB2_59-.Ltmp40, $2  }
0x2ea: {  	_ =	sdelay $0x2  }
0x2eb: {  	s23 =	simm.s32 $0x0;
	s2 =	rddreg [dreg:$0xc]  }
0x2ec: {  	p1 =	por !p2, !p1  }
0x2ed: {  	s2 =	simm.s32 $0x1;
	p1 =	por !p1, !p1  }
0x2ee: {  	s2 =	simm.s32 @!p1 $0x0  }
0x2ef: {  	s2 =	ssub.s32 s13, s2  }
0x2f0: {  	p1 =	slt.s32 s2, s3  }
0x2f1: {  	s3 =	smov.u32 @p1 s2  }
0x2f2: {  	p1 =	sgt.s32 s6, s3  }
0x2f3: {  	s3 =	smov.u32 @p1 s6  }
0x2f4: {  	s0 =	smov.u32 @p3 s10;
	s2 =	sadd.s32 $0x1, s3  }
0x2f5: {  	p1 =	sne.s32 s0, s2  }
.Ltmp41:
0x2f6: {  	_ = 	snop;
	(pc) =	sbr.rel @!p1 .LBB2_58-.Ltmp41, $4  }
0x2f7: {  	s5 =	sand.u32 $0x1, s3  }
0x2f8: {  	s3 =	sadd.s32 $0x1, s5  }
0x2f9: {  	_ =	swait.ge [sflag:s3], $0x4000  }
0x2fa: {  	[sflag:s3] =	ssyncset.done $0x0  }
.LBB2_57:
0x2fb: {  	[sflag:s3] =	ssyncadd.s32 $0xFFFFC000;
	s3 =	smov.u32 s2;
	s2 =	sadd.s32 $0x1, s2  }
0x2fc: {  	p1 =	sne.s32 s0, s2  }
.Ltmp42:
0x2fd: {  	(pc) =	sbr.rel @p1 .LBB2_57-.Ltmp42, $4  }
0x2fe: {  	s3 =	sand.u32 $0x1, s3  }
0x2ff: {  	s3 =	sadd.s32 $0x1, s3  }
0x300: {  	_ =	swait.ge [sflag:s3], $0x4000  }
0x301: {  	[sflag:s3] =	ssyncset.done $0x0  }
.LBB2_58:
.Ltmp43:
0x302: {  	(pc) =	sbr.rel .LBB2_59-.Ltmp43, $2  }
0x303: {  	_ =	sdelay $0x2  }
0x304: {  	[sflag:s3] =	ssyncadd.s32 $0xFFFFC000;
	s2 =	rddreg [dreg:$0xc]  }
.LBB2_50:
.Ltmp44:
0x305: {  	(pc) =	sbr.rel .LBB2_53-.Ltmp44, $2  }
0x306: {  	_ =	sdelay $0x2  }
0x307: {  	s3 =	simm.s32 $0x1  }
.LBB2_60:
0x308: {  	_ =	sfence.sel $0x180000  }
0x309: {  	[bflag:$0x0] =	sbarrier.arrive $0xFFFF  }
0x30a: {  	_ =	strace $0x90000047  }
0x30b: {  	s0 =	stileid.u32;
	[bflag:$0x2] =	sbarrier.arrive $0xFFFF  }
0x30c: {  	p0 =	sne.s32 s0, $0x0;
	s0 =	rddreg [dreg:$0x4]  }
0x30d: {  	s0 =	sadd.s32 @!p0 $0x100000, s0  }
0x30e: {  	[sflag:s0] =	ssyncadd.tile.s32 @!p0 $0x1;
	_ =	shalt  }
.Lfunc_end2:
_tile_overlayer_lowered:
.L_overlay_start_2:
0x30f: {  	(tag) =	ssettag $0x2  }
0x310: {  	s0 =	rddreg [dreg:$0x0];
	s2 =	stileid.u32  }
0x311: {  	s1 =	rddreg [dreg:$0x1];
	p0 =	sne.s32 s2, $0x0  }
0x312: {  	s3 =	rddreg [dreg:$0x2];
	[bflag:$0x3] =	sbarrier.arrive $0xFFFF;
	s2 =	simm.s32 @!p0 $0x1C09  }
0x313: {  	[timem:s3], [sflag:s2] =	dma.local @!p0 [hbm:s0], s1  }
0x314: {  	s0 =	simm.s32 @!p0 $0x9  }
0x315: {  	_ =	swait.ge @!p0 [sflag:s0], s1  }
0x316: {  	s1 =	ssub.s32 @!p0 $0x0, s1;
	[sflag:s0] =	ssyncset.done @!p0 $0x0  }
0x317: {  	[sflag:s0] =	ssyncadd.s32 @!p0 s1  }
0x318: {  	[bflag:$0x3] =	sbarrier.arrive $0xFFFF  }
0x319: {  	_ =	shalt  }

</sc_bundles>
